<compile_context>
chip_gen: v7x
topology: tpu7x:2x2x1
jax: 0.10.2.dev20260603
libtpu: 0.0.44.dev20260713+nightly
codegen_flags: <defaults>
</compile_context>

<pallas_src>
import functools
import math

import jax
import jax.numpy as jnp
from jax import lax
from jax.experimental import pallas as pl
from jax.experimental.pallas import tpu as pltpu
from jax.experimental.pallas import tpu_sc as plsc

_THRESH = float(math.log(1.0 / 0.7))
_MIN_KEPT = 131072
_NBINS = 1024
_INV_W = (_NBINS - 1) / _THRESH
_NW = 32
_ROWS = 256


def _ce_body(lg_ref, lb_ref, loss_ref):
    lab = lb_ref[0]
    se = jnp.zeros_like(lg_ref[0, 0])
    picked = jnp.zeros_like(se)
    for c in range(19):
        v = lg_ref[0, c]
        se = se + jnp.exp(v)
        picked = picked + jnp.where(lab == c, v, 0.0)
    loss_ref[0] = jnp.log(se) - picked


def _ce_loss(logits, labels, b0, nb):
    _, c, h, w = logits.shape
    return pl.pallas_call(
        _ce_body,
        grid=(nb, h // _ROWS),
        in_specs=[
            pl.BlockSpec((1, c, _ROWS, w), lambda i, r: (i + b0, 0, r, 0)),
            pl.BlockSpec((1, _ROWS, w), lambda i, r: (i + b0, r, 0)),
        ],
        out_specs=pl.BlockSpec((1, _ROWS, w), lambda i, r: (i, r, 0)),
        out_shape=jax.ShapeDtypeStruct((nb, h, w), jnp.float32),
    )(logits, labels)


def _sc_hist_body(per_w, loss_hbm, counts_hbm, sums_hbm, chunk_a, chunk_b,
                  cpriv, spriv, cred, sred, sem_a, sem_b):
    wid = lax.axis_index("s") * 2 + lax.axis_index("c")
    base = pl.multiple_of(wid * per_w, 8)
    half = per_w // 2
    cp_a = pltpu.async_copy(loss_hbm.at[pl.ds(base, half)], chunk_a, sem_a)
    cp_b = pltpu.async_copy(
        loss_hbm.at[pl.ds(base + half, half)], chunk_b, sem_b)

    zero = jnp.zeros((16,), jnp.float32)
    ones = jnp.full((16,), 1.0, jnp.float32)
    lane = lax.iota(jnp.int32, 16)

    @plsc.parallel_loop(0, _NBINS, unroll=16)
    def _(i):
        off = pl.multiple_of(i * 16, 16)
        cpriv[pl.ds(off, 16)] = zero
        spriv[pl.ds(off, 16)] = zero

    def hist_chunk(chunk_v):
        @plsc.parallel_loop(0, half // 16, unroll=32)
        def _(i):
            off = pl.multiple_of(i * 16, 16)
            v = chunk_v[pl.ds(off, 16)]
            bf = jnp.minimum(v * _INV_W, float(_NBINS - 1))
            bi = bf.astype(jnp.int32)
            addr = lax.shift_left(bi, 4) + lane
            plsc.addupdate_scatter(cpriv, [addr], ones)
            plsc.addupdate_scatter(spriv, [addr], v)

    cp_a.wait()
    hist_chunk(chunk_a)
    cp_b.wait()
    hist_chunk(chunk_b)

    diags = [lane * 16 + (lane ^ j) for j in range(16)]

    @plsc.parallel_loop(0, _NBINS // 16, unroll=4)
    def _(p):
        off = pl.multiple_of(p * 16, 16)
        base = off * 16
        acc_c = zero
        acc_s = zero
        for j in range(16):
            idx = base + diags[j]
            acc_c = acc_c + plsc.load_gather(cpriv, [idx])
            acc_s = acc_s + plsc.load_gather(spriv, [idx])
        cred[pl.ds(off, 16)] = acc_c
        sred[pl.ds(off, 16)] = acc_s

    pltpu.sync_copy(cred, counts_hbm.at[wid])
    pltpu.sync_copy(sred, sums_hbm.at[wid])


@functools.cache
def _sc_hist(n):
    per_w = n // _NW
    return pl.kernel(
        functools.partial(_sc_hist_body, per_w),
        mesh=plsc.VectorSubcoreMesh(core_axis_name="c", subcore_axis_name="s"),
        compiler_params=pltpu.CompilerParams(needs_layout_passes=False),
        out_type=[
            jax.ShapeDtypeStruct((_NW, _NBINS), jnp.float32),
            jax.ShapeDtypeStruct((_NW, _NBINS), jnp.float32),
        ],
        scratch_types=[
            pltpu.VMEM((per_w // 2,), jnp.float32),
            pltpu.VMEM((per_w // 2,), jnp.float32),
            pltpu.VMEM((_NBINS * 16,), jnp.float32),
            pltpu.VMEM((_NBINS * 16,), jnp.float32),
            pltpu.VMEM((_NBINS,), jnp.float32),
            pltpu.VMEM((_NBINS,), jnp.float32),
            pltpu.SemaphoreType.DMA,
            pltpu.SemaphoreType.DMA,
        ],
    )


def _lane_suffix(x, liota):
    for sh in (1, 2, 4, 8, 16, 32, 64):
        x = x + jnp.where(liota < 128 - sh, jnp.roll(x, -sh, axis=1), 0.0)
    return x


def _row_suffix_strict(tot, riota):
    x = jnp.where(riota < 7, jnp.roll(tot, -1, axis=0), 0.0)
    for sh in (1, 2, 4):
        x = x + jnp.where(riota < 8 - sh, jnp.roll(x, -sh, axis=0), 0.0)
    return x


def _fold(row):
    return jnp.concatenate([row[:, i * 128:(i + 1) * 128] for i in range(8)],
                           axis=0)


def _combine_body(c1_ref, s1_ref, out_ref):
    kf = jnp.float32(_MIN_KEPT)
    c = _fold(jnp.sum(c1_ref[...], axis=0, keepdims=True))
    s = _fold(jnp.sum(s1_ref[...], axis=0, keepdims=True))
    liota = lax.broadcasted_iota(jnp.int32, (8, 128), 1)
    riota = lax.broadcasted_iota(jnp.int32, (8, 128), 0)
    rs_c = _lane_suffix(c, liota)
    rs_s = _lane_suffix(s, liota)
    tot_c = jnp.broadcast_to(rs_c[:, 0:1], (8, 128))
    tot_s = jnp.broadcast_to(rs_s[:, 0:1], (8, 128))
    suf_c = rs_c + _row_suffix_strict(tot_c, riota)
    suf_s = rs_s + _row_suffix_strict(tot_s, riota)
    lin = riota * 128 + liota
    cut = jnp.max(jnp.where(suf_c >= kf, lin, -1))
    oneh = (lin == cut).astype(jnp.float32)
    c_cut = jnp.sum(oneh * c)
    s_cut = jnp.sum(oneh * s)
    sa_cut = jnp.sum(oneh * suf_c)
    ss_cut = jnp.sum(oneh * suf_s)
    above_c = sa_cut - c_cut
    above_s = ss_cut - s_cut
    r = kf - above_c
    mean_cut = s_cut / jnp.maximum(c_cut, 1.0)
    mean_topk = (above_s + r * mean_cut) / kf
    hard_h = (lin == (_NBINS - 1)).astype(jnp.float32)
    n_hard = jnp.sum(hard_h * c)
    sum_hard = jnp.sum(hard_h * s)
    mean_hard = sum_hard / jnp.maximum(n_hard, 1.0)
    res = jnp.where(n_hard >= kf, mean_hard, mean_topk)
    out_ref[...] = jnp.broadcast_to(res, (1, 1))


def _combine(c1, s1):
    return pl.pallas_call(
        _combine_body,
        out_shape=jax.ShapeDtypeStruct((1, 1), jnp.float32),
    )(c1, s1)


def kernel(logits, labels):
    labels = labels.astype(jnp.int32)
    loss = _ce_loss(logits, labels, 0, 4)
    c1, s1 = _sc_hist(loss.size)(loss.reshape(-1))
    return _combine(c1, s1)[0, 0]

# --- scband reference (transcript-rebuilt; emitter-appended) ---
"""Pipeline reference for scband-ohem-celoss-84095459655992 (READ-ONLY COPY).

The authoritative reference and input builder live on the scoring server;
editing this copy changes nothing except your own understanding.
"""

import jax, jax.numpy as jnp
import numpy as np

THRESH = float(np.log(1.0 / 0.7))
MIN_KEPT = 131072


def setup_inputs(seed: int = 0) -> dict:
    key = jax.random.key(seed)
    k1, k2 = jax.random.split(key)
    logits = jax.random.normal(k1, (4, 19, 512, 512), dtype=jnp.float32)
    labels = jax.random.randint(k2, (4, 512, 512), 0, 19)
    return {"logits": logits, "labels": labels}


def _ce_per_pixel(logits, labels):
    # logits: [B, C, H, W], labels: [B, H, W] -> per-pixel CE loss [B, H, W]
    lse = jax.scipy.special.logsumexp(logits, axis=1)
    picked = jnp.take_along_axis(logits, labels[:, None, :, :], axis=1)[:, 0]
    return lse - picked


def reference(logits, labels):
    # OHEM: keep losses > thresh; if fewer than min_kept, keep top-k (k=min(min_kept, N)).
    # Static-shape reformulation of the torch boolean-mask logic (mathematically identical).
    loss = _ce_per_pixel(logits, labels).reshape(-1)
    n = loss.shape[0]
    hard = loss > THRESH
    n_hard = jnp.sum(hard)
    denom = jnp.maximum(n_hard, 1).astype(loss.dtype)
    mean_hard = jnp.sum(jnp.where(hard, loss, 0.0)) / denom
    k = min(MIN_KEPT, n)
    topk_vals, _ = jax.lax.top_k(loss, k)
    mean_topk = jnp.mean(topk_vals)
    return jnp.where(n_hard >= MIN_KEPT, mean_hard, mean_topk)

if __name__ == "__main__":
    import jax
    _d = setup_inputs()
    print(jax.jit(kernel)(*tuple(_d.values())))

</pallas_src>

<mosaic_0001>
#map = affine_map<(d0, d1) -> (0)>
#map1 = affine_map<(d0, d1) -> (0, 0)>
module attributes {stable_mosaic.version = 14 : i64} {
  func.func @_sc_hist_body(%arg0: i32, %arg1: i32, %arg2: memref<1048576xf32, #tpu.memory_space<hbm>>, %arg3: memref<32x1024xf32, #tpu.memory_space<hbm>>, %arg4: memref<32x1024xf32, #tpu.memory_space<hbm>>, %arg5: memref<16384xf32, #tpu.memory_space<vmem>>, %arg6: memref<16384xf32, #tpu.memory_space<vmem>>, %arg7: memref<16384xf32, #tpu.memory_space<vmem>>, %arg8: memref<16384xf32, #tpu.memory_space<vmem>>, %arg9: memref<1024xf32, #tpu.memory_space<vmem>>, %arg10: memref<1024xf32, #tpu.memory_space<vmem>>, %arg11: memref<!tpu.dma_semaphore, #tpu.memory_space<semaphore_mem>>, %arg12: memref<!tpu.dma_semaphore, #tpu.memory_space<semaphore_mem>>) attributes {dimension_semantics = [#tpu.dimension_semantics<core_parallel>, #tpu.dimension_semantics<subcore_parallel>], iteration_bounds = array<i64: 2, 16>, scalar_prefetch = 0 : i64, scratch_operands = 8 : i64, tpu.core_type = #tpu.core_type<sc_vector_subcore>, window_params = [{transform_indices = #map}, {transform_indices = #map1}, {transform_indices = #map1}]} {
    %mul3A = arith.constant 2 : i32
    %mul3A_0 = arith.muli %arg1, %mul3A : i32
    %add3A = arith.addi %mul3A_0, %arg0 : i32
    %mul3A_1 = arith.constant 32768 : i32
    %mul3A_2 = arith.muli %add3A, %mul3A_1 : i32
    %multiple_of3A = tpu.assume_multiple %mul3A_2, 8 : i32
    %dma_start3A = tpu.memref_slice %arg2[%multiple_of3A] : memref<1048576xf32, #tpu.memory_space<hbm>> -> memref<16384xf32, #tpu.memory_space<hbm>>
    %dma_start3A_3 = tpu.memref_slice %arg2[%multiple_of3A] : memref<1048576xf32, #tpu.memory_space<hbm>> -> memref<16384xf32, #tpu.memory_space<hbm>>
    tpu.enqueue_dma source(%dma_start3A_3 : memref<16384xf32, #tpu.memory_space<hbm>>) target(%arg5 : memref<16384xf32, #tpu.memory_space<vmem>>) target_semaphore(%arg11 : memref<!tpu.dma_semaphore, #tpu.memory_space<semaphore_mem>>)
    %add3A_4 = arith.constant 16384 : i32
    %add3A_5 = arith.addi %multiple_of3A, %add3A_4 : i32
    %dma_start3A_6 = tpu.memref_slice %arg2[%add3A_5] : memref<1048576xf32, #tpu.memory_space<hbm>> -> memref<16384xf32, #tpu.memory_space<hbm>>
    %dma_start3A_7 = tpu.memref_slice %arg2[%add3A_5] : memref<1048576xf32, #tpu.memory_space<hbm>> -> memref<16384xf32, #tpu.memory_space<hbm>>
    tpu.enqueue_dma source(%dma_start3A_7 : memref<16384xf32, #tpu.memory_space<hbm>>) target(%arg6 : memref<16384xf32, #tpu.memory_space<vmem>>) target_semaphore(%arg12 : memref<!tpu.dma_semaphore, #tpu.memory_space<semaphore_mem>>)
    %broadcast_in_dim3A = arith.constant 0.000000e+00 : f32
    %broadcast_in_dim3A_8 = vector.broadcast %broadcast_in_dim3A : f32 to vector<16xf32>
    %broadcast_in_dim3A_9 = arith.constant 1.000000e+00 : f32
    %broadcast_in_dim3A_10 = vector.broadcast %broadcast_in_dim3A_9 : f32 to vector<16xf32>
    %iota3A = tpu.iota {dimensions = array<i32: 0>} : vector<16xi32>
    %parallel_loop3A = arith.constant 0 : i32
    %parallel_loop3A_11 = arith.constant 1024 : i32
    %parallel_loop3A_12 = arith.constant 1 : i32
    scf.for %parallel_loop3A_136 = %parallel_loop3A to %parallel_loop3A_11 step %parallel_loop3A_12  : i32 {
      %parallel_loop3A_137 = arith.constant 16 : i32
      %parallel_loop3A_138 = arith.muli %parallel_loop3A_136, %parallel_loop3A_137 : i32
      %parallel_loop3A_139 = tpu.assume_multiple %parallel_loop3A_138, 16 : i32
      %parallel_loop3A_140 = arith.index_cast %parallel_loop3A_139 : i32 to index
      %parallel_loop3A_141 = tpu.vector_load %arg7[%parallel_loop3A_140] {strides = array<i32>} : memref<16384xf32, #tpu.memory_space<vmem>>, vector<16xf32>,
      tpu.vector_store %arg7[%parallel_loop3A_140], %broadcast_in_dim3A_8 {strides = array<i32>} : memref<16384xf32, #tpu.memory_space<vmem>>, vector<16xf32>,
      %parallel_loop3A_142 = arith.index_cast %parallel_loop3A_139 : i32 to index
      %parallel_loop3A_143 = tpu.vector_load %arg8[%parallel_loop3A_142] {strides = array<i32>} : memref<16384xf32, #tpu.memory_space<vmem>>, vector<16xf32>,
      tpu.vector_store %arg8[%parallel_loop3A_142], %broadcast_in_dim3A_8 {strides = array<i32>} : memref<16384xf32, #tpu.memory_space<vmem>>, vector<16xf32>,
    } {sc.loop_unroll_factor = 16 : i64, sc.parallel_access}
    %dma_wait3A = tpu.memref_slice %arg2[%multiple_of3A] : memref<1048576xf32, #tpu.memory_space<hbm>> -> memref<16384xf32, #tpu.memory_space<hbm>>
    %dma_wait3A_13 = tpu.memref_slice %arg2[%multiple_of3A] : memref<1048576xf32, #tpu.memory_space<hbm>> -> memref<16384xf32, #tpu.memory_space<hbm>>
    tpu.wait_dma2 semaphore(%arg11 : memref<!tpu.dma_semaphore, #tpu.memory_space<semaphore_mem>>) src(%dma_wait3A_13 : memref<16384xf32, #tpu.memory_space<hbm>>) dst(%arg5 : memref<16384xf32, #tpu.memory_space<vmem>>)
    %parallel_loop3A_14 = arith.constant 0 : i32
    %parallel_loop3A_15 = arith.constant 1024 : i32
    %parallel_loop3A_16 = arith.constant 1 : i32
    scf.for %parallel_loop3A_136 = %parallel_loop3A_14 to %parallel_loop3A_15 step %parallel_loop3A_16  : i32 {
      %parallel_loop3A_137 = arith.constant 16 : i32
      %parallel_loop3A_138 = arith.muli %parallel_loop3A_136, %parallel_loop3A_137 : i32
      %parallel_loop3A_139 = tpu.assume_multiple %parallel_loop3A_138, 16 : i32
      %parallel_loop3A_140 = arith.index_cast %parallel_loop3A_139 : i32 to index
      %parallel_loop3A_141 = tpu.vector_load %arg5[%parallel_loop3A_140] {strides = array<i32>} : memref<16384xf32, #tpu.memory_space<vmem>>, vector<16xf32>,
      %parallel_loop3A_142 = arith.constant 2868.15771 : f32
      %parallel_loop3A_143 = vector.broadcast %parallel_loop3A_142 : f32 to vector<16xf32>
      %parallel_loop3A_144 = arith.mulf %parallel_loop3A_141, %parallel_loop3A_143 : vector<16xf32>
      %parallel_loop3A_145 = arith.constant 1.023000e+03 : f32
      %parallel_loop3A_146 = vector.broadcast %parallel_loop3A_145 : f32 to vector<16xf32>
      %parallel_loop3A_147 = arith.minimumf %parallel_loop3A_144, %parallel_loop3A_146 : vector<16xf32>
      %parallel_loop3A_148 = arith.fptosi %parallel_loop3A_147 : vector<16xf32> to vector<16xi32>
      %parallel_loop3A_149 = arith.constant 4 : i32
      %parallel_loop3A_150 = vector.broadcast %parallel_loop3A_149 : i32 to vector<16xi32>
      %parallel_loop3A_151 = arith.shli %parallel_loop3A_148, %parallel_loop3A_150 : vector<16xi32>
      %parallel_loop3A_152 = arith.addi %parallel_loop3A_151, %iota3A : vector<16xi32>
      tpu.vector_store_idx %arg7[%parallel_loop3A_152], %broadcast_in_dim3A_10 {add = true} : memref<16384xf32, #tpu.memory_space<vmem>>[vector<16xi32>], vector<16xf32>,
      tpu.vector_store_idx %arg8[%parallel_loop3A_152], %parallel_loop3A_141 {add = true} : memref<16384xf32, #tpu.memory_space<vmem>>[vector<16xi32>], vector<16xf32>,
    } {sc.loop_unroll_factor = 32 : i64, sc.parallel_access}
    %dma_wait3A_17 = tpu.memref_slice %arg2[%add3A_5] : memref<1048576xf32, #tpu.memory_space<hbm>> -> memref<16384xf32, #tpu.memory_space<hbm>>
    %dma_wait3A_18 = tpu.memref_slice %arg2[%add3A_5] : memref<1048576xf32, #tpu.memory_space<hbm>> -> memref<16384xf32, #tpu.memory_space<hbm>>
    tpu.wait_dma2 semaphore(%arg12 : memref<!tpu.dma_semaphore, #tpu.memory_space<semaphore_mem>>) src(%dma_wait3A_18 : memref<16384xf32, #tpu.memory_space<hbm>>) dst(%arg6 : memref<16384xf32, #tpu.memory_space<vmem>>)
    %parallel_loop3A_19 = arith.constant 0 : i32
    %parallel_loop3A_20 = arith.constant 1024 : i32
    %parallel_loop3A_21 = arith.constant 1 : i32
    scf.for %parallel_loop3A_136 = %parallel_loop3A_19 to %parallel_loop3A_20 step %parallel_loop3A_21  : i32 {
      %parallel_loop3A_137 = arith.constant 16 : i32
      %parallel_loop3A_138 = arith.muli %parallel_loop3A_136, %parallel_loop3A_137 : i32
      %parallel_loop3A_139 = tpu.assume_multiple %parallel_loop3A_138, 16 : i32
      %parallel_loop3A_140 = arith.index_cast %parallel_loop3A_139 : i32 to index
      %parallel_loop3A_141 = tpu.vector_load %arg6[%parallel_loop3A_140] {strides = array<i32>} : memref<16384xf32, #tpu.memory_space<vmem>>, vector<16xf32>,
      %parallel_loop3A_142 = arith.constant 2868.15771 : f32
      %parallel_loop3A_143 = vector.broadcast %parallel_loop3A_142 : f32 to vector<16xf32>
      %parallel_loop3A_144 = arith.mulf %parallel_loop3A_141, %parallel_loop3A_143 : vector<16xf32>
      %parallel_loop3A_145 = arith.constant 1.023000e+03 : f32
      %parallel_loop3A_146 = vector.broadcast %parallel_loop3A_145 : f32 to vector<16xf32>
      %parallel_loop3A_147 = arith.minimumf %parallel_loop3A_144, %parallel_loop3A_146 : vector<16xf32>
      %parallel_loop3A_148 = arith.fptosi %parallel_loop3A_147 : vector<16xf32> to vector<16xi32>
      %parallel_loop3A_149 = arith.constant 4 : i32
      %parallel_loop3A_150 = vector.broadcast %parallel_loop3A_149 : i32 to vector<16xi32>
      %parallel_loop3A_151 = arith.shli %parallel_loop3A_148, %parallel_loop3A_150 : vector<16xi32>
      %parallel_loop3A_152 = arith.addi %parallel_loop3A_151, %iota3A : vector<16xi32>
      tpu.vector_store_idx %arg7[%parallel_loop3A_152], %broadcast_in_dim3A_10 {add = true} : memref<16384xf32, #tpu.memory_space<vmem>>[vector<16xi32>], vector<16xf32>,
      tpu.vector_store_idx %arg8[%parallel_loop3A_152], %parallel_loop3A_141 {add = true} : memref<16384xf32, #tpu.memory_space<vmem>>[vector<16xi32>], vector<16xf32>,
    } {sc.loop_unroll_factor = 32 : i64, sc.parallel_access}
    %mul3A_22 = arith.constant 16 : i32
    %mul3A_23 = vector.broadcast %mul3A_22 : i32 to vector<16xi32>
    %mul3A_24 = arith.muli %iota3A, %mul3A_23 : vector<16xi32>
    %xor3A = arith.constant 0 : i32
    %xor3A_25 = vector.broadcast %xor3A : i32 to vector<16xi32>
    %xor3A_26 = arith.xori %iota3A, %xor3A_25 : vector<16xi32>
    %add3A_27 = arith.addi %mul3A_24, %xor3A_26 : vector<16xi32>
    %mul3A_28 = arith.constant 16 : i32
    %mul3A_29 = vector.broadcast %mul3A_28 : i32 to vector<16xi32>
    %mul3A_30 = arith.muli %iota3A, %mul3A_29 : vector<16xi32>
    %xor3A_31 = arith.constant 1 : i32
    %xor3A_32 = vector.broadcast %xor3A_31 : i32 to vector<16xi32>
    %xor3A_33 = arith.xori %iota3A, %xor3A_32 : vector<16xi32>
    %add3A_34 = arith.addi %mul3A_30, %xor3A_33 : vector<16xi32>
    %mul3A_35 = arith.constant 16 : i32
    %mul3A_36 = vector.broadcast %mul3A_35 : i32 to vector<16xi32>
    %mul3A_37 = arith.muli %iota3A, %mul3A_36 : vector<16xi32>
    %xor3A_38 = arith.constant 2 : i32
    %xor3A_39 = vector.broadcast %xor3A_38 : i32 to vector<16xi32>
    %xor3A_40 = arith.xori %iota3A, %xor3A_39 : vector<16xi32>
    %add3A_41 = arith.addi %mul3A_37, %xor3A_40 : vector<16xi32>
    %mul3A_42 = arith.constant 16 : i32
    %mul3A_43 = vector.broadcast %mul3A_42 : i32 to vector<16xi32>
    %mul3A_44 = arith.muli %iota3A, %mul3A_43 : vector<16xi32>
    %xor3A_45 = arith.constant 3 : i32
    %xor3A_46 = vector.broadcast %xor3A_45 : i32 to vector<16xi32>
    %xor3A_47 = arith.xori %iota3A, %xor3A_46 : vector<16xi32>
    %add3A_48 = arith.addi %mul3A_44, %xor3A_47 : vector<16xi32>
    %mul3A_49 = arith.constant 16 : i32
    %mul3A_50 = vector.broadcast %mul3A_49 : i32 to vector<16xi32>
    %mul3A_51 = arith.muli %iota3A, %mul3A_50 : vector<16xi32>
    %xor3A_52 = arith.constant 4 : i32
    %xor3A_53 = vector.broadcast %xor3A_52 : i32 to vector<16xi32>
    %xor3A_54 = arith.xori %iota3A, %xor3A_53 : vector<16xi32>
    %add3A_55 = arith.addi %mul3A_51, %xor3A_54 : vector<16xi32>
    %mul3A_56 = arith.constant 16 : i32
    %mul3A_57 = vector.broadcast %mul3A_56 : i32 to vector<16xi32>
    %mul3A_58 = arith.muli %iota3A, %mul3A_57 : vector<16xi32>
    %xor3A_59 = arith.constant 5 : i32
    %xor3A_60 = vector.broadcast %xor3A_59 : i32 to vector<16xi32>
    %xor3A_61 = arith.xori %iota3A, %xor3A_60 : vector<16xi32>
    %add3A_62 = arith.addi %mul3A_58, %xor3A_61 : vector<16xi32>
    %mul3A_63 = arith.constant 16 : i32
    %mul3A_64 = vector.broadcast %mul3A_63 : i32 to vector<16xi32>
    %mul3A_65 = arith.muli %iota3A, %mul3A_64 : vector<16xi32>
    %xor3A_66 = arith.constant 6 : i32
    %xor3A_67 = vector.broadcast %xor3A_66 : i32 to vector<16xi32>
    %xor3A_68 = arith.xori %iota3A, %xor3A_67 : vector<16xi32>
    %add3A_69 = arith.addi %mul3A_65, %xor3A_68 : vector<16xi32>
    %mul3A_70 = arith.constant 16 : i32
    %mul3A_71 = vector.broadcast %mul3A_70 : i32 to vector<16xi32>
    %mul3A_72 = arith.muli %iota3A, %mul3A_71 : vector<16xi32>
    %xor3A_73 = arith.constant 7 : i32
    %xor3A_74 = vector.broadcast %xor3A_73 : i32 to vector<16xi32>
    %xor3A_75 = arith.xori %iota3A, %xor3A_74 : vector<16xi32>
    %add3A_76 = arith.addi %mul3A_72, %xor3A_75 : vector<16xi32>
    %mul3A_77 = arith.constant 16 : i32
    %mul3A_78 = vector.broadcast %mul3A_77 : i32 to vector<16xi32>
    %mul3A_79 = arith.muli %iota3A, %mul3A_78 : vector<16xi32>
    %xor3A_80 = arith.constant 8 : i32
    %xor3A_81 = vector.broadcast %xor3A_80 : i32 to vector<16xi32>
    %xor3A_82 = arith.xori %iota3A, %xor3A_81 : vector<16xi32>
    %add3A_83 = arith.addi %mul3A_79, %xor3A_82 : vector<16xi32>
    %mul3A_84 = arith.constant 16 : i32
    %mul3A_85 = vector.broadcast %mul3A_84 : i32 to vector<16xi32>
    %mul3A_86 = arith.muli %iota3A, %mul3A_85 : vector<16xi32>
    %xor3A_87 = arith.constant 9 : i32
    %xor3A_88 = vector.broadcast %xor3A_87 : i32 to vector<16xi32>
    %xor3A_89 = arith.xori %iota3A, %xor3A_88 : vector<16xi32>
    %add3A_90 = arith.addi %mul3A_86, %xor3A_89 : vector<16xi32>
    %mul3A_91 = arith.constant 16 : i32
    %mul3A_92 = vector.broadcast %mul3A_91 : i32 to vector<16xi32>
    %mul3A_93 = arith.muli %iota3A, %mul3A_92 : vector<16xi32>
    %xor3A_94 = arith.constant 10 : i32
    %xor3A_95 = vector.broadcast %xor3A_94 : i32 to vector<16xi32>
    %xor3A_96 = arith.xori %iota3A, %xor3A_95 : vector<16xi32>
    %add3A_97 = arith.addi %mul3A_93, %xor3A_96 : vector<16xi32>
    %mul3A_98 = arith.constant 16 : i32
    %mul3A_99 = vector.broadcast %mul3A_98 : i32 to vector<16xi32>
    %mul3A_100 = arith.muli %iota3A, %mul3A_99 : vector<16xi32>
    %xor3A_101 = arith.constant 11 : i32
    %xor3A_102 = vector.broadcast %xor3A_101 : i32 to vector<16xi32>
    %xor3A_103 = arith.xori %iota3A, %xor3A_102 : vector<16xi32>
    %add3A_104 = arith.addi %mul3A_100, %xor3A_103 : vector<16xi32>
    %mul3A_105 = arith.constant 16 : i32
    %mul3A_106 = vector.broadcast %mul3A_105 : i32 to vector<16xi32>
    %mul3A_107 = arith.muli %iota3A, %mul3A_106 : vector<16xi32>
    %xor3A_108 = arith.constant 12 : i32
    %xor3A_109 = vector.broadcast %xor3A_108 : i32 to vector<16xi32>
    %xor3A_110 = arith.xori %iota3A, %xor3A_109 : vector<16xi32>
    %add3A_111 = arith.addi %mul3A_107, %xor3A_110 : vector<16xi32>
    %mul3A_112 = arith.constant 16 : i32
    %mul3A_113 = vector.broadcast %mul3A_112 : i32 to vector<16xi32>
    %mul3A_114 = arith.muli %iota3A, %mul3A_113 : vector<16xi32>
    %xor3A_115 = arith.constant 13 : i32
    %xor3A_116 = vector.broadcast %xor3A_115 : i32 to vector<16xi32>
    %xor3A_117 = arith.xori %iota3A, %xor3A_116 : vector<16xi32>
    %add3A_118 = arith.addi %mul3A_114, %xor3A_117 : vector<16xi32>
    %mul3A_119 = arith.constant 16 : i32
    %mul3A_120 = vector.broadcast %mul3A_119 : i32 to vector<16xi32>
    %mul3A_121 = arith.muli %iota3A, %mul3A_120 : vector<16xi32>
    %xor3A_122 = arith.constant 14 : i32
    %xor3A_123 = vector.broadcast %xor3A_122 : i32 to vector<16xi32>
    %xor3A_124 = arith.xori %iota3A, %xor3A_123 : vector<16xi32>
    %add3A_125 = arith.addi %mul3A_121, %xor3A_124 : vector<16xi32>
    %mul3A_126 = arith.constant 16 : i32
    %mul3A_127 = vector.broadcast %mul3A_126 : i32 to vector<16xi32>
    %mul3A_128 = arith.muli %iota3A, %mul3A_127 : vector<16xi32>
    %xor3A_129 = arith.constant 15 : i32
    %xor3A_130 = vector.broadcast %xor3A_129 : i32 to vector<16xi32>
    %xor3A_131 = arith.xori %iota3A, %xor3A_130 : vector<16xi32>
    %add3A_132 = arith.addi %mul3A_128, %xor3A_131 : vector<16xi32>
    %parallel_loop3A_133 = arith.constant 0 : i32
    %parallel_loop3A_134 = arith.constant 64 : i32
    %parallel_loop3A_135 = arith.constant 1 : i32
    scf.for %parallel_loop3A_136 = %parallel_loop3A_133 to %parallel_loop3A_134 step %parallel_loop3A_135  : i32 {
      %parallel_loop3A_137 = arith.constant 16 : i32
      %parallel_loop3A_138 = arith.muli %parallel_loop3A_136, %parallel_loop3A_137 : i32
      %parallel_loop3A_139 = tpu.assume_multiple %parallel_loop3A_138, 16 : i32
      %parallel_loop3A_140 = arith.constant 16 : i32
      %parallel_loop3A_141 = arith.muli %parallel_loop3A_139, %parallel_loop3A_140 : i32
      %parallel_loop3A_142 = vector.broadcast %parallel_loop3A_141 : i32 to vector<16xi32>
      %parallel_loop3A_143 = arith.addi %parallel_loop3A_142, %add3A_27 : vector<16xi32>
      %parallel_loop3A_144 = tpu.vector_load_idx %arg7[%parallel_loop3A_143] : memref<16384xf32, #tpu.memory_space<vmem>>[vector<16xi32>], vector<16xf32>,
      %parallel_loop3A_145 = arith.addf %broadcast_in_dim3A_8, %parallel_loop3A_144 : vector<16xf32>
      %parallel_loop3A_146 = tpu.vector_load_idx %arg8[%parallel_loop3A_143] : memref<16384xf32, #tpu.memory_space<vmem>>[vector<16xi32>], vector<16xf32>,
      %parallel_loop3A_147 = arith.addf %broadcast_in_dim3A_8, %parallel_loop3A_146 : vector<16xf32>
      %parallel_loop3A_148 = vector.broadcast %parallel_loop3A_141 : i32 to vector<16xi32>
      %parallel_loop3A_149 = arith.addi %parallel_loop3A_148, %add3A_34 : vector<16xi32>
      %parallel_loop3A_150 = tpu.vector_load_idx %arg7[%parallel_loop3A_149] : memref<16384xf32, #tpu.memory_space<vmem>>[vector<16xi32>], vector<16xf32>,
      %parallel_loop3A_151 = arith.addf %parallel_loop3A_145, %parallel_loop3A_150 : vector<16xf32>
      %parallel_loop3A_152 = tpu.vector_load_idx %arg8[%parallel_loop3A_149] : memref<16384xf32, #tpu.memory_space<vmem>>[vector<16xi32>], vector<16xf32>,
      %parallel_loop3A_153 = arith.addf %parallel_loop3A_147, %parallel_loop3A_152 : vector<16xf32>
      %parallel_loop3A_154 = vector.broadcast %parallel_loop3A_141 : i32 to vector<16xi32>
      %parallel_loop3A_155 = arith.addi %parallel_loop3A_154, %add3A_41 : vector<16xi32>
      %parallel_loop3A_156 = tpu.vector_load_idx %arg7[%parallel_loop3A_155] : memref<16384xf32, #tpu.memory_space<vmem>>[vector<16xi32>], vector<16xf32>,
      %parallel_loop3A_157 = arith.addf %parallel_loop3A_151, %parallel_loop3A_156 : vector<16xf32>
      %parallel_loop3A_158 = tpu.vector_load_idx %arg8[%parallel_loop3A_155] : memref<16384xf32, #tpu.memory_space<vmem>>[vector<16xi32>], vector<16xf32>,
      %parallel_loop3A_159 = arith.addf %parallel_loop3A_153, %parallel_loop3A_158 : vector<16xf32>
      %parallel_loop3A_160 = vector.broadcast %parallel_loop3A_141 : i32 to vector<16xi32>
      %parallel_loop3A_161 = arith.addi %parallel_loop3A_160, %add3A_48 : vector<16xi32>
      %parallel_loop3A_162 = tpu.vector_load_idx %arg7[%parallel_loop3A_161] : memref<16384xf32, #tpu.memory_space<vmem>>[vector<16xi32>], vector<16xf32>,
      %parallel_loop3A_163 = arith.addf %parallel_loop3A_157, %parallel_loop3A_162 : vector<16xf32>
      %parallel_loop3A_164 = tpu.vector_load_idx %arg8[%parallel_loop3A_161] : memref<16384xf32, #tpu.memory_space<vmem>>[vector<16xi32>], vector<16xf32>,
      %parallel_loop3A_165 = arith.addf %parallel_loop3A_159, %parallel_loop3A_164 : vector<16xf32>
      %parallel_loop3A_166 = vector.broadcast %parallel_loop3A_141 : i32 to vector<16xi32>
      %parallel_loop3A_167 = arith.addi %parallel_loop3A_166, %add3A_55 : vector<16xi32>
      %parallel_loop3A_168 = tpu.vector_load_idx %arg7[%parallel_loop3A_167] : memref<16384xf32, #tpu.memory_space<vmem>>[vector<16xi32>], vector<16xf32>,
      %parallel_loop3A_169 = arith.addf %parallel_loop3A_163, %parallel_loop3A_168 : vector<16xf32>
      %parallel_loop3A_170 = tpu.vector_load_idx %arg8[%parallel_loop3A_167] : memref<16384xf32, #tpu.memory_space<vmem>>[vector<16xi32>], vector<16xf32>,
      %parallel_loop3A_171 = arith.addf %parallel_loop3A_165, %parallel_loop3A_170 : vector<16xf32>
      %parallel_loop3A_172 = vector.broadcast %parallel_loop3A_141 : i32 to vector<16xi32>
      %parallel_loop3A_173 = arith.addi %parallel_loop3A_172, %add3A_62 : vector<16xi32>
      %parallel_loop3A_174 = tpu.vector_load_idx %arg7[%parallel_loop3A_173] : memref<16384xf32, #tpu.memory_space<vmem>>[vector<16xi32>], vector<16xf32>,
      %parallel_loop3A_175 = arith.addf %parallel_loop3A_169, %parallel_loop3A_174 : vector<16xf32>
      %parallel_loop3A_176 = tpu.vector_load_idx %arg8[%parallel_loop3A_173] : memref<16384xf32, #tpu.memory_space<vmem>>[vector<16xi32>], vector<16xf32>,
      %parallel_loop3A_177 = arith.addf %parallel_loop3A_171, %parallel_loop3A_176 : vector<16xf32>
      %parallel_loop3A_178 = vector.broadcast %parallel_loop3A_141 : i32 to vector<16xi32>
      %parallel_loop3A_179 = arith.addi %parallel_loop3A_178, %add3A_69 : vector<16xi32>
      %parallel_loop3A_180 = tpu.vector_load_idx %arg7[%parallel_loop3A_179] : memref<16384xf32, #tpu.memory_space<vmem>>[vector<16xi32>], vector<16xf32>,
      %parallel_loop3A_181 = arith.addf %parallel_loop3A_175, %parallel_loop3A_180 : vector<16xf32>
      %parallel_loop3A_182 = tpu.vector_load_idx %arg8[%parallel_loop3A_179] : memref<16384xf32, #tpu.memory_space<vmem>>[vector<16xi32>], vector<16xf32>,
      %parallel_loop3A_183 = arith.addf %parallel_loop3A_177, %parallel_loop3A_182 : vector<16xf32>
      %parallel_loop3A_184 = vector.broadcast %parallel_loop3A_141 : i32 to vector<16xi32>
      %parallel_loop3A_185 = arith.addi %parallel_loop3A_184, %add3A_76 : vector<16xi32>
      %parallel_loop3A_186 = tpu.vector_load_idx %arg7[%parallel_loop3A_185] : memref<16384xf32, #tpu.memory_space<vmem>>[vector<16xi32>], vector<16xf32>,
      %parallel_loop3A_187 = arith.addf %parallel_loop3A_181, %parallel_loop3A_186 : vector<16xf32>
      %parallel_loop3A_188 = tpu.vector_load_idx %arg8[%parallel_loop3A_185] : memref<16384xf32, #tpu.memory_space<vmem>>[vector<16xi32>], vector<16xf32>,
      %parallel_loop3A_189 = arith.addf %parallel_loop3A_183, %parallel_loop3A_188 : vector<16xf32>
      %parallel_loop3A_190 = vector.broadcast %parallel_loop3A_141 : i32 to vector<16xi32>
      %parallel_loop3A_191 = arith.addi %parallel_loop3A_190, %add3A_83 : vector<16xi32>
      %parallel_loop3A_192 = tpu.vector_load_idx %arg7[%parallel_loop3A_191] : memref<16384xf32, #tpu.memory_space<vmem>>[vector<16xi32>], vector<16xf32>,
      %parallel_loop3A_193 = arith.addf %parallel_loop3A_187, %parallel_loop3A_192 : vector<16xf32>
      %parallel_loop3A_194 = tpu.vector_load_idx %arg8[%parallel_loop3A_191] : memref<16384xf32, #tpu.memory_space<vmem>>[vector<16xi32>], vector<16xf32>,
      %parallel_loop3A_195 = arith.addf %parallel_loop3A_189, %parallel_loop3A_194 : vector<16xf32>
      %parallel_loop3A_196 = vector.broadcast %parallel_loop3A_141 : i32 to vector<16xi32>
      %parallel_loop3A_197 = arith.addi %parallel_loop3A_196, %add3A_90 : vector<16xi32>
      %parallel_loop3A_198 = tpu.vector_load_idx %arg7[%parallel_loop3A_197] : memref<16384xf32, #tpu.memory_space<vmem>>[vector<16xi32>], vector<16xf32>,
      %parallel_loop3A_199 = arith.addf %parallel_loop3A_193, %parallel_loop3A_198 : vector<16xf32>
      %parallel_loop3A_200 = tpu.vector_load_idx %arg8[%parallel_loop3A_197] : memref<16384xf32, #tpu.memory_space<vmem>>[vector<16xi32>], vector<16xf32>,
      %parallel_loop3A_201 = arith.addf %parallel_loop3A_195, %parallel_loop3A_200 : vector<16xf32>
      %parallel_loop3A_202 = vector.broadcast %parallel_loop3A_141 : i32 to vector<16xi32>
      %parallel_loop3A_203 = arith.addi %parallel_loop3A_202, %add3A_97 : vector<16xi32>
      %parallel_loop3A_204 = tpu.vector_load_idx %arg7[%parallel_loop3A_203] : memref<16384xf32, #tpu.memory_space<vmem>>[vector<16xi32>], vector<16xf32>,
      %parallel_loop3A_205 = arith.addf %parallel_loop3A_199, %parallel_loop3A_204 : vector<16xf32>
      %parallel_loop3A_206 = tpu.vector_load_idx %arg8[%parallel_loop3A_203] : memref<16384xf32, #tpu.memory_space<vmem>>[vector<16xi32>], vector<16xf32>,
      %parallel_loop3A_207 = arith.addf %parallel_loop3A_201, %parallel_loop3A_206 : vector<16xf32>
      %parallel_loop3A_208 = vector.broadcast %parallel_loop3A_141 : i32 to vector<16xi32>
      %parallel_loop3A_209 = arith.addi %parallel_loop3A_208, %add3A_104 : vector<16xi32>
      %parallel_loop3A_210 = tpu.vector_load_idx %arg7[%parallel_loop3A_209] : memref<16384xf32, #tpu.memory_space<vmem>>[vector<16xi32>], vector<16xf32>,
      %parallel_loop3A_211 = arith.addf %parallel_loop3A_205, %parallel_loop3A_210 : vector<16xf32>
      %parallel_loop3A_212 = tpu.vector_load_idx %arg8[%parallel_loop3A_209] : memref<16384xf32, #tpu.memory_space<vmem>>[vector<16xi32>], vector<16xf32>,
      %parallel_loop3A_213 = arith.addf %parallel_loop3A_207, %parallel_loop3A_212 : vector<16xf32>
      %parallel_loop3A_214 = vector.broadcast %parallel_loop3A_141 : i32 to vector<16xi32>
      %parallel_loop3A_215 = arith.addi %parallel_loop3A_214, %add3A_111 : vector<16xi32>
      %parallel_loop3A_216 = tpu.vector_load_idx %arg7[%parallel_loop3A_215] : memref<16384xf32, #tpu.memory_space<vmem>>[vector<16xi32>], vector<16xf32>,
      %parallel_loop3A_217 = arith.addf %parallel_loop3A_211, %parallel_loop3A_216 : vector<16xf32>
      %parallel_loop3A_218 = tpu.vector_load_idx %arg8[%parallel_loop3A_215] : memref<16384xf32, #tpu.memory_space<vmem>>[vector<16xi32>], vector<16xf32>,
      %parallel_loop3A_219 = arith.addf %parallel_loop3A_213, %parallel_loop3A_218 : vector<16xf32>
      %parallel_loop3A_220 = vector.broadcast %parallel_loop3A_141 : i32 to vector<16xi32>
      %parallel_loop3A_221 = arith.addi %parallel_loop3A_220, %add3A_118 : vector<16xi32>
      %parallel_loop3A_222 = tpu.vector_load_idx %arg7[%parallel_loop3A_221] : memref<16384xf32, #tpu.memory_space<vmem>>[vector<16xi32>], vector<16xf32>,
      %parallel_loop3A_223 = arith.addf %parallel_loop3A_217, %parallel_loop3A_222 : vector<16xf32>
      %parallel_loop3A_224 = tpu.vector_load_idx %arg8[%parallel_loop3A_221] : memref<16384xf32, #tpu.memory_space<vmem>>[vector<16xi32>], vector<16xf32>,
      %parallel_loop3A_225 = arith.addf %parallel_loop3A_219, %parallel_loop3A_224 : vector<16xf32>
      %parallel_loop3A_226 = vector.broadcast %parallel_loop3A_141 : i32 to vector<16xi32>
      %parallel_loop3A_227 = arith.addi %parallel_loop3A_226, %add3A_125 : vector<16xi32>
      %parallel_loop3A_228 = tpu.vector_load_idx %arg7[%parallel_loop3A_227] : memref<16384xf32, #tpu.memory_space<vmem>>[vector<16xi32>], vector<16xf32>,
      %parallel_loop3A_229 = arith.addf %parallel_loop3A_223, %parallel_loop3A_228 : vector<16xf32>
      %parallel_loop3A_230 = tpu.vector_load_idx %arg8[%parallel_loop3A_227] : memref<16384xf32, #tpu.memory_space<vmem>>[vector<16xi32>], vector<16xf32>,
      %parallel_loop3A_231 = arith.addf %parallel_loop3A_225, %parallel_loop3A_230 : vector<16xf32>
      %parallel_loop3A_232 = vector.broadcast %parallel_loop3A_141 : i32 to vector<16xi32>
      %parallel_loop3A_233 = arith.addi %parallel_loop3A_232, %add3A_132 : vector<16xi32>
      %parallel_loop3A_234 = tpu.vector_load_idx %arg7[%parallel_loop3A_233] : memref<16384xf32, #tpu.memory_space<vmem>>[vector<16xi32>], vector<16xf32>,
      %parallel_loop3A_235 = arith.addf %parallel_loop3A_229, %parallel_loop3A_234 : vector<16xf32>
      %parallel_loop3A_236 = tpu.vector_load_idx %arg8[%parallel_loop3A_233] : memref<16384xf32, #tpu.memory_space<vmem>>[vector<16xi32>], vector<16xf32>,
      %parallel_loop3A_237 = arith.addf %parallel_loop3A_231, %parallel_loop3A_236 : vector<16xf32>
      %parallel_loop3A_238 = arith.index_cast %parallel_loop3A_139 : i32 to index
      %parallel_loop3A_239 = tpu.vector_load %arg9[%parallel_loop3A_238] {strides = array<i32>} : memref<1024xf32, #tpu.memory_space<vmem>>, vector<16xf32>,
      tpu.vector_store %arg9[%parallel_loop3A_238], %parallel_loop3A_235 {strides = array<i32>} : memref<1024xf32, #tpu.memory_space<vmem>>, vector<16xf32>,
      %parallel_loop3A_240 = arith.index_cast %parallel_loop3A_139 : i32 to index
      %parallel_loop3A_241 = tpu.vector_load %arg10[%parallel_loop3A_240] {strides = array<i32>} : memref<1024xf32, #tpu.memory_space<vmem>>, vector<16xf32>,
      tpu.vector_store %arg10[%parallel_loop3A_240], %parallel_loop3A_237 {strides = array<i32>} : memref<1024xf32, #tpu.memory_space<vmem>>, vector<16xf32>,
    } {sc.loop_unroll_factor = 4 : i64, sc.parallel_access}
    "tpu.region"() ({
      %run_scoped3A = tpu.sem_alloc : memref<!tpu.dma_semaphore, #tpu.memory_space<semaphore_mem>>
      %dma_start3A_136 = arith.constant 0 : i32
      %dma_start3A_137 = tpu.memref_slice %arg3[%add3A, %dma_start3A_136] : memref<32x1024xf32, #tpu.memory_space<hbm>> -> memref<1x1024xf32, #tpu.memory_space<hbm>>
      %dma_start3A_138 = tpu.memref_squeeze %dma_start3A_137 : memref<1x1024xf32, #tpu.memory_space<hbm>> -> memref<1024xf32, #tpu.memory_space<hbm>>
      %dma_start3A_139 = arith.constant 0 : i32
      %dma_start3A_140 = tpu.memref_slice %arg3[%add3A, %dma_start3A_139] : memref<32x1024xf32, #tpu.memory_space<hbm>> -> memref<1x1024xf32, #tpu.memory_space<hbm>>
      %dma_start3A_141 = tpu.memref_squeeze %dma_start3A_140 : memref<1x1024xf32, #tpu.memory_space<hbm>> -> memref<1024xf32, #tpu.memory_space<hbm>>
      tpu.enqueue_dma source(%arg9 : memref<1024xf32, #tpu.memory_space<vmem>>) target(%dma_start3A_141 : memref<1024xf32, #tpu.memory_space<hbm>>) target_semaphore(%run_scoped3A : memref<!tpu.dma_semaphore, #tpu.memory_space<semaphore_mem>>)
      %dma_wait3A_142 = arith.constant 0 : i32
      %dma_wait3A_143 = tpu.memref_slice %arg3[%add3A, %dma_wait3A_142] : memref<32x1024xf32, #tpu.memory_space<hbm>> -> memref<1x1024xf32, #tpu.memory_space<hbm>>
      %dma_wait3A_144 = tpu.memref_squeeze %dma_wait3A_143 : memref<1x1024xf32, #tpu.memory_space<hbm>> -> memref<1024xf32, #tpu.memory_space<hbm>>
      %dma_wait3A_145 = arith.constant 0 : i32
      %dma_wait3A_146 = tpu.memref_slice %arg3[%add3A, %dma_wait3A_145] : memref<32x1024xf32, #tpu.memory_space<hbm>> -> memref<1x1024xf32, #tpu.memory_space<hbm>>
      %dma_wait3A_147 = tpu.memref_squeeze %dma_wait3A_146 : memref<1x1024xf32, #tpu.memory_space<hbm>> -> memref<1024xf32, #tpu.memory_space<hbm>>
      tpu.wait_dma2 semaphore(%run_scoped3A : memref<!tpu.dma_semaphore, #tpu.memory_space<semaphore_mem>>) src(%arg9 : memref<1024xf32, #tpu.memory_space<vmem>>) dst(%dma_wait3A_147 : memref<1024xf32, #tpu.memory_space<hbm>>)
      tpu.yield
    }) : () -> ()
    "tpu.region"() ({
      %run_scoped3A = tpu.sem_alloc : memref<!tpu.dma_semaphore, #tpu.memory_space<semaphore_mem>>
      %dma_start3A_136 = arith.constant 0 : i32
      %dma_start3A_137 = tpu.memref_slice %arg4[%add3A, %dma_start3A_136] : memref<32x1024xf32, #tpu.memory_space<hbm>> -> memref<1x1024xf32, #tpu.memory_space<hbm>>
      %dma_start3A_138 = tpu.memref_squeeze %dma_start3A_137 : memref<1x1024xf32, #tpu.memory_space<hbm>> -> memref<1024xf32, #tpu.memory_space<hbm>>
      %dma_start3A_139 = arith.constant 0 : i32
      %dma_start3A_140 = tpu.memref_slice %arg4[%add3A, %dma_start3A_139] : memref<32x1024xf32, #tpu.memory_space<hbm>> -> memref<1x1024xf32, #tpu.memory_space<hbm>>
      %dma_start3A_141 = tpu.memref_squeeze %dma_start3A_140 : memref<1x1024xf32, #tpu.memory_space<hbm>> -> memref<1024xf32, #tpu.memory_space<hbm>>
      tpu.enqueue_dma source(%arg10 : memref<1024xf32, #tpu.memory_space<vmem>>) target(%dma_start3A_141 : memref<1024xf32, #tpu.memory_space<hbm>>) target_semaphore(%run_scoped3A : memref<!tpu.dma_semaphore, #tpu.memory_space<semaphore_mem>>)
      %dma_wait3A_142 = arith.constant 0 : i32
      %dma_wait3A_143 = tpu.memref_slice %arg4[%add3A, %dma_wait3A_142] : memref<32x1024xf32, #tpu.memory_space<hbm>> -> memref<1x1024xf32, #tpu.memory_space<hbm>>
      %dma_wait3A_144 = tpu.memref_squeeze %dma_wait3A_143 : memref<1x1024xf32, #tpu.memory_space<hbm>> -> memref<1024xf32, #tpu.memory_space<hbm>>
      %dma_wait3A_145 = arith.constant 0 : i32
      %dma_wait3A_146 = tpu.memref_slice %arg4[%add3A, %dma_wait3A_145] : memref<32x1024xf32, #tpu.memory_space<hbm>> -> memref<1x1024xf32, #tpu.memory_space<hbm>>
      %dma_wait3A_147 = tpu.memref_squeeze %dma_wait3A_146 : memref<1x1024xf32, #tpu.memory_space<hbm>> -> memref<1024xf32, #tpu.memory_space<hbm>>
      tpu.wait_dma2 semaphore(%run_scoped3A : memref<!tpu.dma_semaphore, #tpu.memory_space<semaphore_mem>>) src(%arg10 : memref<1024xf32, #tpu.memory_space<vmem>>) dst(%dma_wait3A_147 : memref<1024xf32, #tpu.memory_space<hbm>>)
      tpu.yield
    }) : () -> ()
    return
  }
}

module attributes {stable_mosaic.version = 14 : i64} {
  func.func @_combine_body(%arg0: memref<32x1024xf32, #tpu.memory_space<vmem>>, %arg1: memref<32x1024xf32, #tpu.memory_space<vmem>>, %arg2: memref<1x1xf32, #tpu.memory_space<vmem>>) attributes {dimension_semantics = [], scalar_prefetch = 0 : i64, scratch_operands = 0 : i64, tpu.core_type = #tpu.core_type<tc>} {
    %get3A = arith.constant 0 : index
    %get3A_0 = arith.constant 0 : index
    %get3A_1 = vector.load %arg0[%get3A, %get3A_0] : memref<32x1024xf32, #tpu.memory_space<vmem>>, vector<32x1024xf32>
    %reduce_sum3A = arith.constant dense<0.000000e+00> : vector<1024xf32>
    %reduce_sum3A_2 = vector.multi_reduction <add>, %get3A_1, %reduce_sum3A [0] : vector<32x1024xf32> to vector<1024xf32>
    %broadcast_in_dim3A = vector.shape_cast %reduce_sum3A_2 : vector<1024xf32> to vector<1x1024xf32>
    %slice3A = vector.extract_strided_slice %broadcast_in_dim3A {offsets = [0, 0], sizes = [1, 128], strides = [1, 1]} : vector<1x1024xf32> to vector<1x128xf32>
    %slice3A_3 = vector.extract_strided_slice %broadcast_in_dim3A {offsets = [0, 128], sizes = [1, 128], strides = [1, 1]} : vector<1x1024xf32> to vector<1x128xf32>
    %slice3A_4 = vector.extract_strided_slice %broadcast_in_dim3A {offsets = [0, 256], sizes = [1, 128], strides = [1, 1]} : vector<1x1024xf32> to vector<1x128xf32>
    %slice3A_5 = vector.extract_strided_slice %broadcast_in_dim3A {offsets = [0, 384], sizes = [1, 128], strides = [1, 1]} : vector<1x1024xf32> to vector<1x128xf32>
    %slice3A_6 = vector.extract_strided_slice %broadcast_in_dim3A {offsets = [0, 512], sizes = [1, 128], strides = [1, 1]} : vector<1x1024xf32> to vector<1x128xf32>
    %slice3A_7 = vector.extract_strided_slice %broadcast_in_dim3A {offsets = [0, 640], sizes = [1, 128], strides = [1, 1]} : vector<1x1024xf32> to vector<1x128xf32>
    %slice3A_8 = vector.extract_strided_slice %broadcast_in_dim3A {offsets = [0, 768], sizes = [1, 128], strides = [1, 1]} : vector<1x1024xf32> to vector<1x128xf32>
    %slice3A_9 = vector.extract_strided_slice %broadcast_in_dim3A {offsets = [0, 896], sizes = [1, 128], strides = [1, 1]} : vector<1x1024xf32> to vector<1x128xf32>
    %concatenate3A = tpu.concatenate %slice3A, %slice3A_3, %slice3A_4, %slice3A_5, %slice3A_6, %slice3A_7, %slice3A_8, %slice3A_9 in 0 : vector<1x128xf32>, vector<1x128xf32>, vector<1x128xf32>, vector<1x128xf32>, vector<1x128xf32>, vector<1x128xf32>, vector<1x128xf32>, vector<1x128xf32> -> vector<8x128xf32>
    %get3A_10 = arith.constant 0 : index
    %get3A_11 = arith.constant 0 : index
    %get3A_12 = vector.load %arg1[%get3A_10, %get3A_11] : memref<32x1024xf32, #tpu.memory_space<vmem>>, vector<32x1024xf32>
    %reduce_sum3A_13 = arith.constant dense<0.000000e+00> : vector<1024xf32>
    %reduce_sum3A_14 = vector.multi_reduction <add>, %get3A_12, %reduce_sum3A_13 [0] : vector<32x1024xf32> to vector<1024xf32>
    %broadcast_in_dim3A_15 = vector.shape_cast %reduce_sum3A_14 : vector<1024xf32> to vector<1x1024xf32>
    %slice3A_16 = vector.extract_strided_slice %broadcast_in_dim3A_15 {offsets = [0, 0], sizes = [1, 128], strides = [1, 1]} : vector<1x1024xf32> to vector<1x128xf32>
    %slice3A_17 = vector.extract_strided_slice %broadcast_in_dim3A_15 {offsets = [0, 128], sizes = [1, 128], strides = [1, 1]} : vector<1x1024xf32> to vector<1x128xf32>
    %slice3A_18 = vector.extract_strided_slice %broadcast_in_dim3A_15 {offsets = [0, 256], sizes = [1, 128], strides = [1, 1]} : vector<1x1024xf32> to vector<1x128xf32>
    %slice3A_19 = vector.extract_strided_slice %broadcast_in_dim3A_15 {offsets = [0, 384], sizes = [1, 128], strides = [1, 1]} : vector<1x1024xf32> to vector<1x128xf32>
    %slice3A_20 = vector.extract_strided_slice %broadcast_in_dim3A_15 {offsets = [0, 512], sizes = [1, 128], strides = [1, 1]} : vector<1x1024xf32> to vector<1x128xf32>
    %slice3A_21 = vector.extract_strided_slice %broadcast_in_dim3A_15 {offsets = [0, 640], sizes = [1, 128], strides = [1, 1]} : vector<1x1024xf32> to vector<1x128xf32>
    %slice3A_22 = vector.extract_strided_slice %broadcast_in_dim3A_15 {offsets = [0, 768], sizes = [1, 128], strides = [1, 1]} : vector<1x1024xf32> to vector<1x128xf32>
    %slice3A_23 = vector.extract_strided_slice %broadcast_in_dim3A_15 {offsets = [0, 896], sizes = [1, 128], strides = [1, 1]} : vector<1x1024xf32> to vector<1x128xf32>
    %concatenate3A_24 = tpu.concatenate %slice3A_16, %slice3A_17, %slice3A_18, %slice3A_19, %slice3A_20, %slice3A_21, %slice3A_22, %slice3A_23 in 0 : vector<1x128xf32>, vector<1x128xf32>, vector<1x128xf32>, vector<1x128xf32>, vector<1x128xf32>, vector<1x128xf32>, vector<1x128xf32>, vector<1x128xf32> -> vector<8x128xf32>
    %iota3A = tpu.iota {dimensions = array<i32: 1>} : vector<8x128xi32>
    %iota3A_25 = tpu.iota {dimensions = array<i32: 0>} : vector<8x128xi32>
    %lt3A = arith.constant 127 : i32
    %lt3A_26 = vector.broadcast %lt3A : i32 to vector<8x128xi32>
    %lt3A_27 = arith.cmpi slt, %iota3A, %lt3A_26 : vector<8x128xi32>
    %slice3A_28 = vector.extract_strided_slice %concatenate3A {offsets = [0, 1], sizes = [8, 127], strides = [1, 1]} : vector<8x128xf32> to vector<8x127xf32>
    %slice3A_29 = vector.extract_strided_slice %concatenate3A {offsets = [0, 0], sizes = [8, 1], strides = [1, 1]} : vector<8x128xf32> to vector<8x1xf32>
    %concatenate3A_30 = tpu.concatenate %slice3A_28, %slice3A_29 in 1 : vector<8x127xf32>, vector<8x1xf32> -> vector<8x128xf32>
    %jit3A = arith.constant 0.000000e+00 : f32
    %broadcast_in_dim3A_31 = vector.broadcast %jit3A : f32 to vector<8x128xf32>
    %select_n3A = arith.select %lt3A_27, %concatenate3A_30, %broadcast_in_dim3A_31 : vector<8x128xi1>, vector<8x128xf32>
    %add3A = arith.addf %concatenate3A, %select_n3A : vector<8x128xf32>
    %lt3A_32 = arith.constant 126 : i32
    %lt3A_33 = vector.broadcast %lt3A_32 : i32 to vector<8x128xi32>
    %lt3A_34 = arith.cmpi slt, %iota3A, %lt3A_33 : vector<8x128xi32>
    %slice3A_35 = vector.extract_strided_slice %add3A {offsets = [0, 2], sizes = [8, 126], strides = [1, 1]} : vector<8x128xf32> to vector<8x126xf32>
    %slice3A_36 = vector.extract_strided_slice %add3A {offsets = [0, 0], sizes = [8, 2], strides = [1, 1]} : vector<8x128xf32> to vector<8x2xf32>
    %concatenate3A_37 = tpu.concatenate %slice3A_35, %slice3A_36 in 1 : vector<8x126xf32>, vector<8x2xf32> -> vector<8x128xf32>
    %jit3A_38 = arith.constant 0.000000e+00 : f32
    %broadcast_in_dim3A_39 = vector.broadcast %jit3A_38 : f32 to vector<8x128xf32>
    %select_n3A_40 = arith.select %lt3A_34, %concatenate3A_37, %broadcast_in_dim3A_39 : vector<8x128xi1>, vector<8x128xf32>
    %add3A_41 = arith.addf %add3A, %select_n3A_40 : vector<8x128xf32>
    %lt3A_42 = arith.constant 124 : i32
    %lt3A_43 = vector.broadcast %lt3A_42 : i32 to vector<8x128xi32>
    %lt3A_44 = arith.cmpi slt, %iota3A, %lt3A_43 : vector<8x128xi32>
    %slice3A_45 = vector.extract_strided_slice %add3A_41 {offsets = [0, 4], sizes = [8, 124], strides = [1, 1]} : vector<8x128xf32> to vector<8x124xf32>
    %slice3A_46 = vector.extract_strided_slice %add3A_41 {offsets = [0, 0], sizes = [8, 4], strides = [1, 1]} : vector<8x128xf32> to vector<8x4xf32>
    %concatenate3A_47 = tpu.concatenate %slice3A_45, %slice3A_46 in 1 : vector<8x124xf32>, vector<8x4xf32> -> vector<8x128xf32>
    %jit3A_48 = arith.constant 0.000000e+00 : f32
    %broadcast_in_dim3A_49 = vector.broadcast %jit3A_48 : f32 to vector<8x128xf32>
    %select_n3A_50 = arith.select %lt3A_44, %concatenate3A_47, %broadcast_in_dim3A_49 : vector<8x128xi1>, vector<8x128xf32>
    %add3A_51 = arith.addf %add3A_41, %select_n3A_50 : vector<8x128xf32>
    %lt3A_52 = arith.constant 120 : i32
    %lt3A_53 = vector.broadcast %lt3A_52 : i32 to vector<8x128xi32>
    %lt3A_54 = arith.cmpi slt, %iota3A, %lt3A_53 : vector<8x128xi32>
    %slice3A_55 = vector.extract_strided_slice %add3A_51 {offsets = [0, 8], sizes = [8, 120], strides = [1, 1]} : vector<8x128xf32> to vector<8x120xf32>
    %slice3A_56 = vector.extract_strided_slice %add3A_51 {offsets = [0, 0], sizes = [8, 8], strides = [1, 1]} : vector<8x128xf32> to vector<8x8xf32>
    %concatenate3A_57 = tpu.concatenate %slice3A_55, %slice3A_56 in 1 : vector<8x120xf32>, vector<8x8xf32> -> vector<8x128xf32>
    %jit3A_58 = arith.constant 0.000000e+00 : f32
    %broadcast_in_dim3A_59 = vector.broadcast %jit3A_58 : f32 to vector<8x128xf32>
    %select_n3A_60 = arith.select %lt3A_54, %concatenate3A_57, %broadcast_in_dim3A_59 : vector<8x128xi1>, vector<8x128xf32>
    %add3A_61 = arith.addf %add3A_51, %select_n3A_60 : vector<8x128xf32>
    %lt3A_62 = arith.constant 112 : i32
    %lt3A_63 = vector.broadcast %lt3A_62 : i32 to vector<8x128xi32>
    %lt3A_64 = arith.cmpi slt, %iota3A, %lt3A_63 : vector<8x128xi32>
    %slice3A_65 = vector.extract_strided_slice %add3A_61 {offsets = [0, 16], sizes = [8, 112], strides = [1, 1]} : vector<8x128xf32> to vector<8x112xf32>
    %slice3A_66 = vector.extract_strided_slice %add3A_61 {offsets = [0, 0], sizes = [8, 16], strides = [1, 1]} : vector<8x128xf32> to vector<8x16xf32>
    %concatenate3A_67 = tpu.concatenate %slice3A_65, %slice3A_66 in 1 : vector<8x112xf32>, vector<8x16xf32> -> vector<8x128xf32>
    %jit3A_68 = arith.constant 0.000000e+00 : f32
    %broadcast_in_dim3A_69 = vector.broadcast %jit3A_68 : f32 to vector<8x128xf32>
    %select_n3A_70 = arith.select %lt3A_64, %concatenate3A_67, %broadcast_in_dim3A_69 : vector<8x128xi1>, vector<8x128xf32>
    %add3A_71 = arith.addf %add3A_61, %select_n3A_70 : vector<8x128xf32>
    %lt3A_72 = arith.constant 96 : i32
    %lt3A_73 = vector.broadcast %lt3A_72 : i32 to vector<8x128xi32>
    %lt3A_74 = arith.cmpi slt, %iota3A, %lt3A_73 : vector<8x128xi32>
    %slice3A_75 = vector.extract_strided_slice %add3A_71 {offsets = [0, 32], sizes = [8, 96], strides = [1, 1]} : vector<8x128xf32> to vector<8x96xf32>
    %slice3A_76 = vector.extract_strided_slice %add3A_71 {offsets = [0, 0], sizes = [8, 32], strides = [1, 1]} : vector<8x128xf32> to vector<8x32xf32>
    %concatenate3A_77 = tpu.concatenate %slice3A_75, %slice3A_76 in 1 : vector<8x96xf32>, vector<8x32xf32> -> vector<8x128xf32>
    %jit3A_78 = arith.constant 0.000000e+00 : f32
    %broadcast_in_dim3A_79 = vector.broadcast %jit3A_78 : f32 to vector<8x128xf32>
    %select_n3A_80 = arith.select %lt3A_74, %concatenate3A_77, %broadcast_in_dim3A_79 : vector<8x128xi1>, vector<8x128xf32>
    %add3A_81 = arith.addf %add3A_71, %select_n3A_80 : vector<8x128xf32>
    %lt3A_82 = arith.constant 64 : i32
    %lt3A_83 = vector.broadcast %lt3A_82 : i32 to vector<8x128xi32>
    %lt3A_84 = arith.cmpi slt, %iota3A, %lt3A_83 : vector<8x128xi32>
    %slice3A_85 = vector.extract_strided_slice %add3A_81 {offsets = [0, 64], sizes = [8, 64], strides = [1, 1]} : vector<8x128xf32> to vector<8x64xf32>
    %slice3A_86 = vector.extract_strided_slice %add3A_81 {offsets = [0, 0], sizes = [8, 64], strides = [1, 1]} : vector<8x128xf32> to vector<8x64xf32>
    %concatenate3A_87 = tpu.concatenate %slice3A_85, %slice3A_86 in 1 : vector<8x64xf32>, vector<8x64xf32> -> vector<8x128xf32>
    %jit3A_88 = arith.constant 0.000000e+00 : f32
    %broadcast_in_dim3A_89 = vector.broadcast %jit3A_88 : f32 to vector<8x128xf32>
    %select_n3A_90 = arith.select %lt3A_84, %concatenate3A_87, %broadcast_in_dim3A_89 : vector<8x128xi1>, vector<8x128xf32>
    %add3A_91 = arith.addf %add3A_81, %select_n3A_90 : vector<8x128xf32>
    %lt3A_92 = arith.constant 127 : i32
    %lt3A_93 = vector.broadcast %lt3A_92 : i32 to vector<8x128xi32>
    %lt3A_94 = arith.cmpi slt, %iota3A, %lt3A_93 : vector<8x128xi32>
    %slice3A_95 = vector.extract_strided_slice %concatenate3A_24 {offsets = [0, 1], sizes = [8, 127], strides = [1, 1]} : vector<8x128xf32> to vector<8x127xf32>
    %slice3A_96 = vector.extract_strided_slice %concatenate3A_24 {offsets = [0, 0], sizes = [8, 1], strides = [1, 1]} : vector<8x128xf32> to vector<8x1xf32>
    %concatenate3A_97 = tpu.concatenate %slice3A_95, %slice3A_96 in 1 : vector<8x127xf32>, vector<8x1xf32> -> vector<8x128xf32>
    %jit3A_98 = arith.constant 0.000000e+00 : f32
    %broadcast_in_dim3A_99 = vector.broadcast %jit3A_98 : f32 to vector<8x128xf32>
    %select_n3A_100 = arith.select %lt3A_94, %concatenate3A_97, %broadcast_in_dim3A_99 : vector<8x128xi1>, vector<8x128xf32>
    %add3A_101 = arith.addf %concatenate3A_24, %select_n3A_100 : vector<8x128xf32>
    %lt3A_102 = arith.constant 126 : i32
    %lt3A_103 = vector.broadcast %lt3A_102 : i32 to vector<8x128xi32>
    %lt3A_104 = arith.cmpi slt, %iota3A, %lt3A_103 : vector<8x128xi32>
    %slice3A_105 = vector.extract_strided_slice %add3A_101 {offsets = [0, 2], sizes = [8, 126], strides = [1, 1]} : vector<8x128xf32> to vector<8x126xf32>
    %slice3A_106 = vector.extract_strided_slice %add3A_101 {offsets = [0, 0], sizes = [8, 2], strides = [1, 1]} : vector<8x128xf32> to vector<8x2xf32>
    %concatenate3A_107 = tpu.concatenate %slice3A_105, %slice3A_106 in 1 : vector<8x126xf32>, vector<8x2xf32> -> vector<8x128xf32>
    %jit3A_108 = arith.constant 0.000000e+00 : f32
    %broadcast_in_dim3A_109 = vector.broadcast %jit3A_108 : f32 to vector<8x128xf32>
    %select_n3A_110 = arith.select %lt3A_104, %concatenate3A_107, %broadcast_in_dim3A_109 : vector<8x128xi1>, vector<8x128xf32>
    %add3A_111 = arith.addf %add3A_101, %select_n3A_110 : vector<8x128xf32>
    %lt3A_112 = arith.constant 124 : i32
    %lt3A_113 = vector.broadcast %lt3A_112 : i32 to vector<8x128xi32>
    %lt3A_114 = arith.cmpi slt, %iota3A, %lt3A_113 : vector<8x128xi32>
    %slice3A_115 = vector.extract_strided_slice %add3A_111 {offsets = [0, 4], sizes = [8, 124], strides = [1, 1]} : vector<8x128xf32> to vector<8x124xf32>
    %slice3A_116 = vector.extract_strided_slice %add3A_111 {offsets = [0, 0], sizes = [8, 4], strides = [1, 1]} : vector<8x128xf32> to vector<8x4xf32>
    %concatenate3A_117 = tpu.concatenate %slice3A_115, %slice3A_116 in 1 : vector<8x124xf32>, vector<8x4xf32> -> vector<8x128xf32>
    %jit3A_118 = arith.constant 0.000000e+00 : f32
    %broadcast_in_dim3A_119 = vector.broadcast %jit3A_118 : f32 to vector<8x128xf32>
    %select_n3A_120 = arith.select %lt3A_114, %concatenate3A_117, %broadcast_in_dim3A_119 : vector<8x128xi1>, vector<8x128xf32>
    %add3A_121 = arith.addf %add3A_111, %select_n3A_120 : vector<8x128xf32>
    %lt3A_122 = arith.constant 120 : i32
    %lt3A_123 = vector.broadcast %lt3A_122 : i32 to vector<8x128xi32>
    %lt3A_124 = arith.cmpi slt, %iota3A, %lt3A_123 : vector<8x128xi32>
    %slice3A_125 = vector.extract_strided_slice %add3A_121 {offsets = [0, 8], sizes = [8, 120], strides = [1, 1]} : vector<8x128xf32> to vector<8x120xf32>
    %slice3A_126 = vector.extract_strided_slice %add3A_121 {offsets = [0, 0], sizes = [8, 8], strides = [1, 1]} : vector<8x128xf32> to vector<8x8xf32>
    %concatenate3A_127 = tpu.concatenate %slice3A_125, %slice3A_126 in 1 : vector<8x120xf32>, vector<8x8xf32> -> vector<8x128xf32>
    %jit3A_128 = arith.constant 0.000000e+00 : f32
    %broadcast_in_dim3A_129 = vector.broadcast %jit3A_128 : f32 to vector<8x128xf32>
    %select_n3A_130 = arith.select %lt3A_124, %concatenate3A_127, %broadcast_in_dim3A_129 : vector<8x128xi1>, vector<8x128xf32>
    %add3A_131 = arith.addf %add3A_121, %select_n3A_130 : vector<8x128xf32>
    %lt3A_132 = arith.constant 112 : i32
    %lt3A_133 = vector.broadcast %lt3A_132 : i32 to vector<8x128xi32>
    %lt3A_134 = arith.cmpi slt, %iota3A, %lt3A_133 : vector<8x128xi32>
    %slice3A_135 = vector.extract_strided_slice %add3A_131 {offsets = [0, 16], sizes = [8, 112], strides = [1, 1]} : vector<8x128xf32> to vector<8x112xf32>
    %slice3A_136 = vector.extract_strided_slice %add3A_131 {offsets = [0, 0], sizes = [8, 16], strides = [1, 1]} : vector<8x128xf32> to vector<8x16xf32>
    %concatenate3A_137 = tpu.concatenate %slice3A_135, %slice3A_136 in 1 : vector<8x112xf32>, vector<8x16xf32> -> vector<8x128xf32>
    %jit3A_138 = arith.constant 0.000000e+00 : f32
    %broadcast_in_dim3A_139 = vector.broadcast %jit3A_138 : f32 to vector<8x128xf32>
    %select_n3A_140 = arith.select %lt3A_134, %concatenate3A_137, %broadcast_in_dim3A_139 : vector<8x128xi1>, vector<8x128xf32>
    %add3A_141 = arith.addf %add3A_131, %select_n3A_140 : vector<8x128xf32>
    %lt3A_142 = arith.constant 96 : i32
    %lt3A_143 = vector.broadcast %lt3A_142 : i32 to vector<8x128xi32>
    %lt3A_144 = arith.cmpi slt, %iota3A, %lt3A_143 : vector<8x128xi32>
    %slice3A_145 = vector.extract_strided_slice %add3A_141 {offsets = [0, 32], sizes = [8, 96], strides = [1, 1]} : vector<8x128xf32> to vector<8x96xf32>
    %slice3A_146 = vector.extract_strided_slice %add3A_141 {offsets = [0, 0], sizes = [8, 32], strides = [1, 1]} : vector<8x128xf32> to vector<8x32xf32>
    %concatenate3A_147 = tpu.concatenate %slice3A_145, %slice3A_146 in 1 : vector<8x96xf32>, vector<8x32xf32> -> vector<8x128xf32>
    %jit3A_148 = arith.constant 0.000000e+00 : f32
    %broadcast_in_dim3A_149 = vector.broadcast %jit3A_148 : f32 to vector<8x128xf32>
    %select_n3A_150 = arith.select %lt3A_144, %concatenate3A_147, %broadcast_in_dim3A_149 : vector<8x128xi1>, vector<8x128xf32>
    %add3A_151 = arith.addf %add3A_141, %select_n3A_150 : vector<8x128xf32>
    %lt3A_152 = arith.constant 64 : i32
    %lt3A_153 = vector.broadcast %lt3A_152 : i32 to vector<8x128xi32>
    %lt3A_154 = arith.cmpi slt, %iota3A, %lt3A_153 : vector<8x128xi32>
    %slice3A_155 = vector.extract_strided_slice %add3A_151 {offsets = [0, 64], sizes = [8, 64], strides = [1, 1]} : vector<8x128xf32> to vector<8x64xf32>
    %slice3A_156 = vector.extract_strided_slice %add3A_151 {offsets = [0, 0], sizes = [8, 64], strides = [1, 1]} : vector<8x128xf32> to vector<8x64xf32>
    %concatenate3A_157 = tpu.concatenate %slice3A_155, %slice3A_156 in 1 : vector<8x64xf32>, vector<8x64xf32> -> vector<8x128xf32>
    %jit3A_158 = arith.constant 0.000000e+00 : f32
    %broadcast_in_dim3A_159 = vector.broadcast %jit3A_158 : f32 to vector<8x128xf32>
    %select_n3A_160 = arith.select %lt3A_154, %concatenate3A_157, %broadcast_in_dim3A_159 : vector<8x128xi1>, vector<8x128xf32>
    %add3A_161 = arith.addf %add3A_151, %select_n3A_160 : vector<8x128xf32>
    %slice3A_162 = vector.extract_strided_slice %add3A_91 {offsets = [0, 0], sizes = [8, 1], strides = [1, 1]} : vector<8x128xf32> to vector<8x1xf32>
    %broadcast_in_dim3A_163 = vector.shape_cast %slice3A_162 : vector<8x1xf32> to vector<8x1xf32>
    %broadcast_in_dim3A_164 = vector.broadcast %broadcast_in_dim3A_163 : vector<8x1xf32> to vector<8x128xf32>
    %slice3A_165 = vector.extract_strided_slice %add3A_161 {offsets = [0, 0], sizes = [8, 1], strides = [1, 1]} : vector<8x128xf32> to vector<8x1xf32>
    %broadcast_in_dim3A_166 = vector.shape_cast %slice3A_165 : vector<8x1xf32> to vector<8x1xf32>
    %broadcast_in_dim3A_167 = vector.broadcast %broadcast_in_dim3A_166 : vector<8x1xf32> to vector<8x128xf32>
    %lt3A_168 = arith.constant 7 : i32
    %lt3A_169 = vector.broadcast %lt3A_168 : i32 to vector<8x128xi32>
    %lt3A_170 = arith.cmpi slt, %iota3A_25, %lt3A_169 : vector<8x128xi32>
    %slice3A_171 = vector.extract_strided_slice %broadcast_in_dim3A_164 {offsets = [1, 0], sizes = [7, 128], strides = [1, 1]} : vector<8x128xf32> to vector<7x128xf32>
    %slice3A_172 = vector.extract_strided_slice %broadcast_in_dim3A_164 {offsets = [0, 0], sizes = [1, 128], strides = [1, 1]} : vector<8x128xf32> to vector<1x128xf32>
    %concatenate3A_173 = tpu.concatenate %slice3A_171, %slice3A_172 in 0 : vector<7x128xf32>, vector<1x128xf32> -> vector<8x128xf32>
    %jit3A_174 = arith.constant 0.000000e+00 : f32
    %broadcast_in_dim3A_175 = vector.broadcast %jit3A_174 : f32 to vector<8x128xf32>
    %select_n3A_176 = arith.select %lt3A_170, %concatenate3A_173, %broadcast_in_dim3A_175 : vector<8x128xi1>, vector<8x128xf32>
    %lt3A_177 = arith.constant 7 : i32
    %lt3A_178 = vector.broadcast %lt3A_177 : i32 to vector<8x128xi32>
    %lt3A_179 = arith.cmpi slt, %iota3A_25, %lt3A_178 : vector<8x128xi32>
    %slice3A_180 = vector.extract_strided_slice %select_n3A_176 {offsets = [1, 0], sizes = [7, 128], strides = [1, 1]} : vector<8x128xf32> to vector<7x128xf32>
    %slice3A_181 = vector.extract_strided_slice %select_n3A_176 {offsets = [0, 0], sizes = [1, 128], strides = [1, 1]} : vector<8x128xf32> to vector<1x128xf32>
    %concatenate3A_182 = tpu.concatenate %slice3A_180, %slice3A_181 in 0 : vector<7x128xf32>, vector<1x128xf32> -> vector<8x128xf32>
    %jit3A_183 = arith.constant 0.000000e+00 : f32
    %broadcast_in_dim3A_184 = vector.broadcast %jit3A_183 : f32 to vector<8x128xf32>
    %select_n3A_185 = arith.select %lt3A_179, %concatenate3A_182, %broadcast_in_dim3A_184 : vector<8x128xi1>, vector<8x128xf32>
    %add3A_186 = arith.addf %select_n3A_176, %select_n3A_185 : vector<8x128xf32>
    %lt3A_187 = arith.constant 6 : i32
    %lt3A_188 = vector.broadcast %lt3A_187 : i32 to vector<8x128xi32>
    %lt3A_189 = arith.cmpi slt, %iota3A_25, %lt3A_188 : vector<8x128xi32>
    %slice3A_190 = vector.extract_strided_slice %add3A_186 {offsets = [2, 0], sizes = [6, 128], strides = [1, 1]} : vector<8x128xf32> to vector<6x128xf32>
    %slice3A_191 = vector.extract_strided_slice %add3A_186 {offsets = [0, 0], sizes = [2, 128], strides = [1, 1]} : vector<8x128xf32> to vector<2x128xf32>
    %concatenate3A_192 = tpu.concatenate %slice3A_190, %slice3A_191 in 0 : vector<6x128xf32>, vector<2x128xf32> -> vector<8x128xf32>
    %jit3A_193 = arith.constant 0.000000e+00 : f32
    %broadcast_in_dim3A_194 = vector.broadcast %jit3A_193 : f32 to vector<8x128xf32>
    %select_n3A_195 = arith.select %lt3A_189, %concatenate3A_192, %broadcast_in_dim3A_194 : vector<8x128xi1>, vector<8x128xf32>
    %add3A_196 = arith.addf %add3A_186, %select_n3A_195 : vector<8x128xf32>
    %lt3A_197 = arith.constant 4 : i32
    %lt3A_198 = vector.broadcast %lt3A_197 : i32 to vector<8x128xi32>
    %lt3A_199 = arith.cmpi slt, %iota3A_25, %lt3A_198 : vector<8x128xi32>
    %slice3A_200 = vector.extract_strided_slice %add3A_196 {offsets = [4, 0], sizes = [4, 128], strides = [1, 1]} : vector<8x128xf32> to vector<4x128xf32>
    %slice3A_201 = vector.extract_strided_slice %add3A_196 {offsets = [0, 0], sizes = [4, 128], strides = [1, 1]} : vector<8x128xf32> to vector<4x128xf32>
    %concatenate3A_202 = tpu.concatenate %slice3A_200, %slice3A_201 in 0 : vector<4x128xf32>, vector<4x128xf32> -> vector<8x128xf32>
    %jit3A_203 = arith.constant 0.000000e+00 : f32
    %broadcast_in_dim3A_204 = vector.broadcast %jit3A_203 : f32 to vector<8x128xf32>
    %select_n3A_205 = arith.select %lt3A_199, %concatenate3A_202, %broadcast_in_dim3A_204 : vector<8x128xi1>, vector<8x128xf32>
    %add3A_206 = arith.addf %add3A_196, %select_n3A_205 : vector<8x128xf32>
    %add3A_207 = arith.addf %add3A_91, %add3A_206 : vector<8x128xf32>
    %lt3A_208 = arith.constant 7 : i32
    %lt3A_209 = vector.broadcast %lt3A_208 : i32 to vector<8x128xi32>
    %lt3A_210 = arith.cmpi slt, %iota3A_25, %lt3A_209 : vector<8x128xi32>
    %slice3A_211 = vector.extract_strided_slice %broadcast_in_dim3A_167 {offsets = [1, 0], sizes = [7, 128], strides = [1, 1]} : vector<8x128xf32> to vector<7x128xf32>
    %slice3A_212 = vector.extract_strided_slice %broadcast_in_dim3A_167 {offsets = [0, 0], sizes = [1, 128], strides = [1, 1]} : vector<8x128xf32> to vector<1x128xf32>
    %concatenate3A_213 = tpu.concatenate %slice3A_211, %slice3A_212 in 0 : vector<7x128xf32>, vector<1x128xf32> -> vector<8x128xf32>
    %jit3A_214 = arith.constant 0.000000e+00 : f32
    %broadcast_in_dim3A_215 = vector.broadcast %jit3A_214 : f32 to vector<8x128xf32>
    %select_n3A_216 = arith.select %lt3A_210, %concatenate3A_213, %broadcast_in_dim3A_215 : vector<8x128xi1>, vector<8x128xf32>
    %lt3A_217 = arith.constant 7 : i32
    %lt3A_218 = vector.broadcast %lt3A_217 : i32 to vector<8x128xi32>
    %lt3A_219 = arith.cmpi slt, %iota3A_25, %lt3A_218 : vector<8x128xi32>
    %slice3A_220 = vector.extract_strided_slice %select_n3A_216 {offsets = [1, 0], sizes = [7, 128], strides = [1, 1]} : vector<8x128xf32> to vector<7x128xf32>
    %slice3A_221 = vector.extract_strided_slice %select_n3A_216 {offsets = [0, 0], sizes = [1, 128], strides = [1, 1]} : vector<8x128xf32> to vector<1x128xf32>
    %concatenate3A_222 = tpu.concatenate %slice3A_220, %slice3A_221 in 0 : vector<7x128xf32>, vector<1x128xf32> -> vector<8x128xf32>
    %jit3A_223 = arith.constant 0.000000e+00 : f32
    %broadcast_in_dim3A_224 = vector.broadcast %jit3A_223 : f32 to vector<8x128xf32>
    %select_n3A_225 = arith.select %lt3A_219, %concatenate3A_222, %broadcast_in_dim3A_224 : vector<8x128xi1>, vector<8x128xf32>
    %add3A_226 = arith.addf %select_n3A_216, %select_n3A_225 : vector<8x128xf32>
    %lt3A_227 = arith.constant 6 : i32
    %lt3A_228 = vector.broadcast %lt3A_227 : i32 to vector<8x128xi32>
    %lt3A_229 = arith.cmpi slt, %iota3A_25, %lt3A_228 : vector<8x128xi32>
    %slice3A_230 = vector.extract_strided_slice %add3A_226 {offsets = [2, 0], sizes = [6, 128], strides = [1, 1]} : vector<8x128xf32> to vector<6x128xf32>
    %slice3A_231 = vector.extract_strided_slice %add3A_226 {offsets = [0, 0], sizes = [2, 128], strides = [1, 1]} : vector<8x128xf32> to vector<2x128xf32>
    %concatenate3A_232 = tpu.concatenate %slice3A_230, %slice3A_231 in 0 : vector<6x128xf32>, vector<2x128xf32> -> vector<8x128xf32>
    %jit3A_233 = arith.constant 0.000000e+00 : f32
    %broadcast_in_dim3A_234 = vector.broadcast %jit3A_233 : f32 to vector<8x128xf32>
    %select_n3A_235 = arith.select %lt3A_229, %concatenate3A_232, %broadcast_in_dim3A_234 : vector<8x128xi1>, vector<8x128xf32>
    %add3A_236 = arith.addf %add3A_226, %select_n3A_235 : vector<8x128xf32>
    %lt3A_237 = arith.constant 4 : i32
    %lt3A_238 = vector.broadcast %lt3A_237 : i32 to vector<8x128xi32>
    %lt3A_239 = arith.cmpi slt, %iota3A_25, %lt3A_238 : vector<8x128xi32>
    %slice3A_240 = vector.extract_strided_slice %add3A_236 {offsets = [4, 0], sizes = [4, 128], strides = [1, 1]} : vector<8x128xf32> to vector<4x128xf32>
    %slice3A_241 = vector.extract_strided_slice %add3A_236 {offsets = [0, 0], sizes = [4, 128], strides = [1, 1]} : vector<8x128xf32> to vector<4x128xf32>
    %concatenate3A_242 = tpu.concatenate %slice3A_240, %slice3A_241 in 0 : vector<4x128xf32>, vector<4x128xf32> -> vector<8x128xf32>
    %jit3A_243 = arith.constant 0.000000e+00 : f32
    %broadcast_in_dim3A_244 = vector.broadcast %jit3A_243 : f32 to vector<8x128xf32>
    %select_n3A_245 = arith.select %lt3A_239, %concatenate3A_242, %broadcast_in_dim3A_244 : vector<8x128xi1>, vector<8x128xf32>
    %add3A_246 = arith.addf %add3A_236, %select_n3A_245 : vector<8x128xf32>
    %add3A_247 = arith.addf %add3A_161, %add3A_246 : vector<8x128xf32>
    %mul3A = arith.constant 128 : i32
    %mul3A_248 = vector.broadcast %mul3A : i32 to vector<8x128xi32>
    %mul3A_249 = arith.muli %iota3A_25, %mul3A_248 : vector<8x128xi32>
    %add3A_250 = arith.addi %mul3A_249, %iota3A : vector<8x128xi32>
    %ge3A = arith.constant 1.310720e+05 : f32
    %ge3A_251 = vector.broadcast %ge3A : f32 to vector<8x128xf32>
    %ge3A_252 = arith.cmpf oge, %add3A_207, %ge3A_251 : vector<8x128xf32>
    %jit3A_253 = arith.constant -1 : i32
    %broadcast_in_dim3A_254 = vector.broadcast %jit3A_253 : i32 to vector<8x128xi32>
    %select_n3A_255 = arith.select %ge3A_252, %add3A_250, %broadcast_in_dim3A_254 : vector<8x128xi1>, vector<8x128xi32>
    %reduce_max3A = vector.shape_cast %select_n3A_255 : vector<8x128xi32> to vector<1x8x128xi32>
    %reduce_max3A_256 = arith.constant dense<-2147483648> : vector<1xi32>
    %reduce_max3A_257 = vector.multi_reduction <maxsi>, %reduce_max3A, %reduce_max3A_256 [1, 2] : vector<1x8x128xi32> to vector<1xi32>
    %reduce_max3A_258 = vector.shape_cast %reduce_max3A_257 : vector<1xi32> to vector<1x1x1xi32>
    %reduce_max3A_259 = vector.extract %reduce_max3A_258[0, 0, 0] : i32 from vector<1x1x1xi32>
    %eq3A = vector.broadcast %reduce_max3A_259 : i32 to vector<8x128xi32>
    %eq3A_260 = arith.cmpi eq, %add3A_250, %eq3A : vector<8x128xi32>
    %convert_element_type3A = arith.extui %eq3A_260 : vector<8x128xi1> to vector<8x128xi32>
    %convert_element_type3A_261 = arith.sitofp %convert_element_type3A : vector<8x128xi32> to vector<8x128xf32>
    %mul3A_262 = arith.mulf %convert_element_type3A_261, %concatenate3A : vector<8x128xf32>
    %reduce_sum3A_263 = vector.shape_cast %mul3A_262 : vector<8x128xf32> to vector<1x8x128xf32>
    %reduce_sum3A_264 = arith.constant dense<0.000000e+00> : vector<1xf32>
    %reduce_sum3A_265 = vector.multi_reduction <add>, %reduce_sum3A_263, %reduce_sum3A_264 [1, 2] : vector<1x8x128xf32> to vector<1xf32>
    %reduce_sum3A_266 = vector.shape_cast %reduce_sum3A_265 : vector<1xf32> to vector<1x1x1xf32>
    %reduce_sum3A_267 = vector.extract %reduce_sum3A_266[0, 0, 0] : f32 from vector<1x1x1xf32>
    %mul3A_268 = arith.mulf %convert_element_type3A_261, %concatenate3A_24 : vector<8x128xf32>
    %reduce_sum3A_269 = vector.shape_cast %mul3A_268 : vector<8x128xf32> to vector<1x8x128xf32>
    %reduce_sum3A_270 = arith.constant dense<0.000000e+00> : vector<1xf32>
    %reduce_sum3A_271 = vector.multi_reduction <add>, %reduce_sum3A_269, %reduce_sum3A_270 [1, 2] : vector<1x8x128xf32> to vector<1xf32>
    %reduce_sum3A_272 = vector.shape_cast %reduce_sum3A_271 : vector<1xf32> to vector<1x1x1xf32>
    %reduce_sum3A_273 = vector.extract %reduce_sum3A_272[0, 0, 0] : f32 from vector<1x1x1xf32>
    %mul3A_274 = arith.mulf %convert_element_type3A_261, %add3A_207 : vector<8x128xf32>
    %reduce_sum3A_275 = vector.shape_cast %mul3A_274 : vector<8x128xf32> to vector<1x8x128xf32>
    %reduce_sum3A_276 = arith.constant dense<0.000000e+00> : vector<1xf32>
    %reduce_sum3A_277 = vector.multi_reduction <add>, %reduce_sum3A_275, %reduce_sum3A_276 [1, 2] : vector<1x8x128xf32> to vector<1xf32>
    %reduce_sum3A_278 = vector.shape_cast %reduce_sum3A_277 : vector<1xf32> to vector<1x1x1xf32>
    %reduce_sum3A_279 = vector.extract %reduce_sum3A_278[0, 0, 0] : f32 from vector<1x1x1xf32>
    %mul3A_280 = arith.mulf %convert_element_type3A_261, %add3A_247 : vector<8x128xf32>
    %reduce_sum3A_281 = vector.shape_cast %mul3A_280 : vector<8x128xf32> to vector<1x8x128xf32>
    %reduce_sum3A_282 = arith.constant dense<0.000000e+00> : vector<1xf32>
    %reduce_sum3A_283 = vector.multi_reduction <add>, %reduce_sum3A_281, %reduce_sum3A_282 [1, 2] : vector<1x8x128xf32> to vector<1xf32>
    %reduce_sum3A_284 = vector.shape_cast %reduce_sum3A_283 : vector<1xf32> to vector<1x1x1xf32>
    %reduce_sum3A_285 = vector.extract %reduce_sum3A_284[0, 0, 0] : f32 from vector<1x1x1xf32>
    %sub3A = arith.subf %reduce_sum3A_279, %reduce_sum3A_267 : f32
    %sub3A_286 = arith.subf %reduce_sum3A_285, %reduce_sum3A_273 : f32
    %sub3A_287 = arith.constant 1.310720e+05 : f32
    %sub3A_288 = arith.subf %sub3A_287, %sub3A : f32
    %max3A = arith.constant 1.000000e+00 : f32
    %max3A_289 = arith.maximumf %reduce_sum3A_267, %max3A : f32
    %div3A = arith.divf %reduce_sum3A_273, %max3A_289 : f32
    %mul3A_290 = arith.mulf %sub3A_288, %div3A : f32
    %add3A_291 = arith.addf %sub3A_286, %mul3A_290 : f32
    %div3A_292 = arith.constant 1.310720e+05 : f32
    %div3A_293 = arith.divf %add3A_291, %div3A_292 : f32
    %eq3A_294 = arith.constant 1023 : i32
    %eq3A_295 = vector.broadcast %eq3A_294 : i32 to vector<8x128xi32>
    %eq3A_296 = arith.cmpi eq, %add3A_250, %eq3A_295 : vector<8x128xi32>
    %convert_element_type3A_297 = arith.extui %eq3A_296 : vector<8x128xi1> to vector<8x128xi32>
    %convert_element_type3A_298 = arith.sitofp %convert_element_type3A_297 : vector<8x128xi32> to vector<8x128xf32>
    %mul3A_299 = arith.mulf %convert_element_type3A_298, %concatenate3A : vector<8x128xf32>
    %reduce_sum3A_300 = vector.shape_cast %mul3A_299 : vector<8x128xf32> to vector<1x8x128xf32>
    %reduce_sum3A_301 = arith.constant dense<0.000000e+00> : vector<1xf32>
    %reduce_sum3A_302 = vector.multi_reduction <add>, %reduce_sum3A_300, %reduce_sum3A_301 [1, 2] : vector<1x8x128xf32> to vector<1xf32>
    %reduce_sum3A_303 = vector.shape_cast %reduce_sum3A_302 : vector<1xf32> to vector<1x1x1xf32>
    %reduce_sum3A_304 = vector.extract %reduce_sum3A_303[0, 0, 0] : f32 from vector<1x1x1xf32>
    %mul3A_305 = arith.mulf %convert_element_type3A_298, %concatenate3A_24 : vector<8x128xf32>
    %reduce_sum3A_306 = vector.shape_cast %mul3A_305 : vector<8x128xf32> to vector<1x8x128xf32>
    %reduce_sum3A_307 = arith.constant dense<0.000000e+00> : vector<1xf32>
    %reduce_sum3A_308 = vector.multi_reduction <add>, %reduce_sum3A_306, %reduce_sum3A_307 [1, 2] : vector<1x8x128xf32> to vector<1xf32>
    %reduce_sum3A_309 = vector.shape_cast %reduce_sum3A_308 : vector<1xf32> to vector<1x1x1xf32>
    %reduce_sum3A_310 = vector.extract %reduce_sum3A_309[0, 0, 0] : f32 from vector<1x1x1xf32>
    %max3A_311 = arith.constant 1.000000e+00 : f32
    %max3A_312 = arith.maximumf %reduce_sum3A_304, %max3A_311 : f32
    %div3A_313 = arith.divf %reduce_sum3A_310, %max3A_312 : f32
    %ge3A_314 = arith.constant 1.310720e+05 : f32
    %ge3A_315 = arith.cmpf oge, %reduce_sum3A_304, %ge3A_314 : f32
    %select_n3A_316 = arith.select %ge3A_315, %div3A_313, %div3A_293 : f32
    %broadcast_in_dim3A_317 = vector.broadcast %select_n3A_316 : f32 to vector<1x1xf32>
    %swap3A = arith.constant 0 : index
    %swap3A_318 = arith.constant 0 : index
    %swap3A_319 = vector.load %arg2[%swap3A, %swap3A_318] : memref<1x1xf32, #tpu.memory_space<vmem>>, vector<1x1xf32>
    tpu.vector_store %arg2[%swap3A, %swap3A_318], %broadcast_in_dim3A_317 {strides = array<i32>} : memref<1x1xf32, #tpu.memory_space<vmem>>, vector<1x1xf32>,
    return
  }
}

module attributes {stable_mosaic.version = 14 : i64} {
  func.func @_ce_body(%arg0: i32, %arg1: i32, %arg2: memref<1x19x256x512xf32, #tpu.memory_space<vmem>>, %arg3: memref<1x256x512xi32, #tpu.memory_space<vmem>>, %arg4: memref<1x256x512xf32, #tpu.memory_space<vmem>>) attributes {dimension_semantics = [#tpu.dimension_semantics<arbitrary>, #tpu.dimension_semantics<arbitrary>], iteration_bounds = array<i64: 4, 2>, scalar_prefetch = 0 : i64, scratch_operands = 0 : i64, tpu.core_type = #tpu.core_type<tc>, window_params = [{transform_indices = @transform_0, window_bounds = array<i64: 1, 19, 256, 512>}, {transform_indices = @transform_1, window_bounds = array<i64: 1, 256, 512>}, {transform_indices = @transform_2, window_bounds = array<i64: 1, 256, 512>}]} {
    %get3A = arith.constant 0 : index
    %get3A_0 = arith.constant 0 : index
    %get3A_1 = arith.constant 0 : index
    %get3A_2 = vector.load %arg3[%get3A, %get3A_0, %get3A_1] : memref<1x256x512xi32, #tpu.memory_space<vmem>>, vector<1x256x512xi32>
    %get3A_3 = vector.shape_cast %get3A_2 : vector<1x256x512xi32> to vector<256x512xi32>
    %broadcast_in_dim3A = arith.constant 0.000000e+00 : f32
    %broadcast_in_dim3A_4 = vector.broadcast %broadcast_in_dim3A : f32 to vector<256x512xf32>
    %broadcast_in_dim3A_5 = arith.constant 0.000000e+00 : f32
    %broadcast_in_dim3A_6 = vector.broadcast %broadcast_in_dim3A_5 : f32 to vector<256x512xf32>
    %get3A_7 = arith.constant 0 : index
    %get3A_8 = arith.constant 0 : index
    %get3A_9 = arith.constant 0 : index
    %get3A_10 = arith.constant 0 : index
    %get3A_11 = vector.load %arg2[%get3A_7, %get3A_8, %get3A_9, %get3A_10] : memref<1x19x256x512xf32, #tpu.memory_space<vmem>>, vector<1x1x256x512xf32>
    %get3A_12 = vector.shape_cast %get3A_11 : vector<1x1x256x512xf32> to vector<256x512xf32>
    %exp3A = math.exp %get3A_12 : vector<256x512xf32>
    %add3A = arith.addf %broadcast_in_dim3A_4, %exp3A : vector<256x512xf32>
    %eq3A = arith.constant 0 : i32
    %eq3A_13 = vector.broadcast %eq3A : i32 to vector<256x512xi32>
    %eq3A_14 = arith.cmpi eq, %get3A_3, %eq3A_13 : vector<256x512xi32>
    %jit3A = arith.constant 0.000000e+00 : f32
    %broadcast_in_dim3A_15 = vector.broadcast %jit3A : f32 to vector<256x512xf32>
    %select_n3A = arith.select %eq3A_14, %get3A_12, %broadcast_in_dim3A_15 : vector<256x512xi1>, vector<256x512xf32>
    %add3A_16 = arith.addf %broadcast_in_dim3A_6, %select_n3A : vector<256x512xf32>
    %get3A_17 = arith.constant 0 : index
    %get3A_18 = arith.constant 1 : index
    %get3A_19 = arith.constant 0 : index
    %get3A_20 = arith.constant 0 : index
    %get3A_21 = vector.load %arg2[%get3A_17, %get3A_18, %get3A_19, %get3A_20] : memref<1x19x256x512xf32, #tpu.memory_space<vmem>>, vector<1x1x256x512xf32>
    %get3A_22 = vector.shape_cast %get3A_21 : vector<1x1x256x512xf32> to vector<256x512xf32>
    %exp3A_23 = math.exp %get3A_22 : vector<256x512xf32>
    %add3A_24 = arith.addf %add3A, %exp3A_23 : vector<256x512xf32>
    %eq3A_25 = arith.constant 1 : i32
    %eq3A_26 = vector.broadcast %eq3A_25 : i32 to vector<256x512xi32>
    %eq3A_27 = arith.cmpi eq, %get3A_3, %eq3A_26 : vector<256x512xi32>
    %jit3A_28 = arith.constant 0.000000e+00 : f32
    %broadcast_in_dim3A_29 = vector.broadcast %jit3A_28 : f32 to vector<256x512xf32>
    %select_n3A_30 = arith.select %eq3A_27, %get3A_22, %broadcast_in_dim3A_29 : vector<256x512xi1>, vector<256x512xf32>
    %add3A_31 = arith.addf %add3A_16, %select_n3A_30 : vector<256x512xf32>
    %get3A_32 = arith.constant 0 : index
    %get3A_33 = arith.constant 2 : index
    %get3A_34 = arith.constant 0 : index
    %get3A_35 = arith.constant 0 : index
    %get3A_36 = vector.load %arg2[%get3A_32, %get3A_33, %get3A_34, %get3A_35] : memref<1x19x256x512xf32, #tpu.memory_space<vmem>>, vector<1x1x256x512xf32>
    %get3A_37 = vector.shape_cast %get3A_36 : vector<1x1x256x512xf32> to vector<256x512xf32>
    %exp3A_38 = math.exp %get3A_37 : vector<256x512xf32>
    %add3A_39 = arith.addf %add3A_24, %exp3A_38 : vector<256x512xf32>
    %eq3A_40 = arith.constant 2 : i32
    %eq3A_41 = vector.broadcast %eq3A_40 : i32 to vector<256x512xi32>
    %eq3A_42 = arith.cmpi eq, %get3A_3, %eq3A_41 : vector<256x512xi32>
    %jit3A_43 = arith.constant 0.000000e+00 : f32
    %broadcast_in_dim3A_44 = vector.broadcast %jit3A_43 : f32 to vector<256x512xf32>
    %select_n3A_45 = arith.select %eq3A_42, %get3A_37, %broadcast_in_dim3A_44 : vector<256x512xi1>, vector<256x512xf32>
    %add3A_46 = arith.addf %add3A_31, %select_n3A_45 : vector<256x512xf32>
    %get3A_47 = arith.constant 0 : index
    %get3A_48 = arith.constant 3 : index
    %get3A_49 = arith.constant 0 : index
    %get3A_50 = arith.constant 0 : index
    %get3A_51 = vector.load %arg2[%get3A_47, %get3A_48, %get3A_49, %get3A_50] : memref<1x19x256x512xf32, #tpu.memory_space<vmem>>, vector<1x1x256x512xf32>
    %get3A_52 = vector.shape_cast %get3A_51 : vector<1x1x256x512xf32> to vector<256x512xf32>
    %exp3A_53 = math.exp %get3A_52 : vector<256x512xf32>
    %add3A_54 = arith.addf %add3A_39, %exp3A_53 : vector<256x512xf32>
    %eq3A_55 = arith.constant 3 : i32
    %eq3A_56 = vector.broadcast %eq3A_55 : i32 to vector<256x512xi32>
    %eq3A_57 = arith.cmpi eq, %get3A_3, %eq3A_56 : vector<256x512xi32>
    %jit3A_58 = arith.constant 0.000000e+00 : f32
    %broadcast_in_dim3A_59 = vector.broadcast %jit3A_58 : f32 to vector<256x512xf32>
    %select_n3A_60 = arith.select %eq3A_57, %get3A_52, %broadcast_in_dim3A_59 : vector<256x512xi1>, vector<256x512xf32>
    %add3A_61 = arith.addf %add3A_46, %select_n3A_60 : vector<256x512xf32>
    %get3A_62 = arith.constant 0 : index
    %get3A_63 = arith.constant 4 : index
    %get3A_64 = arith.constant 0 : index
    %get3A_65 = arith.constant 0 : index
    %get3A_66 = vector.load %arg2[%get3A_62, %get3A_63, %get3A_64, %get3A_65] : memref<1x19x256x512xf32, #tpu.memory_space<vmem>>, vector<1x1x256x512xf32>
    %get3A_67 = vector.shape_cast %get3A_66 : vector<1x1x256x512xf32> to vector<256x512xf32>
    %exp3A_68 = math.exp %get3A_67 : vector<256x512xf32>
    %add3A_69 = arith.addf %add3A_54, %exp3A_68 : vector<256x512xf32>
    %eq3A_70 = arith.constant 4 : i32
    %eq3A_71 = vector.broadcast %eq3A_70 : i32 to vector<256x512xi32>
    %eq3A_72 = arith.cmpi eq, %get3A_3, %eq3A_71 : vector<256x512xi32>
    %jit3A_73 = arith.constant 0.000000e+00 : f32
    %broadcast_in_dim3A_74 = vector.broadcast %jit3A_73 : f32 to vector<256x512xf32>
    %select_n3A_75 = arith.select %eq3A_72, %get3A_67, %broadcast_in_dim3A_74 : vector<256x512xi1>, vector<256x512xf32>
    %add3A_76 = arith.addf %add3A_61, %select_n3A_75 : vector<256x512xf32>
    %get3A_77 = arith.constant 0 : index
    %get3A_78 = arith.constant 5 : index
    %get3A_79 = arith.constant 0 : index
    %get3A_80 = arith.constant 0 : index
    %get3A_81 = vector.load %arg2[%get3A_77, %get3A_78, %get3A_79, %get3A_80] : memref<1x19x256x512xf32, #tpu.memory_space<vmem>>, vector<1x1x256x512xf32>
    %get3A_82 = vector.shape_cast %get3A_81 : vector<1x1x256x512xf32> to vector<256x512xf32>
    %exp3A_83 = math.exp %get3A_82 : vector<256x512xf32>
    %add3A_84 = arith.addf %add3A_69, %exp3A_83 : vector<256x512xf32>
    %eq3A_85 = arith.constant 5 : i32
    %eq3A_86 = vector.broadcast %eq3A_85 : i32 to vector<256x512xi32>
    %eq3A_87 = arith.cmpi eq, %get3A_3, %eq3A_86 : vector<256x512xi32>
    %jit3A_88 = arith.constant 0.000000e+00 : f32
    %broadcast_in_dim3A_89 = vector.broadcast %jit3A_88 : f32 to vector<256x512xf32>
    %select_n3A_90 = arith.select %eq3A_87, %get3A_82, %broadcast_in_dim3A_89 : vector<256x512xi1>, vector<256x512xf32>
    %add3A_91 = arith.addf %add3A_76, %select_n3A_90 : vector<256x512xf32>
    %get3A_92 = arith.constant 0 : index
    %get3A_93 = arith.constant 6 : index
    %get3A_94 = arith.constant 0 : index
    %get3A_95 = arith.constant 0 : index
    %get3A_96 = vector.load %arg2[%get3A_92, %get3A_93, %get3A_94, %get3A_95] : memref<1x19x256x512xf32, #tpu.memory_space<vmem>>, vector<1x1x256x512xf32>
    %get3A_97 = vector.shape_cast %get3A_96 : vector<1x1x256x512xf32> to vector<256x512xf32>
    %exp3A_98 = math.exp %get3A_97 : vector<256x512xf32>
    %add3A_99 = arith.addf %add3A_84, %exp3A_98 : vector<256x512xf32>
    %eq3A_100 = arith.constant 6 : i32
    %eq3A_101 = vector.broadcast %eq3A_100 : i32 to vector<256x512xi32>
    %eq3A_102 = arith.cmpi eq, %get3A_3, %eq3A_101 : vector<256x512xi32>
    %jit3A_103 = arith.constant 0.000000e+00 : f32
    %broadcast_in_dim3A_104 = vector.broadcast %jit3A_103 : f32 to vector<256x512xf32>
    %select_n3A_105 = arith.select %eq3A_102, %get3A_97, %broadcast_in_dim3A_104 : vector<256x512xi1>, vector<256x512xf32>
    %add3A_106 = arith.addf %add3A_91, %select_n3A_105 : vector<256x512xf32>
    %get3A_107 = arith.constant 0 : index
    %get3A_108 = arith.constant 7 : index
    %get3A_109 = arith.constant 0 : index
    %get3A_110 = arith.constant 0 : index
    %get3A_111 = vector.load %arg2[%get3A_107, %get3A_108, %get3A_109, %get3A_110] : memref<1x19x256x512xf32, #tpu.memory_space<vmem>>, vector<1x1x256x512xf32>
    %get3A_112 = vector.shape_cast %get3A_111 : vector<1x1x256x512xf32> to vector<256x512xf32>
    %exp3A_113 = math.exp %get3A_112 : vector<256x512xf32>
    %add3A_114 = arith.addf %add3A_99, %exp3A_113 : vector<256x512xf32>
    %eq3A_115 = arith.constant 7 : i32
    %eq3A_116 = vector.broadcast %eq3A_115 : i32 to vector<256x512xi32>
    %eq3A_117 = arith.cmpi eq, %get3A_3, %eq3A_116 : vector<256x512xi32>
    %jit3A_118 = arith.constant 0.000000e+00 : f32
    %broadcast_in_dim3A_119 = vector.broadcast %jit3A_118 : f32 to vector<256x512xf32>
    %select_n3A_120 = arith.select %eq3A_117, %get3A_112, %broadcast_in_dim3A_119 : vector<256x512xi1>, vector<256x512xf32>
    %add3A_121 = arith.addf %add3A_106, %select_n3A_120 : vector<256x512xf32>
    %get3A_122 = arith.constant 0 : index
    %get3A_123 = arith.constant 8 : index
    %get3A_124 = arith.constant 0 : index
    %get3A_125 = arith.constant 0 : index
    %get3A_126 = vector.load %arg2[%get3A_122, %get3A_123, %get3A_124, %get3A_125] : memref<1x19x256x512xf32, #tpu.memory_space<vmem>>, vector<1x1x256x512xf32>
    %get3A_127 = vector.shape_cast %get3A_126 : vector<1x1x256x512xf32> to vector<256x512xf32>
    %exp3A_128 = math.exp %get3A_127 : vector<256x512xf32>
    %add3A_129 = arith.addf %add3A_114, %exp3A_128 : vector<256x512xf32>
    %eq3A_130 = arith.constant 8 : i32
    %eq3A_131 = vector.broadcast %eq3A_130 : i32 to vector<256x512xi32>
    %eq3A_132 = arith.cmpi eq, %get3A_3, %eq3A_131 : vector<256x512xi32>
    %jit3A_133 = arith.constant 0.000000e+00 : f32
    %broadcast_in_dim3A_134 = vector.broadcast %jit3A_133 : f32 to vector<256x512xf32>
    %select_n3A_135 = arith.select %eq3A_132, %get3A_127, %broadcast_in_dim3A_134 : vector<256x512xi1>, vector<256x512xf32>
    %add3A_136 = arith.addf %add3A_121, %select_n3A_135 : vector<256x512xf32>
    %get3A_137 = arith.constant 0 : index
    %get3A_138 = arith.constant 9 : index
    %get3A_139 = arith.constant 0 : index
    %get3A_140 = arith.constant 0 : index
    %get3A_141 = vector.load %arg2[%get3A_137, %get3A_138, %get3A_139, %get3A_140] : memref<1x19x256x512xf32, #tpu.memory_space<vmem>>, vector<1x1x256x512xf32>
    %get3A_142 = vector.shape_cast %get3A_141 : vector<1x1x256x512xf32> to vector<256x512xf32>
    %exp3A_143 = math.exp %get3A_142 : vector<256x512xf32>
    %add3A_144 = arith.addf %add3A_129, %exp3A_143 : vector<256x512xf32>
    %eq3A_145 = arith.constant 9 : i32
    %eq3A_146 = vector.broadcast %eq3A_145 : i32 to vector<256x512xi32>
    %eq3A_147 = arith.cmpi eq, %get3A_3, %eq3A_146 : vector<256x512xi32>
    %jit3A_148 = arith.constant 0.000000e+00 : f32
    %broadcast_in_dim3A_149 = vector.broadcast %jit3A_148 : f32 to vector<256x512xf32>
    %select_n3A_150 = arith.select %eq3A_147, %get3A_142, %broadcast_in_dim3A_149 : vector<256x512xi1>, vector<256x512xf32>
    %add3A_151 = arith.addf %add3A_136, %select_n3A_150 : vector<256x512xf32>
    %get3A_152 = arith.constant 0 : index
    %get3A_153 = arith.constant 10 : index
    %get3A_154 = arith.constant 0 : index
    %get3A_155 = arith.constant 0 : index
    %get3A_156 = vector.load %arg2[%get3A_152, %get3A_153, %get3A_154, %get3A_155] : memref<1x19x256x512xf32, #tpu.memory_space<vmem>>, vector<1x1x256x512xf32>
    %get3A_157 = vector.shape_cast %get3A_156 : vector<1x1x256x512xf32> to vector<256x512xf32>
    %exp3A_158 = math.exp %get3A_157 : vector<256x512xf32>
    %add3A_159 = arith.addf %add3A_144, %exp3A_158 : vector<256x512xf32>
    %eq3A_160 = arith.constant 10 : i32
    %eq3A_161 = vector.broadcast %eq3A_160 : i32 to vector<256x512xi32>
    %eq3A_162 = arith.cmpi eq, %get3A_3, %eq3A_161 : vector<256x512xi32>
    %jit3A_163 = arith.constant 0.000000e+00 : f32
    %broadcast_in_dim3A_164 = vector.broadcast %jit3A_163 : f32 to vector<256x512xf32>
    %select_n3A_165 = arith.select %eq3A_162, %get3A_157, %broadcast_in_dim3A_164 : vector<256x512xi1>, vector<256x512xf32>
    %add3A_166 = arith.addf %add3A_151, %select_n3A_165 : vector<256x512xf32>
    %get3A_167 = arith.constant 0 : index
    %get3A_168 = arith.constant 11 : index
    %get3A_169 = arith.constant 0 : index
    %get3A_170 = arith.constant 0 : index
    %get3A_171 = vector.load %arg2[%get3A_167, %get3A_168, %get3A_169, %get3A_170] : memref<1x19x256x512xf32, #tpu.memory_space<vmem>>, vector<1x1x256x512xf32>
    %get3A_172 = vector.shape_cast %get3A_171 : vector<1x1x256x512xf32> to vector<256x512xf32>
    %exp3A_173 = math.exp %get3A_172 : vector<256x512xf32>
    %add3A_174 = arith.addf %add3A_159, %exp3A_173 : vector<256x512xf32>
    %eq3A_175 = arith.constant 11 : i32
    %eq3A_176 = vector.broadcast %eq3A_175 : i32 to vector<256x512xi32>
    %eq3A_177 = arith.cmpi eq, %get3A_3, %eq3A_176 : vector<256x512xi32>
    %jit3A_178 = arith.constant 0.000000e+00 : f32
    %broadcast_in_dim3A_179 = vector.broadcast %jit3A_178 : f32 to vector<256x512xf32>
    %select_n3A_180 = arith.select %eq3A_177, %get3A_172, %broadcast_in_dim3A_179 : vector<256x512xi1>, vector<256x512xf32>
    %add3A_181 = arith.addf %add3A_166, %select_n3A_180 : vector<256x512xf32>
    %get3A_182 = arith.constant 0 : index
    %get3A_183 = arith.constant 12 : index
    %get3A_184 = arith.constant 0 : index
    %get3A_185 = arith.constant 0 : index
    %get3A_186 = vector.load %arg2[%get3A_182, %get3A_183, %get3A_184, %get3A_185] : memref<1x19x256x512xf32, #tpu.memory_space<vmem>>, vector<1x1x256x512xf32>
    %get3A_187 = vector.shape_cast %get3A_186 : vector<1x1x256x512xf32> to vector<256x512xf32>
    %exp3A_188 = math.exp %get3A_187 : vector<256x512xf32>
    %add3A_189 = arith.addf %add3A_174, %exp3A_188 : vector<256x512xf32>
    %eq3A_190 = arith.constant 12 : i32
    %eq3A_191 = vector.broadcast %eq3A_190 : i32 to vector<256x512xi32>
    %eq3A_192 = arith.cmpi eq, %get3A_3, %eq3A_191 : vector<256x512xi32>
    %jit3A_193 = arith.constant 0.000000e+00 : f32
    %broadcast_in_dim3A_194 = vector.broadcast %jit3A_193 : f32 to vector<256x512xf32>
    %select_n3A_195 = arith.select %eq3A_192, %get3A_187, %broadcast_in_dim3A_194 : vector<256x512xi1>, vector<256x512xf32>
    %add3A_196 = arith.addf %add3A_181, %select_n3A_195 : vector<256x512xf32>
    %get3A_197 = arith.constant 0 : index
    %get3A_198 = arith.constant 13 : index
    %get3A_199 = arith.constant 0 : index
    %get3A_200 = arith.constant 0 : index
    %get3A_201 = vector.load %arg2[%get3A_197, %get3A_198, %get3A_199, %get3A_200] : memref<1x19x256x512xf32, #tpu.memory_space<vmem>>, vector<1x1x256x512xf32>
    %get3A_202 = vector.shape_cast %get3A_201 : vector<1x1x256x512xf32> to vector<256x512xf32>
    %exp3A_203 = math.exp %get3A_202 : vector<256x512xf32>
    %add3A_204 = arith.addf %add3A_189, %exp3A_203 : vector<256x512xf32>
    %eq3A_205 = arith.constant 13 : i32
    %eq3A_206 = vector.broadcast %eq3A_205 : i32 to vector<256x512xi32>
    %eq3A_207 = arith.cmpi eq, %get3A_3, %eq3A_206 : vector<256x512xi32>
    %jit3A_208 = arith.constant 0.000000e+00 : f32
    %broadcast_in_dim3A_209 = vector.broadcast %jit3A_208 : f32 to vector<256x512xf32>
    %select_n3A_210 = arith.select %eq3A_207, %get3A_202, %broadcast_in_dim3A_209 : vector<256x512xi1>, vector<256x512xf32>
    %add3A_211 = arith.addf %add3A_196, %select_n3A_210 : vector<256x512xf32>
    %get3A_212 = arith.constant 0 : index
    %get3A_213 = arith.constant 14 : index
    %get3A_214 = arith.constant 0 : index
    %get3A_215 = arith.constant 0 : index
    %get3A_216 = vector.load %arg2[%get3A_212, %get3A_213, %get3A_214, %get3A_215] : memref<1x19x256x512xf32, #tpu.memory_space<vmem>>, vector<1x1x256x512xf32>
    %get3A_217 = vector.shape_cast %get3A_216 : vector<1x1x256x512xf32> to vector<256x512xf32>
    %exp3A_218 = math.exp %get3A_217 : vector<256x512xf32>
    %add3A_219 = arith.addf %add3A_204, %exp3A_218 : vector<256x512xf32>
    %eq3A_220 = arith.constant 14 : i32
    %eq3A_221 = vector.broadcast %eq3A_220 : i32 to vector<256x512xi32>
    %eq3A_222 = arith.cmpi eq, %get3A_3, %eq3A_221 : vector<256x512xi32>
    %jit3A_223 = arith.constant 0.000000e+00 : f32
    %broadcast_in_dim3A_224 = vector.broadcast %jit3A_223 : f32 to vector<256x512xf32>
    %select_n3A_225 = arith.select %eq3A_222, %get3A_217, %broadcast_in_dim3A_224 : vector<256x512xi1>, vector<256x512xf32>
    %add3A_226 = arith.addf %add3A_211, %select_n3A_225 : vector<256x512xf32>
    %get3A_227 = arith.constant 0 : index
    %get3A_228 = arith.constant 15 : index
    %get3A_229 = arith.constant 0 : index
    %get3A_230 = arith.constant 0 : index
    %get3A_231 = vector.load %arg2[%get3A_227, %get3A_228, %get3A_229, %get3A_230] : memref<1x19x256x512xf32, #tpu.memory_space<vmem>>, vector<1x1x256x512xf32>
    %get3A_232 = vector.shape_cast %get3A_231 : vector<1x1x256x512xf32> to vector<256x512xf32>
    %exp3A_233 = math.exp %get3A_232 : vector<256x512xf32>
    %add3A_234 = arith.addf %add3A_219, %exp3A_233 : vector<256x512xf32>
    %eq3A_235 = arith.constant 15 : i32
    %eq3A_236 = vector.broadcast %eq3A_235 : i32 to vector<256x512xi32>
    %eq3A_237 = arith.cmpi eq, %get3A_3, %eq3A_236 : vector<256x512xi32>
    %jit3A_238 = arith.constant 0.000000e+00 : f32
    %broadcast_in_dim3A_239 = vector.broadcast %jit3A_238 : f32 to vector<256x512xf32>
    %select_n3A_240 = arith.select %eq3A_237, %get3A_232, %broadcast_in_dim3A_239 : vector<256x512xi1>, vector<256x512xf32>
    %add3A_241 = arith.addf %add3A_226, %select_n3A_240 : vector<256x512xf32>
    %get3A_242 = arith.constant 0 : index
    %get3A_243 = arith.constant 16 : index
    %get3A_244 = arith.constant 0 : index
    %get3A_245 = arith.constant 0 : index
    %get3A_246 = vector.load %arg2[%get3A_242, %get3A_243, %get3A_244, %get3A_245] : memref<1x19x256x512xf32, #tpu.memory_space<vmem>>, vector<1x1x256x512xf32>
    %get3A_247 = vector.shape_cast %get3A_246 : vector<1x1x256x512xf32> to vector<256x512xf32>
    %exp3A_248 = math.exp %get3A_247 : vector<256x512xf32>
    %add3A_249 = arith.addf %add3A_234, %exp3A_248 : vector<256x512xf32>
    %eq3A_250 = arith.constant 16 : i32
    %eq3A_251 = vector.broadcast %eq3A_250 : i32 to vector<256x512xi32>
    %eq3A_252 = arith.cmpi eq, %get3A_3, %eq3A_251 : vector<256x512xi32>
    %jit3A_253 = arith.constant 0.000000e+00 : f32
    %broadcast_in_dim3A_254 = vector.broadcast %jit3A_253 : f32 to vector<256x512xf32>
    %select_n3A_255 = arith.select %eq3A_252, %get3A_247, %broadcast_in_dim3A_254 : vector<256x512xi1>, vector<256x512xf32>
    %add3A_256 = arith.addf %add3A_241, %select_n3A_255 : vector<256x512xf32>
    %get3A_257 = arith.constant 0 : index
    %get3A_258 = arith.constant 17 : index
    %get3A_259 = arith.constant 0 : index
    %get3A_260 = arith.constant 0 : index
    %get3A_261 = vector.load %arg2[%get3A_257, %get3A_258, %get3A_259, %get3A_260] : memref<1x19x256x512xf32, #tpu.memory_space<vmem>>, vector<1x1x256x512xf32>
    %get3A_262 = vector.shape_cast %get3A_261 : vector<1x1x256x512xf32> to vector<256x512xf32>
    %exp3A_263 = math.exp %get3A_262 : vector<256x512xf32>
    %add3A_264 = arith.addf %add3A_249, %exp3A_263 : vector<256x512xf32>
    %eq3A_265 = arith.constant 17 : i32
    %eq3A_266 = vector.broadcast %eq3A_265 : i32 to vector<256x512xi32>
    %eq3A_267 = arith.cmpi eq, %get3A_3, %eq3A_266 : vector<256x512xi32>
    %jit3A_268 = arith.constant 0.000000e+00 : f32
    %broadcast_in_dim3A_269 = vector.broadcast %jit3A_268 : f32 to vector<256x512xf32>
    %select_n3A_270 = arith.select %eq3A_267, %get3A_262, %broadcast_in_dim3A_269 : vector<256x512xi1>, vector<256x512xf32>
    %add3A_271 = arith.addf %add3A_256, %select_n3A_270 : vector<256x512xf32>
    %get3A_272 = arith.constant 0 : index
    %get3A_273 = arith.constant 18 : index
    %get3A_274 = arith.constant 0 : index
    %get3A_275 = arith.constant 0 : index
    %get3A_276 = vector.load %arg2[%get3A_272, %get3A_273, %get3A_274, %get3A_275] : memref<1x19x256x512xf32, #tpu.memory_space<vmem>>, vector<1x1x256x512xf32>
    %get3A_277 = vector.shape_cast %get3A_276 : vector<1x1x256x512xf32> to vector<256x512xf32>
    %exp3A_278 = math.exp %get3A_277 : vector<256x512xf32>
    %add3A_279 = arith.addf %add3A_264, %exp3A_278 : vector<256x512xf32>
    %eq3A_280 = arith.constant 18 : i32
    %eq3A_281 = vector.broadcast %eq3A_280 : i32 to vector<256x512xi32>
    %eq3A_282 = arith.cmpi eq, %get3A_3, %eq3A_281 : vector<256x512xi32>
    %jit3A_283 = arith.constant 0.000000e+00 : f32
    %broadcast_in_dim3A_284 = vector.broadcast %jit3A_283 : f32 to vector<256x512xf32>
    %select_n3A_285 = arith.select %eq3A_282, %get3A_277, %broadcast_in_dim3A_284 : vector<256x512xi1>, vector<256x512xf32>
    %add3A_286 = arith.addf %add3A_271, %select_n3A_285 : vector<256x512xf32>
    %log3A = math.log %add3A_279 : vector<256x512xf32>
    %sub3A = arith.subf %log3A, %add3A_286 : vector<256x512xf32>
    %swap3A = arith.constant 0 : index
    %swap3A_287 = arith.constant 0 : index
    %swap3A_288 = arith.constant 0 : index
    %swap3A_289 = vector.load %arg4[%swap3A, %swap3A_287, %swap3A_288] : memref<1x256x512xf32, #tpu.memory_space<vmem>>, vector<1x256x512xf32>
    %swap3A_290 = vector.shape_cast %swap3A_289 : vector<1x256x512xf32> to vector<256x512xf32>
    %swap3A_291 = vector.shape_cast %sub3A : vector<256x512xf32> to vector<1x256x512xf32>
    tpu.vector_store %arg4[%swap3A, %swap3A_287, %swap3A_288], %swap3A_291 {strides = array<i32>} : memref<1x256x512xf32, #tpu.memory_space<vmem>>, vector<1x256x512xf32>,
    return
  }
  func.func @transform_0(%arg0: i32, %arg1: i32) -> (i32, i32, i32, i32) {
    %add3A = arith.constant 0 : i32
    %add3A_0 = arith.addi %arg0, %add3A : i32
    %c0_i32 = arith.constant 0 : i32
    %c0_i32_1 = arith.constant 0 : i32
    %c0_i32_2 = arith.constant 0 : i32
    return %add3A_0, %c0_i32, %arg1, %c0_i32_1 : i32, i32, i32, i32
  }
  func.func @transform_1(%arg0: i32, %arg1: i32) -> (i32, i32, i32) {
    %add3A = arith.constant 0 : i32
    %add3A_0 = arith.addi %arg0, %add3A : i32
    %c0_i32 = arith.constant 0 : i32
    %c0_i32_1 = arith.constant 0 : i32
    return %add3A_0, %arg1, %c0_i32 : i32, i32, i32
  }
  func.func @transform_2(%arg0: i32, %arg1: i32) -> (i32, i32, i32) {
    %c0_i32 = arith.constant 0 : i32
    %c0_i32_0 = arith.constant 0 : i32
    return %arg0, %arg1, %c0_i32 : i32, i32, i32
  }
}

</mosaic_0001>

<sc_bundles>
// kernel: kernel.5.cloned.1.call-start
scs
__scs_entry_jumppad:
0x0: {  	(pc) =	sbr.rel $0x88, $3  }
0x1: {  	(tag) =	ssettag $0x0;
	lr =	simm.s32 $0x1  }
0x2: {  	[smem:$0x3F9F] =	sst lr;
	_ =	strace $0xD0000000  }
0x3: {  	_ = 	snop  }
0x4: {  	_ = 	snop  }
0x5: {  	_ = 	snop  }
0x6: {  	_ = 	snop  }
0x7: {  	_ = 	snop  }
__scs_overlays_trampoline_lowered:
0x8: {  	[smem:$0x3FAE] =	sst s0  }
0x9: {  	[smem:$0x3FAF] =	sst s1  }
0xa: {  	[smem:$0x3FB0] =	sst s2  }
0xb: {  	[smem:$0x3FB1] =	sst s3  }
0xc: {  	[smem:$0x3FB2] =	sst s4  }
0xd: {  	[smem:$0x3FB3] =	sst s5  }
0xe: {  	[smem:$0x3FB4] =	sst s6  }
0xf: {  	[smem:$0x3FB5] =	sst s7  }
0x10: {  	[smem:$0x3FB6] =	sst s8  }
0x11: {  	[smem:$0x3FB7] =	sst s9;
	s0 =	simm.s32 @!p0 $0x0  }
0x12: {  	s1 =	sld [smem:$0x3F9D];
	s0 =	simm.s32 @p0 $0x1  }
0x13: {  	[smem:$0x3FB8] =	sst s0;
	s0 =	simm.s32 @!p1 $0x0  }
0x14: {  	s2 =	sld [smem:$0x3F9C];
	s0 =	simm.s32 @p1 $0x1  }
0x15: {  	[smem:$0x3FB9] =	sst s0;
	s0 =	simm.s32 @!p2 $0x0  }
0x16: {  	s3 =	sld [smem:$0x3FDB];
	s0 =	simm.s32 @p2 $0x1  }
0x17: {  	s4 =	simm.s32 $0x1BF5;
	[smem:$0x3FBB] =	sst s0  }
0x18: {  	s0 =	sld [smem:$0x3F9E];
	_ =	swait.ge [sflag:s4], $0x0  }
0x19: {  	s7 =	sld [smem:$0x3F9F]  }
0x1a: {  	s8 =	sadd.s32 $0xFFFFE003, lr  }
0x1b: {  	s9 =	sadd.s32 $0xFFFFFEF7, lr;
	s5 =	simm.s32 $0xFFFFFFFF;
	p2 =	slt.u32 s8, $0xFFFFF086  }
0x1c: {  	p1 =	slt.u32 s9, $0xF7A;
	s5 =	simm.s32 @!p2 $0x0  }
0x1d: {  	s5 =	simm.s32 @p1 $0x1;
	p0 =	seq.s32 s7, s2  }
0x1e: {  	s7 =	smul.u32 @!p0 $0xF7A, s2;
	p2 =	seq.s32 @!p0 s5, $0x0  }
0x1f: {  	s9 =	smul.u32 $0xF7A, s1;
	s8 =	simm.s32 @!p0 $0x1BF5;
	p2 =	por !p2, p0  }
0x20: {  	[sflag:s8] =	ssyncset.s32 @!p0 $0xFFFFF086;
	s6 =	sadd.s32 @!p0 s3, s7;
	s7 =	simm.s32 @!p0 $0x108  }
0x21: {  	s3 =	sadd.s32 s3, s9;
	s6 =	sadd.s32 @!p0 $0x88, s6;
	s7 =	simm.s32 @p2 $0x1082  }
0x22: {  	[simem:s7], [sflag:s8] =	dma.local @!p0 [hbm:s6], $0xF7A  }
0x23: {  	s9 =	sor.u32 $0xD0000000, s2;
	s6 =	simm.s32 $0x108;
	_ =	swait.ge @!p0 [sflag:s8], $0x0  }
0x24: {  	s3 =	sadd.s32 $0x88, s3;
	s6 =	simm.s32 @!p1 $0x1082;
	[sflag:s4] =	ssyncset.s32 $0xFFFFF086  }
0x25: {  	[simem:s6], [sflag:s4] =	dma.local [hbm:s3], $0xF7A  }
0x26: {  	[smem:$0x3F9F] =	sst s1;
	(tag) =	ssettag s2;
	_ =	strace s9  }
0x27: {  	s1 =	sld [smem:$0x3FAF]  }
0x28: {  	s2 =	sld [smem:$0x3FB0]  }
0x29: {  	s4 =	sld [smem:$0x3FB2]  }
0x2a: {  	p0 =	seq.s32 s5, $0x0;
	s5 =	sld [smem:$0x3FB3]  }
0x2b: {  	s6 =	sld [smem:$0x3FB4]  }
0x2c: {  	s7 =	sld [smem:$0x3FB5]  }
0x2d: {  	s3 =	simm.s32 $0x108;
	s8 =	sld [smem:$0x3FB6]  }
0x2e: {  	s3 =	simm.s32 @!p0 $0x1082;
	s9 =	sld [smem:$0x3FB7]  }
0x2f: {  	lr =	sadd.s32 s0, s3;
	s0 =	sld [smem:$0x3FAE]  }
0x30: {  	s3 =	sld [smem:$0x3FB1]  }
0x31: {  	[smem:$0x3FBA] =	sst s10  }
0x32: {  	s10 =	sld [smem:$0x3FB8];
	_ =	sdelay $0x3  }
0x33: {  	p0 =	seq.s32 s10, $0x1;
	s10 =	sld [smem:$0x3FBA];
	_ =	sdelay $0x3  }
0x34: {  	[smem:$0x3FBA] =	sst s10  }
0x35: {  	s10 =	sld [smem:$0x3FB9];
	_ =	sdelay $0x3  }
0x36: {  	p1 =	seq.s32 s10, $0x1;
	s10 =	sld [smem:$0x3FBA];
	_ =	sdelay $0x3  }
0x37: {  	[smem:$0x3FBA] =	sst s10  }
0x38: {  	s10 =	sld [smem:$0x3FBB]  }
0x39: {  	_ = 	snop;
	(pc) =	sbr.ind lr, $3  }
0x3a: {  	_ = 	snop  }
0x3b: {  	_ = 	snop  }
0x3c: {  	p2 =	seq.s32 s10, $0x1;
	s10 =	sld [smem:$0x3FBA]  }
0x3d: {  	_ =	shalt  }
0x3e: {  	_ =	shalt  }
0x3f: {  	_ =	shalt  }
0x40: {  	_ =	shalt  }
0x41: {  	_ =	shalt  }
0x42: {  	_ =	shalt  }
0x43: {  	_ =	shalt  }
0x44: {  	_ =	shalt  }
0x45: {  	_ =	shalt  }
0x46: {  	_ =	shalt  }
0x47: {  	_ =	shalt  }
0x48: {  	_ =	shalt  }
0x49: {  	_ =	shalt  }
0x4a: {  	_ =	shalt  }
0x4b: {  	_ =	shalt  }
0x4c: {  	_ =	shalt  }
0x4d: {  	_ =	shalt  }
0x4e: {  	_ =	shalt  }
0x4f: {  	_ =	shalt  }
0x50: {  	_ =	shalt  }
0x51: {  	_ =	shalt  }
0x52: {  	_ =	shalt  }
0x53: {  	_ =	shalt  }
0x54: {  	_ =	shalt  }
0x55: {  	_ =	shalt  }
0x56: {  	_ =	shalt  }
0x57: {  	_ =	shalt  }
0x58: {  	_ =	shalt  }
0x59: {  	_ =	shalt  }
0x5a: {  	_ =	shalt  }
0x5b: {  	_ =	shalt  }
0x5c: {  	_ =	shalt  }
0x5d: {  	_ =	shalt  }
0x5e: {  	_ =	shalt  }
0x5f: {  	_ =	shalt  }
0x60: {  	_ =	shalt  }
0x61: {  	_ =	shalt  }
0x62: {  	_ =	shalt  }
0x63: {  	_ =	shalt  }
0x64: {  	_ =	shalt  }
0x65: {  	_ =	shalt  }
0x66: {  	_ =	shalt  }
0x67: {  	_ =	shalt  }
0x68: {  	_ =	shalt  }
0x69: {  	_ =	shalt  }
0x6a: {  	_ =	shalt  }
0x6b: {  	_ =	shalt  }
0x6c: {  	_ =	shalt  }
0x6d: {  	_ =	shalt  }
0x6e: {  	_ =	shalt  }
0x6f: {  	_ =	shalt  }
0x70: {  	_ =	shalt  }
0x71: {  	_ =	shalt  }
0x72: {  	_ =	shalt  }
0x73: {  	_ =	shalt  }
0x74: {  	_ =	shalt  }
0x75: {  	_ =	shalt  }
0x76: {  	_ =	shalt  }
0x77: {  	_ =	shalt  }
0x78: {  	_ =	shalt  }
0x79: {  	_ =	shalt  }
0x7a: {  	_ =	shalt  }
0x7b: {  	_ =	shalt  }
0x7c: {  	_ =	shalt  }
0x7d: {  	_ =	shalt  }
0x7e: {  	_ =	shalt  }
0x7f: {  	_ =	shalt  }
0x80: {  	_ =	shalt  }
0x81: {  	_ =	shalt  }
0x82: {  	_ =	shalt  }
0x83: {  	_ =	shalt  }
0x84: {  	_ =	shalt  }
0x85: {  	_ =	shalt  }
0x86: {  	_ =	shalt  }
0x87: {  	_ =	shalt  }
.Lfunc_end0:
.L_simem_size_0:
called_computation_lowered:
.L_overlay_start_0:
0x88: {  	s2 =	sld [smem:$0x3FD9]  }
0x89: {  	s3 =	sld [smem:$0x3FFE];
	_ =	sdelay $0x1  }
0x8a: {  	s1 =	srdreg.scid  }
0x8b: {  	s0 =	sand.u32 $0x1, s1  }
0x8c: {  	s16 =	sshll.u32 s0, $0xA;
	s2 =	sadd.s32 s3, s2  }
0x8d: {  	s2 =	sadd.s32 s2, s16  }
0x8e: {  	[smem:$0x3FC6] =	sst s2  }
0x8f: {  	_ = 	snop  }
0x90: {  	(tm) =	ssettm $0x1  }
0x91: {  	s17 =	sld [smem:$0x3FFB];
	_ =	sdelay $0x3  }
0x92: {  	_ =	strace s17  }
0x93: {  	s2 =	sld [smem:$0x3FFC];
	_ =	sdelay $0x3  }
0x94: {  	_ =	strace s2  }
0x95: {  	s2 =	sld [smem:$0x3FFD];
	_ =	sdelay $0x3  }
0x96: {  	_ =	strace s2  }
0x97: {  	_ =	strace $0x8FFFFFFF  }
0x98: {  	s18 =	sld [smem:$0x3FDB];
	_ =	sdelay $0x1  }
0x99: {  	s19 =	simm.s32 $_scs_section_size  }
0x9a: {  	s4 =	simm.s32 $_size__tile_overlayer_lowered;
	s5 =	simm.s32 $_tile_overlayer_lowered  }
0x9b: {  	s22 =	simm.s32 $0x1BFF;
	s21 =	sshll.u32 s5, $0x1;
	s2 =	sadd.s32 s19, s18  }
0x9c: {  	s6 =	simm.s32 $0x0;
	s20 =	sshll.u32 s4, $0x1;
	s4 =	sadd.s32 s21, s2  }
0x9d: {  	[timem:s6], [sflag:s22] =	dma.local [hbm:s4], s20  }
0x9e: {  	_ =	swait.ge [sflag:s22], s20  }
0x9f: {  	s3 =	ssub.s32 $0x0, s20;
	[sflag:s22] =	ssyncset.done $0x0  }
0xa0: {  	[sflag:s22] =	ssyncadd.s32 s3;
	_ =	sdelay $0x1  }
0xa1: {  	s23 =	simm.s32 $0x1B8B  }
0xa2: {  	_ =	swait.ge [sflag:s23], $0x1  }
0xa3: {  	[sflag:s23] =	ssyncset.done $0x0  }
0xa4: {  	s25 =	simm.s32 $0x1B8E;
	s24 =	sld [smem:$0x3FFE];
	[sflag:s23] =	ssyncadd.s32 $0xFFFFFFFF  }
0xa5: {  	s26 =	simm.s32 $execute0_lowered;
	[smem:$0x3FD2] =	sst s25  }
0xa6: {  	s4 =	sshll.u32 s26, $0x1;
	_ =	strace $0x80000046;
	[dreg:$0x1] =	wrdreg $0xFFFFFFFF  }
0xa7: {  	s28 =	simm.s32 $_size_execute0_lowered;
	s2 =	sadd.s32 s2, s4;
	[dreg:$0x0] =	wrdreg $0x0  }
0xa8: {  	s4 =	sshll.u32 s28, $0x1;
	[dreg:$0x2] =	wrdreg s2  }
0xa9: {  	[dreg:$0x3] =	wrdreg s4  }
0xaa: {  	[dreg:$0x4] =	wrdreg $0xC0  }
0xab: {  	_ =	task [dreg:s6], $0x5FFFF  }
0xac: {  	[dreg:$0x1] =	wrdreg $0xFFFFFFFF  }
0xad: {  	[dreg:$0x0] =	wrdreg $0x60  }
0xae: {  	[dreg:$0x2] =	wrdreg s24  }
0xaf: {  	[dreg:$0x3] =	wrdreg $0x9  }
0xb0: {  	_ =	task.clear_ibuf [dreg:s6], $0x4FFFF;
	_ =	strace $0x90000046  }
0xb1: {  	s29 =	simm.s32 $0x9;
	_ =	strace $0x80000048  }
0xb2: {  	_ =	swait.ge [sflag:s29], $0x1  }
0xb3: {  	[sflag:s29] =	ssyncadd.s32 $0xFFFFFFFF  }
0xb4: {  	_ =	strace $0x90000048  }
0xb5: {  	_ =	sfence  }
0xb6: {  	s30 =	sld [smem:$0x0];
	_ =	sdelay $0x2  }
0xb7: {  	s31 =	sshll.u32 s1, $0xD;
	s1 =	sshrl.u32 s1, $0x2  }
0xb8: {  	s3 =	sand.u32 $0x4000, s31;
	s1 =	sadd.s32 s1, s30  }
0xb9: {  	s0 =	sor.u32 s3, s0;
	s1 =	sshll.u32 s1, $0x11  }
0xba: {  	s0 =	sor.u32 s1, s0  }
0xbb: {  	s0 =	sadd.s32 $0x8F2B, s0  }
0xbc: {  	[sflag:s0] =	ssyncadd.remote.s32 $0x1  }
0xbd: {  	_ =	sfence.sel $0xFFFF  }
0xbe: {  	[dreg:$0x0] =	wrdreg $0xFFFFFFFF;
	(pc) =	sbr.abs _section_cstart, $3  }
0xbf: {  	[dreg:$0x1] =	wrdreg $0xFFFFFFFF  }
0xc0: {  	_ =	task.clear_ibuf [dreg:s6], $0x2FFFF;
	_ =	strace $0x9FFFFFFF  }
0xc1: {  	(tm) =	ssettm $0x7FFFFFFF  }
tec
execute0_lowered:
.L_overlay_start_1:
0x0: {  	(tag) =	ssettag $0x1  }
0x1: {  	v0 =	vimm.s32 $0xBAAB9889;
	v1 =	vimm.s32 $0xFEEFDCCD;
	vm0 =	vcmask $0x1F10  }
0x2: {  	v2 =	vimm.s32 $0x76675445;
	v3 =	vimm.s32 $0xB9A89B8A;
	v4 =	vimm.s32 $0xFDECDFCE  }
0x3: {  	v5 =	vimm.s32 $0x31201302;
	v6 =	vimm.s32 $0x75645746;
	v60 =	vimm.s32 $0xB8A99A8B  }
0x4: {  	v61 =	vimm.s32 $0xFCEDDECF;
	v12 =	vimm.s32 $0xBFAE9D8C;
	v13 =	vimm.s32 $0xFBEAD9C8  }
0x5: {  	v7 =	vimm.s32 $0x37261504;
	v8 =	vimm.s32 $0x73625140;
	v9 =	vimm.s32 $0xBEAF9C8D  }
0x6: {  	v10 =	vimm.s32 $0xFAEBD8C9;
	v16 =	vimm.s32 $0x72635041;
	v17 =	vimm.s32 $0xBDAC9F8E  }
0x7: {  	v18 =	vimm.s32 $0xF9E8DBCA;
	v19 =	vimm.s32 $0x35241706;
	v20 =	vimm.s32 $0x71605342  }
0x8: {  	v23 =	vimm.s32 $0xBCAD9E8F;
	v24 =	vimm.s32 $0xF8E9DACB;
	v27 =	vimm.s32 $0x70615243  }
0x9: {  	v28 =	vimm.s32 $0xB3A29180;
	v29 =	vimm.s32 $0xF7E6D5C4;
	v11 =	vimm.s32 $0x3B2A1908  }
0xa: {  	v33 =	vimm.s32 $0x7E6F5C4D;
	v34 =	vimm.s32 $0xB1A09382;
	v35 =	vimm.s32 $0xF5E4D7C6  }
0xb: {  	v36 =	vimm.s32 $0x39281B0A;
	v37 =	vimm.s32 $0x7D6C5F4E;
	v40 =	vimm.s32 $0xB0A19283  }
0xc: {  	v41 =	vimm.s32 $0xF4E5D6C7;
	v44 =	vimm.s32 $0x7C6D5E4F;
	v45 =	vimm.s32 $0xB7A69584  }
0xd: {  	v46 =	vimm.s32 $0xF3E2D1C0;
	v50 =	vimm.s32 $0xB5A49786;
	v51 =	vimm.s32 $0xF1E0D3C2  }
0xe: {  	v52 =	vimm.s32 $0x3D2C1F0E;
	v53 =	vimm.s32 $0x79685B4A;
	v0 =	vunpack.c.0.s8.s32 v0  }
0xf: {  	v1 =	vunpack.c.0.s8.s32 v1;
	v2 =	vunpack.c.0.s8.s32 v2;
	v3 =	vunpack.c.0.s8.s32 v3  }
0x10: {  	v4 =	vunpack.c.0.s8.s32 v4;
	v59 =	vunpack.c.0.s8.s32 v6;
	v62 =	vunpack.c.0.s8.s32 v60  }
0x11: {  	v6 =	vunpack.c.0.s8.s32 v61;
	v7 =	vunpack.c.0.s8.s32 v7;
	v8 =	vunpack.c.0.s8.s32 v8  }
0x12: {  	v14 =	vunpack.c.0.s8.s32 v10;
	v21 =	vunpack.c.0.s8.s32 v19;
	v22 =	vunpack.c.0.s8.s32 v20  }
0x13: {  	v25 =	vunpack.c.0.s8.s32 v24;
	v11 =	vunpack.c.0.s8.s32 v11;
	v38 =	vunpack.c.0.s8.s32 v36  }
0x14: {  	v39 =	vunpack.c.0.s8.s32 v37;
	v42 =	vunpack.c.0.s8.s32 v41;
	v54 =	vunpack.c.0.s8.s32 v53  }
0x15: {  	v0 =	vsel vm0, v1, v0;
	v1 =	vimm.s32 $0x32231001;
	v3 =	vsel vm0, v4, v3  }
0x16: {  	v15 =	vsel vm0, v8, v7;
	v7 =	vunpack.c.0.s8.s32 v17;
	v1 =	vunpack.c.0.s8.s32 v1  }
0x17: {  	v8 =	vunpack.c.0.s8.s32 v18;
	v17 =	vimm.s32 $0xB6A79485;
	v18 =	vimm.s32 $0xF2E3D0C1  }
0x18: {  	v47 =	vunpack.c.0.s8.s32 v17;
	v1 =	vsel vm0, v2, v1;
	v2 =	vunpack.c.0.s8.s32 v5  }
0x19: {  	v48 =	vunpack.c.0.s8.s32 v18;
	v7 =	vsel vm0, v8, v7;
	v8 =	vunpack.c.0.s8.s32 v23  }
0x1a: {  	v5 =	vunpack.c.0.s8.s32 v12;
	v63 =	vcombine.low v1, v0;
	v2 =	vsel vm0, v59, v2  }
0x1b: {  	v1 =	vimm.s32 $0x30211203;
	v3 =	vcombine.low v2, v3;
	v2 =	vimm.s32 $0x74655647  }
0x1c: {  	v12 =	vimm.s32 $0x7F6E5D4C;
	v1 =	vunpack.c.0.s8.s32 v1;
	v2 =	vunpack.c.0.s8.s32 v2  }
0x1d: {  	v0 =	vsel vm0, v6, v62;
	v6 =	vunpack.c.0.s8.s32 v13;
	v12 =	vunpack.c.0.s8.s32 v12  }
0x1e: {  	v13 =	vimm.s32 $0xB2A39081;
	v1 =	vsel vm0, v2, v1;
	v2 =	vunpack.c.0.s8.s32 v9  }
0x1f: {  	v30 =	vunpack.c.0.s8.s32 v13;
	v0 =	vcombine.low v1, v0;
	v1 =	vsel vm0, v6, v5  }
0x20: {  	v5 =	vcombine.low v15, v1;
	v1 =	vsel vm0, v14, v2;
	v2 =	vimm.s32 $0x36271405  }
0x21: {  	v57 =	vand.u32 $0xFF, v63;
	v6 =	vunpack.c.0.s8.s32 v16;
	v2 =	vunpack.c.0.s8.s32 v2  }
0x22: {  	v60 =	vand.u32 $0xFF, v3;
	v9 =	vunpack.c.0.s8.s32 v29;
	v16 =	vimm.s32 $0x7B6A5948  }
0x23: {  	v14 =	vimm.s32 $0xF6E7D4C5;
	v15 =	vimm.s32 $0x3F2E1D0C;
	v2 =	vsel vm0, v6, v2  }
0x24: {  	v6 =	vsel vm0, v22, v21;
	v26 =	vcombine.low v2, v1;
	v2 =	vimm.s32 $0x34251607  }
0x25: {  	v6 =	vcombine.low v6, v7;
	v7 =	vunpack.c.0.s8.s32 v27;
	v2 =	vunpack.c.0.s8.s32 v2  }
0x26: {  	v16 =	vunpack.c.0.s8.s32 v16;
	v1 =	vsel vm0, v25, v8;
	v8 =	vunpack.c.0.s8.s32 v28  }
0x27: {  	v31 =	vunpack.c.0.s8.s32 v14;
	v15 =	vunpack.c.0.s8.s32 v15;
	v2 =	vsel vm0, v7, v2  }
0x28: {  	v32 =	vcombine.low v2, v1;
	v1 =	vsel vm0, v9, v8;
	v2 =	vsel vm0, v12, v11  }
0x29: {  	v7 =	vunpack.c.0.s8.s32 v33;
	v8 =	vcombine.low v2, v1;
	v2 =	vimm.s32 $0x3A2B1809  }
0x2a: {  	v9 =	vunpack.c.0.s8.s32 v34;
	v11 =	vunpack.c.0.s8.s32 v35;
	v2 =	vunpack.c.0.s8.s32 v2  }
0x2b: {  	v61 =	vand.u32 $0xFF, v0;
	v5 =	vand.u32 $0xFF, v5;
	v1 =	vsel vm0, v31, v30  }
0x2c: {  	s3 =	rddreg [dreg:$0x0];
	s2 =	simm.s32 $0x0;
	v9 =	vsel vm0, v11, v9;
	v11 =	vunpack.c.0.s8.s32 v40;
	v2 =	vsel vm0, v7, v2  }
0x2d: {  	[smem:$0x7FF] =	sst s2;
	v7 =	vsel vm0, v39, v38;
	v43 =	vcombine.low v2, v1;
	v2 =	vimm.s32 $0x38291A0B  }
0x2e: {  	s0 =	rddreg [dreg:$0x1];
	_ =	strace $0x80000047;
	[tilespmem:$0x1FF20] =	vst v57;
	v7 =	vcombine.low v7, v9;
	v9 =	vunpack.c.0.s8.s32 v44;
	v2 =	vunpack.c.0.s8.s32 v2  }
0x2f: {  	[tilespmem:$0x1FF30] =	vst v60;
	v12 =	vunpack.c.0.s8.s32 v46;
	v1 =	vsel vm0, v42, v11;
	v11 =	vunpack.c.0.s8.s32 v45  }
0x30: {  	[tilespmem:$0x1FF40] =	vst v61;
	v10 =	vand.u32 $0xFF, v26;
	v6 =	vand.u32 $0xFF, v6;
	v2 =	vsel vm0, v9, v2  }
0x31: {  	s4 =	srdreg.scid;
	[tilespmem:$0x1FF50] =	vst v5;
	v49 =	vcombine.low v2, v1;
	v1 =	vsel vm0, v12, v11;
	v2 =	vsel vm0, v16, v15  }
0x32: {  	s1 =	stileid.u32;
	s8 =	simm.s32 $0x4000;
	s9 =	simm.s32 $0x1;
	[tilespmem:$0x1FF60] =	vst v10;
	v11 =	vcombine.low v2, v1;
	v1 =	vimm.s32 $0x3E2F1C0D;
	v2 =	vimm.s32 $0x7A6B5849  }
0x33: {  	s10 =	simm.s32 $0x8000;
	s11 =	simm.s32 $0xC000;
	s12 =	simm.s32 $0x2;
	[tilespmem:$0x1FF70] =	vst v6;
	v14 =	vand.u32 $0xFF, v32;
	v1 =	vunpack.c.0.s8.s32 v1;
	v2 =	vunpack.c.0.s8.s32 v2  }
0x34: {  	s13 =	simm.s32 $0x80;
	s14 =	simm.s32 $0x400;
	s15 =	simm.s32 $0x10000;
	v8 =	vand.u32 $0xFF, v8;
	[tilespmem:$0x1FF80] =	vst v14;
	v12 =	vunpack.c.0.s8.s32 v50;
	v15 =	vunpack.c.0.s8.s32 v51  }
0x35: {  	s16 =	simm.s32 $0x3;
	s4 =	sand.u32 $0x1, s4;
	s5 =	sshll.u32 s1, $0x1;
	[tilespmem:$0x1FF90] =	vst v8;
	v62 =	vand.u32 $0xFF, v43;
	v19 =	vsel vm0, v2, v1;
	v2 =	vunpack.c.0.s8.s32 v52  }
0x36: {  	s17 =	simm.s32 $0x10400;
	s18 =	simm.s32 $0x0;
	s5 =	sor.u32 s4, s5;
	v53 =	vand.u32 $0xFF, v7;
	v9 =	vsel vm0, v48, v47;
	[tilespmem:$0x1FFA0] =	vst v62;
	v12 =	vsel vm0, v15, v12  }
0x37: {  	s6 =	sshll.u32 s1, $0x8;
	s4 =	ssub.s32 $0x2, s4;
	s7 =	sshll.u32 s5, $0x4;
	[tilespmem:$0x1FFB0] =	vst v53;
	v63 =	vand.u32 $0xFF, v49;
	v0 =	vcombine.low v19, v9;
	v55 =	vsel vm0, v54, v2  }
0x38: {  	s5 =	sshll.u32 s5, $0xC;
	s31 =	sshrl.u32 s4, $0x1;
	s6 =	sor.u32 s6, s7;
	v43 =	vand.u32 $0xFF, v11;
	[tilespmem:$0x1FFC0] =	vst v63;
	v3 =	vcombine.low v55, v12  }
0x39: {  	s5 =	sadd.s32 s5, s3;
	s7 =	ssub.s32 s4, s31;
	s6 =	sand.u32 $0xC70, s6;
	[tilespmem:$0x1FFD0] =	vst v43;
	v40 =	vand.u32 $0xFF, v0  }
0x3a: {  	s4 =	sadd.s32 $0x1600, s5;
	s7 =	smax.u32 s7, $0x1;
	s6 =	sadd.s32 s6, s3;
	[tilespmem:$0x1FFE0] =	vst v40;
	v37 =	vand.u32 $0xFF, v3  }
0x3b: {  	s3 =	sadd.s32 $0xE00, s5;
	s5 =	sadd.s32 $0x20E00, s6;
	s6 =	sadd.s32 $0x21E00, s6;
	v46 =	vlaneseq.u32;
	v1 =	vimm.f32 $0.0e+00;
	v2 =	vimm.f32 $1.000000000e+00;
	[tilespmem:$0x1FFF0] =	vst v37  }
.LBB2_1:
0x3c: {  	[tilespmem:s2], [sflag:$0x1] =	stream.linear.gather [hbm4b:s3+s2], $0x4000, $0x38;
	[tilespmem:$0x10800] =	vst v63  }
0x3d: {  	s20 =	simm.s32 $0x8080  }
0x3e: {  	[tilespmem:s8], [sflag:$0x2] =	stream.linear.gather [hbm4b:s4+s2], $0x4000, $0x38;
	[tilespmem:$0x10800] =	vst v63  }
0x3f: {  	[tilespmem:s20+$0xFFFFFF90] =	vst v1  }
0x40: {  	[tilespmem:s20+$0xFFFFFFA0] =	vst v1  }
0x41: {  	[tilespmem:s20+$0xFFFFFFB0] =	vst v1  }
0x42: {  	[tilespmem:s20+$0xFFFFFFC0] =	vst v1  }
0x43: {  	[tilespmem:s20+$0xFFFFFFD0] =	vst v1  }
0x44: {  	[tilespmem:s20+$0xFFFFFFE0] =	vst v1  }
0x45: {  	[tilespmem:s20+$0xFFFFFFF0] =	vst v1  }
0x46: {  	[tilespmem:s20+$0x0] =	vst v1  }
0x47: {  	[tilespmem:s20+$0x10] =	vst v1  }
0x48: {  	[tilespmem:s20+$0x20] =	vst v1  }
0x49: {  	[tilespmem:s20+$0x30] =	vst v1  }
0x4a: {  	[tilespmem:s20+$0x40] =	vst v1  }
0x4b: {  	[tilespmem:s20+$0x50] =	vst v1  }
0x4c: {  	[tilespmem:s20+$0x60] =	vst v1  }
0x4d: {  	[tilespmem:s20+$0x70] =	vst v1  }
0x4e: {  	s19 =	simm.s32 $0xC080;
	[tilespmem:s20+$0xFFFFFF80] =	vst v1  }
0x4f: {  	[tilespmem:s19+$0xFFFFFF90] =	vst v1  }
0x50: {  	[tilespmem:s19+$0xFFFFFFA0] =	vst v1  }
0x51: {  	[tilespmem:s19+$0xFFFFFFB0] =	vst v1  }
0x52: {  	[tilespmem:s19+$0xFFFFFFC0] =	vst v1  }
0x53: {  	[tilespmem:s19+$0xFFFFFFD0] =	vst v1  }
0x54: {  	[tilespmem:s19+$0xFFFFFFE0] =	vst v1  }
0x55: {  	[tilespmem:s19+$0xFFFFFFF0] =	vst v1  }
0x56: {  	[tilespmem:s19+$0x0] =	vst v1  }
0x57: {  	[tilespmem:s19+$0x10] =	vst v1  }
0x58: {  	[tilespmem:s19+$0x20] =	vst v1  }
0x59: {  	[tilespmem:s19+$0x30] =	vst v1  }
0x5a: {  	[tilespmem:s19+$0x40] =	vst v1  }
0x5b: {  	[tilespmem:s19+$0x50] =	vst v1  }
0x5c: {  	[tilespmem:s19+$0x60] =	vst v1  }
0x5d: {  	[tilespmem:s19+$0x70] =	vst v1  }
0x5e: {  	s21 =	simm.s32 $0x8180;
	s20 =	simm.s32 $0x0;
	[tilespmem:s19+$0xFFFFFF80] =	vst v1  }
.LBB2_2:
0x5f: {  	[tilespmem:s21+$0xFFFFFF90] =	vst v1;
	s19 =	sadd.s32 $0x100, s19  }
0x60: {  	[tilespmem:s19+$0xFFFFFF90] =	vst v1  }
0x61: {  	[tilespmem:s21+$0xFFFFFFA0] =	vst v1  }
0x62: {  	[tilespmem:s19+$0xFFFFFFA0] =	vst v1  }
0x63: {  	[tilespmem:s21+$0xFFFFFFB0] =	vst v1  }
0x64: {  	[tilespmem:s19+$0xFFFFFFB0] =	vst v1  }
0x65: {  	[tilespmem:s21+$0xFFFFFFC0] =	vst v1  }
0x66: {  	[tilespmem:s19+$0xFFFFFFC0] =	vst v1  }
0x67: {  	[tilespmem:s21+$0xFFFFFFD0] =	vst v1  }
0x68: {  	[tilespmem:s19+$0xFFFFFFD0] =	vst v1  }
0x69: {  	[tilespmem:s21+$0xFFFFFFE0] =	vst v1  }
0x6a: {  	[tilespmem:s19+$0xFFFFFFE0] =	vst v1  }
0x6b: {  	[tilespmem:s21+$0xFFFFFFF0] =	vst v1  }
0x6c: {  	[tilespmem:s19+$0xFFFFFFF0] =	vst v1  }
0x6d: {  	[tilespmem:s21+$0x0] =	vst v1  }
0x6e: {  	[tilespmem:s19+$0x0] =	vst v1  }
0x6f: {  	[tilespmem:s21+$0x10] =	vst v1  }
0x70: {  	[tilespmem:s19+$0x10] =	vst v1  }
0x71: {  	[tilespmem:s21+$0x20] =	vst v1  }
0x72: {  	[tilespmem:s19+$0x20] =	vst v1  }
0x73: {  	[tilespmem:s21+$0x30] =	vst v1  }
0x74: {  	[tilespmem:s19+$0x30] =	vst v1  }
0x75: {  	[tilespmem:s21+$0x40] =	vst v1  }
0x76: {  	[tilespmem:s19+$0x40] =	vst v1  }
0x77: {  	[tilespmem:s21+$0x50] =	vst v1  }
0x78: {  	s20 =	sadd.s32 $0x10, s20;
	[tilespmem:s19+$0x50] =	vst v1  }
0x79: {  	p0 =	slt.u32 s20, $0x3F0;
	[tilespmem:s21+$0x60] =	vst v1  }
.Ltmp0:
0x7a: {  	[tilespmem:s19+$0x60] =	vst v1;
	(pc) =	sbr.rel @p0 .LBB2_2-.Ltmp0, $4  }
0x7b: {  	[tilespmem:s21+$0x70] =	vst v1  }
0x7c: {  	[tilespmem:s19+$0x70] =	vst v1  }
0x7d: {  	[tilespmem:s21+$0xFFFFFF80] =	vst v1  }
0x7e: {  	s21 =	sadd.s32 $0x100, s21;
	[tilespmem:s19+$0xFFFFFF80] =	vst v1  }
0x7f: {  	_ =	swait.ge [sflag:s9], $0x4000  }
0x80: {  	[sflag:s9] =	ssyncset.done $0x0  }
0x81: {  	s19 =	simm.s32 $0x100;
	[sflag:s9] =	ssyncadd.s32 $0xFFFFC000  }
0x82: {  	v12 =	vld [tilespmem:s19+$0xF0]  }
0x83: {  	v0 =	vld [tilespmem:s19+$0xFFFFFF10]  }
0x84: {  	v11 =	vld [tilespmem:s19+$0xFFFFFF20]  }
0x85: {  	v10 =	vld [tilespmem:s19+$0xFFFFFF30]  }
0x86: {  	v9 =	vld [tilespmem:s19+$0xFFFFFF40]  }
0x87: {  	v8 =	vld [tilespmem:s19+$0xFFFFFF50]  }
0x88: {  	v7 =	vld [tilespmem:s19+$0xFFFFFF60]  }
0x89: {  	v6 =	vld [tilespmem:s19+$0xFFFFFF70]  }
0x8a: {  	v5 =	vld [tilespmem:s19+$0xFFFFFF80]  }
0x8b: {  	v36 =	vld [tilespmem:s19+$0xFFFFFFB0]  }
0x8c: {  	v35 =	vld [tilespmem:s19+$0xFFFFFFC0]  }
0x8d: {  	v34 =	vld [tilespmem:s19+$0xFFFFFFD0]  }
0x8e: {  	v33 =	vld [tilespmem:s19+$0xFFFFFFE0];
	v3 =	vmul.f32 $2.868157710e+03, v12  }
0x8f: {  	v32 =	vld [tilespmem:s19+$0xFFFFFFF0];
	v4 =	vmul.f32 $2.868157710e+03, v0;
	v13 =	vmul.f32 $2.868157710e+03, v11  }
0x90: {  	v31 =	vld [tilespmem:s19+$0x0];
	v14 =	vmul.f32 $2.868157710e+03, v10;
	v16 =	vmul.f32 $2.868157710e+03, v9  }
0x91: {  	v59 =	vld [tilespmem:s19+$0x10];
	v18 =	vmul.f32 $2.868157710e+03, v8;
	v19 =	vmul.f32 $2.868157710e+03, v7  }
0x92: {  	v42 =	vld [tilespmem:s19+$0xFFFFFF00];
	v20 =	vmul.f32 $2.868157710e+03, v6;
	v55 =	vmul.f32 $2.868157710e+03, v5  }
0x93: {  	v56 =	vmul.f32 $2.868157710e+03, v36;
	v57 =	vmul.f32 $2.868157710e+03, v35  }
0x94: {  	v58 =	vmul.f32 $2.868157710e+03, v34;
	v25 =	vmul.f32 $2.868157710e+03, v33  }
0x95: {  	v28 =	vld [tilespmem:s19+$0x20];
	v63 =	vmul.f32 $2.868157710e+03, v32;
	v29 =	vmul.f32 $2.868157710e+03, v31;
	v3 =	vmin.f32 v3, $1.023000000e+03  }
0x96: {  	v30 =	vld [tilespmem:s19+$0x30];
	v50 =	vmul.f32 $2.868157710e+03, v59;
	v3 =	vtrunc.f32 v3  }
0x97: {  	v54 =	vmul.f32 $2.868157710e+03, v42;
	v17 =	vcvt.f32.s32 v3  }
0x98: {  	v15 =	vmin.f32 v4, $1.023000000e+03;
	v13 =	vmin.f32 v13, $1.023000000e+03;
	v14 =	vmin.f32 v14, $1.023000000e+03  }
0x99: {  	v4 =	vld [tilespmem:s19+$0xFFFFFF90];
	v16 =	vmin.f32 v16, $1.023000000e+03;
	v18 =	vmin.f32 v18, $1.023000000e+03;
	v17 =	vshll.u32 v17, $0x4  }
0x9a: {  	v19 =	vmin.f32 v19, $1.023000000e+03;
	v23 =	vmin.f32 v56, $1.023000000e+03;
	v24 =	vor.u32 v46, v17  }
0x9b: {  	v26 =	vmin.f32 v57, $1.023000000e+03;
	v56 =	vmul.f32 $2.868157710e+03, v28;
	v57 =	vmul.f32 $2.868157710e+03, v30;
	v3 =	vld [tilespmem:s19+$0xFFFFFFA0]  }
0x9c: {  	v62 =	vld [tilespmem:s19+$0x40];
	v20 =	vmin.f32 v20, $1.023000000e+03;
	v15 =	vtrunc.f32 v15;
	v13 =	vtrunc.f32 v13;
	[tilespmem:$0x1FE70] =	vst v59  }
0x9d: {  	v25 =	vmin.f32 v25, $1.023000000e+03;
	v14 =	vtrunc.f32 v14;
	v16 =	vtrunc.f32 v16;
	v53 =	vld [tilespmem:s19+$0x50]  }
0x9e: {  	v37 =	vtrunc.f32 v18;
	v21 =	vmul.f32 $2.868157710e+03, v4;
	v17 =	vmin.f32 v55, $1.023000000e+03;
	v55 =	vld [tilespmem:s19+$0x60];
	[tilespmem:$0x1FE80] =	vst v28  }
0x9f: {  	v27 =	vmin.f32 v58, $1.023000000e+03;
	v44 =	vtrunc.f32 v23;
	v1 =	vtrunc.f32 v25;
	[tilespmem:v24+s10+$0x0] =	vst.idx.add.f32.msk $0xffff, v2  }
0xa0: {  	v25 =	vmin.f32 v54, $1.023000000e+03;
	v22 =	vmul.f32 $2.868157710e+03, v3;
	v21 =	vmin.f32 v21, $1.023000000e+03;
	[tilespmem:$0x1FE90] =	vst v30  }
0xa1: {  	v25 =	vtrunc.f32 v25;
	v41 =	vtrunc.f32 v21;
	v21 =	vmin.f32 v63, $1.023000000e+03;
	v63 =	vld [tilespmem:s19+$0x70]  }
0xa2: {  	v47 =	vtrunc.f32 v27;
	v59 =	vcvt.f32.s32 v25;
	v22 =	vmin.f32 v22, $1.023000000e+03;
	v60 =	vld [tilespmem:s19+$0x80]  }
0xa3: {  	v23 =	vmin.f32 v50, $1.023000000e+03;
	v43 =	vtrunc.f32 v22;
	v22 =	vmin.f32 v29, $1.023000000e+03;
	[tilespmem:v24+s11+$0x0] =	vst.idx.add.f32.msk $0xffff, v12  }
0xa4: {  	v27 =	vshll.u32 v59, $0x4;
	v40 =	vtrunc.f32 v17;
	v17 =	vtrunc.f32 v22;
	v22 =	vld [tilespmem:s19+$0x90];
	[tilespmem:$0x1FEA0] =	vst v55  }
0xa5: {  	v15 =	vcvt.f32.s32 v15;
	v18 =	vtrunc.f32 v23;
	v61 =	vor.u32 v46, v27;
	v23 =	vld [tilespmem:s19+$0xA0]  }
0xa6: {  	v38 =	vtrunc.f32 v19;
	v39 =	vtrunc.f32 v20;
	v24 =	vld [tilespmem:s19+$0xB0]  }
0xa7: {  	v45 =	vtrunc.f32 v26;
	v26 =	vmin.f32 v56, $1.023000000e+03;
	v15 =	vshll.u32 v15, $0x4;
	v49 =	vld [tilespmem:s19+$0xC0];
	[tilespmem:$0x1FEB0] =	vst v60  }
0xa8: {  	v13 =	vcvt.f32.s32 v13;
	v14 =	vcvt.f32.s32 v14;
	v15 =	vor.u32 v46, v15;
	v50 =	vld [tilespmem:s19+$0xD0]  }
0xa9: {  	v58 =	vmin.f32 v57, $1.023000000e+03;
	v16 =	vcvt.f32.s32 v16;
	v56 =	vmul.f32 $2.868157710e+03, v60;
	v60 =	vld [tilespmem:s19+$0xE0];
	[tilespmem:$0x1FEC0] =	vst v22  }
0xaa: {  	v37 =	vcvt.f32.s32 v37;
	v13 =	vshll.u32 v13, $0x4;
	v28 =	vmul.f32 $2.868157710e+03, v62;
	[tilespmem:v61+s10+$0x0] =	vst.idx.add.f32.msk $0xffff, v2  }
0xab: {  	v51 =	vtrunc.f32 v58;
	v14 =	vshll.u32 v14, $0x4;
	v13 =	vor.u32 v46, v13;
	[tilespmem:v61+s11+$0x0] =	vst.idx.add.f32.msk $0xffff, v42  }
0xac: {  	v59 =	vcvt.f32.s32 v47;
	v28 =	vmin.f32 v28, $1.023000000e+03;
	v40 =	vcvt.f32.s32 v40;
	[tilespmem:$0x1FED0] =	vst v23  }
0xad: {  	v16 =	vshll.u32 v16, $0x4;
	v19 =	vtrunc.f32 v28;
	v28 =	vcvt.f32.s32 v39;
	[tilespmem:v15+s10+$0x0] =	vst.idx.add.f32.msk $0xffff, v2  }
0xae: {  	v14 =	vor.u32 v46, v14;
	v48 =	vtrunc.f32 v21;
	v29 =	vmul.f32 $2.868157710e+03, v53;
	[tilespmem:v15+s11+$0x0] =	vst.idx.add.f32.msk $0xffff, v0  }
0xaf: {  	v37 =	vshll.u32 v37, $0x4;
	v30 =	vmul.f32 $2.868157710e+03, v55;
	v52 =	vcvt.f32.s32 v43;
	[tilespmem:$0x1FEE0] =	vst v24  }
0xb0: {  	v12 =	vtrunc.f32 v26;
	v29 =	vmin.f32 v29, $1.023000000e+03;
	v21 =	vcvt.f32.s32 v17;
	[tilespmem:v13+s10+$0x0] =	vst.idx.add.f32.msk $0xffff, v2  }
0xb1: {  	v16 =	vor.u32 v46, v16;
	v55 =	vtrunc.f32 v29;
	v12 =	vcvt.f32.s32 v12;
	[tilespmem:v13+s11+$0x0] =	vst.idx.add.f32.msk $0xffff, v11  }
0xb2: {  	v30 =	vmin.f32 v30, $1.023000000e+03;
	v0 =	vmul.f32 $2.868157710e+03, v24;
	v24 =	vcvt.f32.s32 v38;
	[tilespmem:$0x1FEF0] =	vst v49  }
0xb3: {  	v37 =	vor.u32 v46, v37;
	v57 =	vtrunc.f32 v30;
	v25 =	vcvt.f32.s32 v55;
	[tilespmem:v14+s10+$0x0] =	vst.idx.add.f32.msk $0xffff, v2  }
0xb4: {  	v26 =	vcvt.f32.s32 v57;
	v54 =	vmul.f32 $2.868157710e+03, v63;
	v15 =	vshll.u32 v24, $0x4;
	[tilespmem:v14+s11+$0x0] =	vst.idx.add.f32.msk $0xffff, v10  }
0xb5: {  	v58 =	vmul.f32 $2.868157710e+03, v22;
	v13 =	vshll.u32 v28, $0x4;
	v15 =	vor.u32 v46, v15;
	[tilespmem:$0x1FF00] =	vst v50  }
0xb6: {  	v22 =	vcvt.f32.s32 v18;
	v54 =	vmin.f32 v54, $1.023000000e+03;
	v13 =	vor.u32 v46, v13;
	[tilespmem:v16+s10+$0x0] =	vst.idx.add.f32.msk $0xffff, v2  }
0xb7: {  	v56 =	vmin.f32 v56, $1.023000000e+03;
	v27 =	vmul.f32 $2.868157710e+03, v49;
	v54 =	vtrunc.f32 v54;
	[tilespmem:v16+s11+$0x0] =	vst.idx.add.f32.msk $0xffff, v9  }
0xb8: {  	v12 =	vshll.u32 v12, $0x4;
	v61 =	vmul.f32 $2.868157710e+03, v23;
	v20 =	vtrunc.f32 v56;
	[tilespmem:$0x1FF10] =	vst v60  }
0xb9: {  	v56 =	vcvt.f32.s32 v44;
	v49 =	vcvt.f32.s32 v41;
	v14 =	vshll.u32 v40, $0x4;
	[tilespmem:v37+s10+$0x0] =	vst.idx.add.f32.msk $0xffff, v2  }
0xba: {  	v44 =	vshll.u32 v26, $0x4;
	v23 =	vmin.f32 v58, $1.023000000e+03;
	v14 =	vor.u32 v46, v14;
	[tilespmem:v15+s10+$0x0] =	vst.idx.add.f32.msk $0xffff, v2  }
0xbb: {  	v58 =	vcvt.f32.s32 v45;
	v42 =	vmin.f32 v61, $1.023000000e+03;
	v16 =	vshll.u32 v49, $0x4;
	[tilespmem:v13+s10+$0x0] =	vst.idx.add.f32.msk $0xffff, v2  }
0xbc: {  	v61 =	vcvt.f32.s32 v48;
	v9 =	vshll.u32 v52, $0x4;
	v16 =	vor.u32 v46, v16;
	[tilespmem:v37+s11+$0x0] =	vst.idx.add.f32.msk $0xffff, v8  }
0xbd: {  	v29 =	vtrunc.f32 v42;
	v30 =	vmul.f32 $2.868157710e+03, v50;
	v9 =	vor.u32 v46, v9;
	[tilespmem:v15+s11+$0x0] =	vst.idx.add.f32.msk $0xffff, v7  }
0xbe: {  	v55 =	vor.u32 v46, v44;
	v42 =	vmul.f32 $2.868157710e+03, v60;
	v60 =	vcvt.f32.s32 v1;
	[tilespmem:v13+s11+$0x0] =	vst.idx.add.f32.msk $0xffff, v6  }
0xbf: {  	v38 =	vtrunc.f32 v23;
	v39 =	vcvt.f32.s32 v29;
	v40 =	vshll.u32 v22, $0x4;
	[tilespmem:v14+s10+$0x0] =	vst.idx.add.f32.msk $0xffff, v2  }
0xc0: {  	v7 =	vshll.u32 v56, $0x4;
	v29 =	vshll.u32 v60, $0x4;
	v60 =	vor.u32 v46, v40;
	[tilespmem:v14+s11+$0x0] =	vst.idx.add.f32.msk $0xffff, v5  }
0xc1: {  	v23 =	vcvt.f32.s32 v51;
	v15 =	vshll.u32 v58, $0x4;
	v7 =	vor.u32 v46, v7;
	[tilespmem:v16+s10+$0x0] =	vst.idx.add.f32.msk $0xffff, v2  }
0xc2: {  	v0 =	vmin.f32 v0, $1.023000000e+03;
	v37 =	vshll.u32 v59, $0x4;
	v15 =	vor.u32 v46, v15;
	[tilespmem:v9+s10+$0x0] =	vst.idx.add.f32.msk $0xffff, v2  }
0xc3: {  	v38 =	vcvt.f32.s32 v38;
	v6 =	vshll.u32 v61, $0x4;
	v37 =	vor.u32 v46, v37;
	[tilespmem:v16+s11+$0x0] =	vst.idx.add.f32.msk $0xffff, v4  }
0xc4: {  	v0 =	vtrunc.f32 v0;
	v24 =	vcvt.f32.s32 v19;
	v6 =	vor.u32 v46, v6;
	[tilespmem:v9+s11+$0x0] =	vst.idx.add.f32.msk $0xffff, v3  }
0xc5: {  	v11 =	vmin.f32 v27, $1.023000000e+03;
	v27 =	vcvt.f32.s32 v54;
	v28 =	vcvt.f32.s32 v20;
	[tilespmem:v60+s10+$0x0] =	vst.idx.add.f32.msk $0xffff, v2  }
0xc6: {  	v47 =	vshll.u32 v39, $0x4;
	v11 =	vtrunc.f32 v11;
	v0 =	vcvt.f32.s32 v0;
	[tilespmem:v7+s10+$0x0] =	vst.idx.add.f32.msk $0xffff, v2  }
0xc7: {  	v45 =	vshll.u32 v38, $0x4;
	v41 =	vshll.u32 v24, $0x4;
	v10 =	vmin.f32 v30, $1.023000000e+03;
	[tilespmem:v15+s10+$0x0] =	vst.idx.add.f32.msk $0xffff, v2  }
0xc8: {  	v57 =	vor.u32 v46, v41;
	v0 =	vshll.u32 v0, $0x4;
	v50 =	vmin.f32 v42, $1.023000000e+03;
	[tilespmem:v37+s10+$0x0] =	vst.idx.add.f32.msk $0xffff, v2  }
0xc9: {  	v10 =	vtrunc.f32 v10;
	v42 =	vshll.u32 v25, $0x4;
	v9 =	vor.u32 v46, v29;
	[tilespmem:v6+s10+$0x0] =	vst.idx.add.f32.msk $0xffff, v2  }
0xca: {  	v8 =	vtrunc.f32 v50;
	v59 =	vor.u32 v46, v12;
	[tilespmem:v7+s11+$0x0] =	vst.idx.add.f32.msk $0xffff, v36;
	v36 =	vshll.u32 v21, $0x4  }
0xcb: {  	v30 =	vcvt.f32.s32 v8;
	v5 =	vshll.u32 v23, $0x4;
	[tilespmem:v15+s11+$0x0] =	vst.idx.add.f32.msk $0xffff, v35;
	v8 =	vor.u32 v46, v36  }
0xcc: {  	v10 =	vcvt.f32.s32 v10;
	v56 =	vor.u32 v46, v42;
	v58 =	vor.u32 v46, v5;
	[tilespmem:v37+s11+$0x0] =	vst.idx.add.f32.msk $0xffff, v34  }
0xcd: {  	v61 =	vshll.u32 v30, $0x4;
	v3 =	vcvt.f32.s32 v11;
	v4 =	vshll.u32 v27, $0x4;
	[tilespmem:v6+s11+$0x0] =	vst.idx.add.f32.msk $0xffff, v32  }
0xce: {  	v16 =	vshll.u32 v28, $0x4;
	v49 =	vor.u32 v46, v61;
	v54 =	vor.u32 v46, v4;
	[tilespmem:v9+s10+$0x0] =	vst.idx.add.f32.msk $0xffff, v2  }
0xcf: {  	v52 =	vshll.u32 v10, $0x4;
	v51 =	vor.u32 v46, v16;
	v35 =	vor.u32 v46, v47;
	[tilespmem:v9+s11+$0x0] =	vst.idx.add.f32.msk $0xffff, v33  }
0xd0: {  	v3 =	vshll.u32 v3, $0x4;
	v34 =	vor.u32 v46, v0;
	v32 =	vor.u32 v46, v52;
	[tilespmem:v8+s10+$0x0] =	vst.idx.add.f32.msk $0xffff, v2  }
0xd1: {  	s20 =	simm.s32 $0x300;
	s19 =	simm.s32 $0x0;
	v36 =	vor.u32 v46, v45;
	v33 =	vor.u32 v46, v3;
	[tilespmem:v8+s11+$0x0] =	vst.idx.add.f32.msk $0xffff, v31  }
.LBB2_4:
0xd2: {  	v1 =	vld [tilespmem:s20+$0xFFFFFF20];
	_ =	sdelay $0x4  }
0xd3: {  	[tilespmem:$0x1FDA0] =	vst v1;
	v5 =	vmul.f32 $2.868157710e+03, v1;
	v1 =	vld [tilespmem:s20+$0xFFFFFF70];
	_ =	sdelay $0x2  }
0xd4: {  	v0 =	vld [tilespmem:s20+$0xF0]  }
0xd5: {  	v6 =	vld [tilespmem:s20+$0xFFFFFF30]  }
0xd6: {  	[tilespmem:$0x1FDF0] =	vst v1;
	v11 =	vmul.f32 $2.868157710e+03, v1;
	v1 =	vld [tilespmem:s20+$0xFFFFFFC0]  }
0xd7: {  	v7 =	vld [tilespmem:s20+$0xFFFFFF40]  }
0xd8: {  	v14 =	vld [tilespmem:s20+$0xFFFFFFA0]  }
0xd9: {  	v8 =	vld [tilespmem:s20+$0xFFFFFF50]  }
0xda: {  	v9 =	vld [tilespmem:s20+$0xFFFFFF60]  }
0xdb: {  	[tilespmem:$0x1FE40] =	vst v1;
	v39 =	vmul.f32 $2.868157710e+03, v1;
	v1 =	vld [tilespmem:$0x1FE70]  }
0xdc: {  	v12 =	vld [tilespmem:s20+$0xFFFFFF80]  }
0xdd: {  	v17 =	vld [tilespmem:s20+$0xFFFFFFD0];
	[tilespmem:$0x1FE20] =	vst v14;
	v14 =	vmul.f32 $2.868157710e+03, v14  }
0xde: {  	v47 =	vmov v53;
	v53 =	vmov v62;
	v62 =	vld [tilespmem:s20+$0x20]  }
0xdf: {  	v38 =	vmin.f32 v14, $1.023000000e+03;
	v14 =	vld [tilespmem:s20+$0x10]  }
0xe0: {  	[tilespmem:v60+s11+$0x0] =	vst.idx.add.f32.msk $0xffff, v1  }
0xe1: {  	v1 =	vld [tilespmem:$0x1FE80]  }
0xe2: {  	v13 =	vld [tilespmem:s20+$0xFFFFFF90]  }
0xe3: {  	v24 =	vld [tilespmem:s20+$0x60]  }
0xe4: {  	[tilespmem:v59+s10+$0x0] =	vst.idx.add.f32.msk $0xffff, v2  }
0xe5: {  	[tilespmem:$0x1FE50] =	vst v17;
	v61 =	vmul.f32 $2.868157710e+03, v17;
	v17 =	vld [tilespmem:s20+$0x30]  }
0xe6: {  	[tilespmem:v59+s11+$0x0] =	vst.idx.add.f32.msk $0xffff, v1;
	v1 =	vmov v62  }
0xe7: {  	[tilespmem:$0x1FE80] =	vst v1;
	v1 =	vld [tilespmem:$0x1FE90]  }
0xe8: {  	v28 =	vld [tilespmem:s20+$0x80]  }
0xe9: {  	v30 =	vld [tilespmem:s20+$0x90]  }
0xea: {  	[tilespmem:v55+s10+$0x0] =	vst.idx.add.f32.msk $0xffff, v2  }
0xeb: {  	[tilespmem:v58+s10+$0x0] =	vst.idx.add.f32.msk $0xffff, v2  }
0xec: {  	[tilespmem:v58+s11+$0x0] =	vst.idx.add.f32.msk $0xffff, v1;
	v1 =	vmov v17  }
0xed: {  	[tilespmem:$0x1FE90] =	vst v1;
	v1 =	vld [tilespmem:$0x1FEA0]  }
0xee: {  	[tilespmem:v51+s10+$0x0] =	vst.idx.add.f32.msk $0xffff, v2;
	v3 =	vmul.f32 $2.868157710e+03, v0  }
0xef: {  	[tilespmem:v36+s10+$0x0] =	vst.idx.add.f32.msk $0xffff, v2  }
0xf0: {  	v16 =	vld [tilespmem:s20+$0xFFFFFFB0];
	[tilespmem:$0x1FDB0] =	vst v6;
	v3 =	vmin.f32 v3, $1.023000000e+03  }
0xf1: {  	v50 =	vld [tilespmem:s20+$0xFFFFFFF0];
	[tilespmem:$0x1FDC0] =	vst v7;
	v3 =	vtrunc.f32 v3  }
0xf2: {  	v3 =	vcvt.f32.s32 v3;
	[tilespmem:v55+s11+$0x0] =	vst.idx.add.f32.msk $0xffff, v1;
	v1 =	vmov v24  }
0xf3: {  	[tilespmem:$0x1FEA0] =	vst v1;
	v1 =	vld [tilespmem:$0x1FEB0]  }
0xf4: {  	v52 =	vld [tilespmem:s20+$0x0];
	[tilespmem:$0x1FDD0] =	vst v8;
	v3 =	vshll.u32 v3, $0x4  }
0xf5: {  	[tilespmem:$0x1FDE0] =	vst v9;
	v6 =	vmul.f32 $2.868157710e+03, v6;
	v3 =	vor.u32 v46, v3  }
0xf6: {  	v18 =	vld [tilespmem:s20+$0xFFFFFFE0];
	[tilespmem:$0x1FE00] =	vst v12;
	v7 =	vmul.f32 $2.868157710e+03, v7;
	v8 =	vmul.f32 $2.868157710e+03, v8  }
0xf7: {  	[tilespmem:$0x1FE10] =	vst v13;
	v9 =	vmul.f32 $2.868157710e+03, v9;
	v12 =	vmul.f32 $2.868157710e+03, v12  }
0xf8: {  	v13 =	vmul.f32 $2.868157710e+03, v13;
	v37 =	vmul.f32 $2.868157710e+03, v16;
	[tilespmem:v51+s11+$0x0] =	vst.idx.add.f32.msk $0xffff, v1;
	v1 =	vmov v28  }
0xf9: {  	v41 =	vmul.f32 $2.868157710e+03, v50;
	v42 =	vmul.f32 $2.868157710e+03, v52;
	v6 =	vmin.f32 v6, $1.023000000e+03;
	[tilespmem:$0x1FEB0] =	vst v1;
	v1 =	vld [tilespmem:$0x1FEC0]  }
0xfa: {  	v7 =	vmin.f32 v7, $1.023000000e+03;
	v31 =	vmin.f32 v9, $1.023000000e+03;
	v12 =	vmin.f32 v12, $1.023000000e+03;
	[tilespmem:v3+s10+$0x0] =	vst.idx.add.f32.msk $0xffff, v2  }
0xfb: {  	v15 =	vmin.f32 v13, $1.023000000e+03;
	[tilespmem:v3+s11+$0x0] =	vst.idx.add.f32.msk $0xffff, v0;
	v0 =	vmin.f32 v39, $1.023000000e+03;
	v3 =	vmul.f32 $2.868157710e+03, v18  }
0xfc: {  	[tilespmem:$0x1FE60] =	vst v18;
	v9 =	vtrunc.f32 v6;
	v18 =	vtrunc.f32 v0;
	v0 =	vmin.f32 v41, $1.023000000e+03  }
0xfd: {  	v13 =	vtrunc.f32 v12;
	v12 =	vld [tilespmem:s20+$0xA0];
	v3 =	vmin.f32 v3, $1.023000000e+03;
	v23 =	vtrunc.f32 v0  }
0xfe: {  	v0 =	vmul.f32 $2.868157710e+03, v14;
	v21 =	vtrunc.f32 v3;
	v3 =	vmin.f32 v42, $1.023000000e+03;
	[tilespmem:v36+s11+$0x0] =	vst.idx.add.f32.msk $0xffff, v1;
	v1 =	vmovc v30  }
0xff: {  	v8 =	vmin.f32 v8, $1.023000000e+03;
	v25 =	vtrunc.f32 v3;
	v3 =	vmul.f32 $2.868157710e+03, v62;
	[tilespmem:$0x1FEC0] =	vst v1;
	v1 =	vld [tilespmem:$0x1FED0]  }
0x100: {  	v6 =	vtrunc.f32 v7;
	v43 =	vmul.f32 $2.868157710e+03, v17;
	v0 =	vmin.f32 v0, $1.023000000e+03  }
0x101: {  	v4 =	vld [tilespmem:s20+$0xFFFFFF10];
	v7 =	vtrunc.f32 v8;
	v29 =	vtrunc.f32 v0;
	v0 =	vmin.f32 v3, $1.023000000e+03  }
0x102: {  	v8 =	vtrunc.f32 v31;
	[tilespmem:v35+s10+$0x0] =	vst.idx.add.f32.msk $0xffff, v2;
	v31 =	vtrunc.f32 v0;
	v0 =	vmin.f32 v43, $1.023000000e+03  }
0x103: {  	[tilespmem:$0x1FE30] =	vst v16;
	v16 =	vmin.f32 v37, $1.023000000e+03;
	v37 =	vtrunc.f32 v0;
	v0 =	vld [tilespmem:s20+$0xB0]  }
0x104: {  	[tilespmem:v35+s11+$0x0] =	vst.idx.add.f32.msk $0xffff, v1;
	v1 =	vmov v12  }
0x105: {  	[tilespmem:$0x1FED0] =	vst v1;
	v1 =	vld [tilespmem:$0x1FEE0];
	_ =	sdelay $0x1  }
0x106: {  	v19 =	vld [tilespmem:s20+$0x40];
	v5 =	vmin.f32 v5, $1.023000000e+03  }
0x107: {  	[tilespmem:$0x1FD90] =	vst v4;
	v10 =	vtrunc.f32 v5;
	v5 =	vld [tilespmem:s20+$0xC0]  }
0x108: {  	[tilespmem:v34+s10+$0x0] =	vst.idx.add.f32.msk $0xffff, v2  }
0x109: {  	[tilespmem:v34+s11+$0x0] =	vst.idx.add.f32.msk $0xffff, v1;
	v1 =	vmov v0  }
0x10a: {  	v4 =	vmul.f32 $2.868157710e+03, v4;
	[tilespmem:$0x1FEE0] =	vst v1;
	v1 =	vld [tilespmem:$0x1FEF0]  }
0x10b: {  	v22 =	vld [tilespmem:s20+$0x50]  }
0x10c: {  	v4 =	vmin.f32 v4, $1.023000000e+03  }
0x10d: {  	v4 =	vtrunc.f32 v4;
	[tilespmem:v33+s10+$0x0] =	vst.idx.add.f32.msk $0xffff, v2  }
0x10e: {  	v27 =	vcvt.f32.s32 v4;
	v4 =	vld [tilespmem:s20+$0xD0]  }
0x10f: {  	v3 =	vmul.f32 $2.868157710e+03, v19;
	[tilespmem:v33+s11+$0x0] =	vst.idx.add.f32.msk $0xffff, v1;
	v1 =	vmov v5  }
0x110: {  	v44 =	vmul.f32 $2.868157710e+03, v22;
	v45 =	vmul.f32 $2.868157710e+03, v24;
	[tilespmem:$0x1FEF0] =	vst v1;
	v1 =	vld [tilespmem:$0x1FF00]  }
0x111: {  	v48 =	vmovc v63;
	v40 =	vmin.f32 v61, $1.023000000e+03;
	v63 =	vtrunc.f32 v38;
	v3 =	vmin.f32 v3, $1.023000000e+03  }
0x112: {  	[tilespmem:v56+s10+$0x0] =	vst.idx.add.f32.msk $0xffff, v2;
	v20 =	vtrunc.f32 v40;
	v38 =	vtrunc.f32 v3;
	v3 =	vmin.f32 v44, $1.023000000e+03  }
0x113: {  	[tilespmem:v32+s10+$0x0] =	vst.idx.add.f32.msk $0xffff, v2;
	v60 =	vmovc v14;
	v44 =	vmul.f32 $2.868157710e+03, v12;
	v40 =	vtrunc.f32 v3;
	v3 =	vmin.f32 v45, $1.023000000e+03  }
0x114: {  	[tilespmem:$0x1FE70] =	vst v60;
	v42 =	vtrunc.f32 v3;
	v3 =	vld [tilespmem:s20+$0xE0]  }
0x115: {  	v60 =	vmin.f32 v44, $1.023000000e+03;
	v44 =	vmul.f32 $2.868157710e+03, v5;
	v45 =	vmul.f32 $2.868157710e+03, v0;
	[tilespmem:v32+s11+$0x0] =	vst.idx.add.f32.msk $0xffff, v1;
	v1 =	vmovc v4  }
0x116: {  	[tilespmem:$0x1FF00] =	vst v1;
	v1 =	vld [tilespmem:$0x1FF10]  }
0x117: {  	[tilespmem:v56+s11+$0x0] =	vst.idx.add.f32.msk $0xffff, v47;
	v47 =	vcvt.f32.s32 v63;
	v44 =	vmin.f32 v44, $1.023000000e+03;
	v45 =	vmin.f32 v45, $1.023000000e+03  }
0x118: {  	[tilespmem:v57+s10+$0x0] =	vst.idx.add.f32.msk $0xffff, v2;
	v44 =	vtrunc.f32 v44;
	v45 =	vtrunc.f32 v45  }
0x119: {  	[tilespmem:v57+s11+$0x0] =	vst.idx.add.f32.msk $0xffff, v53;
	v53 =	vmovc v22;
	v22 =	vshll.u32 v47, $0x4;
	v47 =	vcvt.f32.s32 v44;
	v45 =	vcvt.f32.s32 v45  }
0x11a: {  	v27 =	vshll.u32 v27, $0x4;
	[tilespmem:v49+s10+$0x0] =	vst.idx.add.f32.msk $0xffff, v2  }
0x11b: {  	v44 =	vshll.u32 v45, $0x4;
	v45 =	vshll.u32 v47, $0x4;
	v47 =	vor.u32 v46, v27;
	[tilespmem:v49+s11+$0x0] =	vst.idx.add.f32.msk $0xffff, v1;
	v1 =	vmovc v3  }
0x11c: {  	[tilespmem:$0x1FF10] =	vst v1;
	v1 =	vld [tilespmem:$0x1FD90];
	_ =	sdelay $0x1  }
0x11d: {  	v10 =	vcvt.f32.s32 v10;
	_ =	sdelay $0x1  }
0x11e: {  	v10 =	vshll.u32 v10, $0x4;
	[tilespmem:v47+s10+$0x0] =	vst.idx.add.f32.msk $0xffff, v2  }
0x11f: {  	v10 =	vor.u32 v46, v10;
	[tilespmem:v47+s11+$0x0] =	vst.idx.add.f32.msk $0xffff, v1  }
0x120: {  	v1 =	vld [tilespmem:$0x1FDA0];
	_ =	sdelay $0x1  }
0x121: {  	v9 =	vcvt.f32.s32 v9;
	_ =	sdelay $0x1  }
0x122: {  	v9 =	vshll.u32 v9, $0x4;
	[tilespmem:v10+s10+$0x0] =	vst.idx.add.f32.msk $0xffff, v2  }
0x123: {  	v9 =	vor.u32 v46, v9;
	[tilespmem:v10+s11+$0x0] =	vst.idx.add.f32.msk $0xffff, v1  }
0x124: {  	v1 =	vld [tilespmem:$0x1FDB0];
	_ =	sdelay $0x1  }
0x125: {  	v6 =	vcvt.f32.s32 v6;
	_ =	sdelay $0x1  }
0x126: {  	v6 =	vshll.u32 v6, $0x4;
	[tilespmem:v9+s10+$0x0] =	vst.idx.add.f32.msk $0xffff, v2  }
0x127: {  	v6 =	vor.u32 v46, v6;
	[tilespmem:v9+s11+$0x0] =	vst.idx.add.f32.msk $0xffff, v1  }
0x128: {  	v1 =	vld [tilespmem:$0x1FDC0];
	_ =	sdelay $0x1  }
0x129: {  	v7 =	vcvt.f32.s32 v7;
	_ =	sdelay $0x1  }
0x12a: {  	v7 =	vshll.u32 v7, $0x4;
	[tilespmem:v6+s10+$0x0] =	vst.idx.add.f32.msk $0xffff, v2  }
0x12b: {  	v7 =	vor.u32 v46, v7;
	[tilespmem:v6+s11+$0x0] =	vst.idx.add.f32.msk $0xffff, v1  }
0x12c: {  	v1 =	vld [tilespmem:$0x1FDD0];
	_ =	sdelay $0x1  }
0x12d: {  	v8 =	vcvt.f32.s32 v8;
	_ =	sdelay $0x1  }
0x12e: {  	v8 =	vshll.u32 v8, $0x4;
	[tilespmem:v7+s10+$0x0] =	vst.idx.add.f32.msk $0xffff, v2  }
0x12f: {  	v8 =	vor.u32 v46, v8;
	[tilespmem:v7+s11+$0x0] =	vst.idx.add.f32.msk $0xffff, v1  }
0x130: {  	v11 =	vmin.f32 v11, $1.023000000e+03;
	v1 =	vld [tilespmem:$0x1FDE0]  }
0x131: {  	v11 =	vtrunc.f32 v11  }
0x132: {  	v11 =	vcvt.f32.s32 v11;
	_ =	sdelay $0x1  }
0x133: {  	v11 =	vshll.u32 v11, $0x4;
	[tilespmem:v8+s10+$0x0] =	vst.idx.add.f32.msk $0xffff, v2  }
0x134: {  	v11 =	vor.u32 v46, v11;
	[tilespmem:v8+s11+$0x0] =	vst.idx.add.f32.msk $0xffff, v1  }
0x135: {  	v1 =	vld [tilespmem:$0x1FDF0];
	_ =	sdelay $0x1  }
0x136: {  	v13 =	vcvt.f32.s32 v13;
	_ =	sdelay $0x1  }
0x137: {  	v13 =	vshll.u32 v13, $0x4;
	[tilespmem:v11+s10+$0x0] =	vst.idx.add.f32.msk $0xffff, v2  }
0x138: {  	v13 =	vor.u32 v46, v13;
	[tilespmem:v11+s11+$0x0] =	vst.idx.add.f32.msk $0xffff, v1  }
0x139: {  	v1 =	vld [tilespmem:$0x1FE00]  }
0x13a: {  	v15 =	vtrunc.f32 v15  }
0x13b: {  	v15 =	vcvt.f32.s32 v15;
	_ =	sdelay $0x1  }
0x13c: {  	v15 =	vshll.u32 v15, $0x4;
	[tilespmem:v13+s10+$0x0] =	vst.idx.add.f32.msk $0xffff, v2  }
0x13d: {  	v15 =	vor.u32 v46, v15;
	[tilespmem:v13+s11+$0x0] =	vst.idx.add.f32.msk $0xffff, v1  }
0x13e: {  	v1 =	vld [tilespmem:$0x1FE10];
	_ =	sdelay $0x3  }
0x13f: {  	[tilespmem:v15+s10+$0x0] =	vst.idx.add.f32.msk $0xffff, v2  }
0x140: {  	v22 =	vor.u32 v46, v22;
	[tilespmem:v15+s11+$0x0] =	vst.idx.add.f32.msk $0xffff, v1  }
0x141: {  	v1 =	vld [tilespmem:$0x1FE20]  }
0x142: {  	v61 =	vld [tilespmem:s20+$0xFFFFFF00];
	v16 =	vtrunc.f32 v16;
	v43 =	vmul.f32 $2.868157710e+03, v30  }
0x143: {  	v26 =	vld [tilespmem:s20+$0x70];
	v16 =	vcvt.f32.s32 v16  }
0x144: {  	v43 =	vmin.f32 v43, $1.023000000e+03  }
0x145: {  	v20 =	vcvt.f32.s32 v20;
	v16 =	vshll.u32 v16, $0x4;
	[tilespmem:v22+s10+$0x0] =	vst.idx.add.f32.msk $0xffff, v2;
	v14 =	vtrunc.f32 v43  }
0x146: {  	v16 =	vor.u32 v46, v16;
	v43 =	vtrunc.f32 v60;
	v60 =	vmul.f32 $2.868157710e+03, v4;
	[tilespmem:v22+s11+$0x0] =	vst.idx.add.f32.msk $0xffff, v1  }
0x147: {  	v20 =	vshll.u32 v20, $0x4;
	v62 =	vmul.f32 $2.868157710e+03, v61;
	v59 =	vmul.f32 $2.868157710e+03, v3;
	v1 =	vld [tilespmem:$0x1FE30]  }
0x148: {  	v39 =	vmul.f32 $2.868157710e+03, v26;
	v18 =	vcvt.f32.s32 v18;
	v60 =	vmin.f32 v60, $1.023000000e+03  }
0x149: {  	v17 =	vtrunc.f32 v60;
	v60 =	vmin.f32 v59, $1.023000000e+03;
	v59 =	vmin.f32 v62, $1.023000000e+03  }
0x14a: {  	v20 =	vor.u32 v46, v20;
	v58 =	vtrunc.f32 v60;
	v60 =	vtrunc.f32 v59  }
0x14b: {  	[tilespmem:v16+s10+$0x0] =	vst.idx.add.f32.msk $0xffff, v2;
	v41 =	vmul.f32 $2.868157710e+03, v28;
	v62 =	vmovc v19;
	v19 =	vcvt.f32.s32 v60;
	v60 =	vshll.u32 v18, $0x4  }
0x14c: {  	v39 =	vmin.f32 v39, $1.023000000e+03;
	v24 =	vcvt.f32.s32 v25;
	v12 =	vor.u32 v46, v60;
	[tilespmem:v16+s11+$0x0] =	vst.idx.add.f32.msk $0xffff, v1  }
0x14d: {  	v39 =	vtrunc.f32 v39;
	v41 =	vmin.f32 v41, $1.023000000e+03;
	v1 =	vld [tilespmem:$0x1FE40]  }
0x14e: {  	[tilespmem:v54+s10+$0x0] =	vst.idx.add.f32.msk $0xffff, v2;
	v23 =	vcvt.f32.s32 v23;
	v25 =	vcvt.f32.s32 v29;
	v24 =	vshll.u32 v24, $0x4  }
0x14f: {  	[tilespmem:v54+s11+$0x0] =	vst.idx.add.f32.msk $0xffff, v48;
	v41 =	vtrunc.f32 v41;
	v21 =	vcvt.f32.s32 v21;
	v24 =	vor.u32 v46, v24  }
0x150: {  	[tilespmem:v20+s10+$0x0] =	vst.idx.add.f32.msk $0xffff, v2;
	v57 =	vcvt.f32.s32 v39;
	v48 =	vshll.u32 v23, $0x4;
	v25 =	vshll.u32 v25, $0x4  }
0x151: {  	v63 =	vmovc v26;
	v26 =	vcvt.f32.s32 v31;
	v54 =	vcvt.f32.s32 v37;
	v60 =	vor.u32 v46, v25;
	[tilespmem:v12+s10+$0x0] =	vst.idx.add.f32.msk $0xffff, v2  }
0x152: {  	v40 =	vcvt.f32.s32 v40;
	v0 =	vshll.u32 v21, $0x4;
	v21 =	vor.u32 v46, v48;
	[tilespmem:v12+s11+$0x0] =	vst.idx.add.f32.msk $0xffff, v1  }
0x153: {  	v26 =	vshll.u32 v26, $0x4;
	v14 =	vcvt.f32.s32 v14;
	v54 =	vshll.u32 v54, $0x4;
	v1 =	vld [tilespmem:$0x1FE50]  }
0x154: {  	v56 =	vcvt.f32.s32 v42;
	v43 =	vcvt.f32.s32 v43;
	v39 =	vshll.u32 v40, $0x4;
	[tilespmem:v24+s10+$0x0] =	vst.idx.add.f32.msk $0xffff, v2  }
0x155: {  	v40 =	vshll.u32 v57, $0x4;
	v42 =	vshll.u32 v14, $0x4;
	[tilespmem:v24+s11+$0x0] =	vst.idx.add.f32.msk $0xffff, v52;
	v0 =	vor.u32 v46, v0  }
0x156: {  	v55 =	vcvt.f32.s32 v38;
	v59 =	vcvt.f32.s32 v41;
	v19 =	vshll.u32 v19, $0x4;
	[tilespmem:v60+s10+$0x0] =	vst.idx.add.f32.msk $0xffff, v2  }
0x157: {  	v43 =	vshll.u32 v43, $0x4;
	v17 =	vcvt.f32.s32 v17;
	[tilespmem:v21+s10+$0x0] =	vst.idx.add.f32.msk $0xffff, v2;
	v3 =	vor.u32 v46, v19  }
0x158: {  	s19 =	sadd.s32 $0x20, s19;
	v55 =	vshll.u32 v55, $0x4;
	v41 =	vshll.u32 v59, $0x4;
	v51 =	vcvt.f32.s32 v58;
	[tilespmem:v20+s11+$0x0] =	vst.idx.add.f32.msk $0xffff, v1  }
0x159: {  	p0 =	slt.u32 s19, $0x3E0;
	v59 =	vor.u32 v46, v26;
	v57 =	vor.u32 v46, v55;
	v58 =	vor.u32 v46, v54;
	v1 =	vld [tilespmem:$0x1FE60]  }
.Ltmp1:
0x15a: {  	v54 =	vor.u32 v46, v40;
	v23 =	vshll.u32 v51, $0x4;
	v51 =	vor.u32 v46, v41;
	[tilespmem:v0+s10+$0x0] =	vst.idx.add.f32.msk $0xffff, v2;
	(pc) =	sbr.rel @p0 .LBB2_4-.Ltmp1, $4  }
0x15b: {  	v30 =	vshll.u32 v56, $0x4;
	v56 =	vor.u32 v46, v39;
	v36 =	vor.u32 v46, v42;
	[tilespmem:v21+s11+$0x0] =	vst.idx.add.f32.msk $0xffff, v50  }
0x15c: {  	v55 =	vor.u32 v46, v30;
	v35 =	vor.u32 v46, v43;
	[tilespmem:v3+s10+$0x0] =	vst.idx.add.f32.msk $0xffff, v2  }
0x15d: {  	v17 =	vshll.u32 v17, $0x4;
	v34 =	vor.u32 v46, v44;
	v33 =	vor.u32 v46, v45;
	[tilespmem:v3+s11+$0x0] =	vst.idx.add.f32.msk $0xffff, v61  }
0x15e: {  	s20 =	sadd.s32 $0x200, s20;
	v32 =	vor.u32 v46, v17;
	v49 =	vor.u32 v46, v23;
	[tilespmem:v0+s11+$0x0] =	vst.idx.add.f32.msk $0xffff, v1  }
0x15f: {  	v0 =	vld [tilespmem:$0x1FE70];
	_ =	sdelay $0x3  }
0x160: {  	[tilespmem:v59+s10+$0x0] =	vst.idx.add.f32.msk $0xffff, v2  }
0x161: {  	[tilespmem:v60+s11+$0x0] =	vst.idx.add.f32.msk $0xffff, v0  }
0x162: {  	v0 =	vld [tilespmem:$0x1FE80];
	_ =	sdelay $0x3  }
0x163: {  	[tilespmem:v58+s10+$0x0] =	vst.idx.add.f32.msk $0xffff, v2  }
0x164: {  	[tilespmem:v59+s11+$0x0] =	vst.idx.add.f32.msk $0xffff, v0  }
0x165: {  	v0 =	vld [tilespmem:$0x1FE90]  }
0x166: {  	[tilespmem:v57+s10+$0x0] =	vst.idx.add.f32.msk $0xffff, v2  }
0x167: {  	[tilespmem:v56+s10+$0x0] =	vst.idx.add.f32.msk $0xffff, v2  }
0x168: {  	[tilespmem:v55+s10+$0x0] =	vst.idx.add.f32.msk $0xffff, v2  }
0x169: {  	[tilespmem:v57+s11+$0x0] =	vst.idx.add.f32.msk $0xffff, v62  }
0x16a: {  	[tilespmem:v56+s11+$0x0] =	vst.idx.add.f32.msk $0xffff, v53  }
0x16b: {  	[tilespmem:v58+s11+$0x0] =	vst.idx.add.f32.msk $0xffff, v0  }
0x16c: {  	v0 =	vld [tilespmem:$0x1FEA0];
	_ =	sdelay $0x1  }
0x16d: {  	[tilespmem:v54+s10+$0x0] =	vst.idx.add.f32.msk $0xffff, v2  }
0x16e: {  	[tilespmem:v51+s10+$0x0] =	vst.idx.add.f32.msk $0xffff, v2  }
0x16f: {  	[tilespmem:v54+s11+$0x0] =	vst.idx.add.f32.msk $0xffff, v63  }
0x170: {  	[tilespmem:v55+s11+$0x0] =	vst.idx.add.f32.msk $0xffff, v0  }
0x171: {  	v0 =	vld [tilespmem:$0x1FEB0];
	_ =	sdelay $0x3  }
0x172: {  	[tilespmem:v36+s10+$0x0] =	vst.idx.add.f32.msk $0xffff, v2  }
0x173: {  	[tilespmem:v51+s11+$0x0] =	vst.idx.add.f32.msk $0xffff, v0  }
0x174: {  	v0 =	vld [tilespmem:$0x1FEC0];
	_ =	sdelay $0x3  }
0x175: {  	[tilespmem:v35+s10+$0x0] =	vst.idx.add.f32.msk $0xffff, v2  }
0x176: {  	[tilespmem:v36+s11+$0x0] =	vst.idx.add.f32.msk $0xffff, v0  }
0x177: {  	v0 =	vld [tilespmem:$0x1FED0];
	_ =	sdelay $0x3  }
0x178: {  	[tilespmem:v34+s10+$0x0] =	vst.idx.add.f32.msk $0xffff, v2  }
0x179: {  	[tilespmem:v35+s11+$0x0] =	vst.idx.add.f32.msk $0xffff, v0  }
0x17a: {  	v0 =	vld [tilespmem:$0x1FEE0];
	_ =	sdelay $0x3  }
0x17b: {  	[tilespmem:v33+s10+$0x0] =	vst.idx.add.f32.msk $0xffff, v2  }
0x17c: {  	[tilespmem:v34+s11+$0x0] =	vst.idx.add.f32.msk $0xffff, v0  }
0x17d: {  	v0 =	vld [tilespmem:$0x1FEF0];
	_ =	sdelay $0x3  }
0x17e: {  	[tilespmem:v32+s10+$0x0] =	vst.idx.add.f32.msk $0xffff, v2  }
0x17f: {  	[tilespmem:v33+s11+$0x0] =	vst.idx.add.f32.msk $0xffff, v0  }
0x180: {  	v0 =	vld [tilespmem:$0x1FF00];
	_ =	sdelay $0x3  }
0x181: {  	[tilespmem:v49+s10+$0x0] =	vst.idx.add.f32.msk $0xffff, v2  }
0x182: {  	[tilespmem:v32+s11+$0x0] =	vst.idx.add.f32.msk $0xffff, v0  }
0x183: {  	v0 =	vld [tilespmem:$0x1FF10];
	_ =	sdelay $0x4  }
0x184: {  	[tilespmem:v49+s11+$0x0] =	vst.idx.add.f32.msk $0xffff, v0  }
0x185: {  	_ =	swait.ge [sflag:s12], $0x4000  }
0x186: {  	[sflag:s12] =	ssyncset.done $0x0  }
0x187: {  	s19 =	simm.s32 $0x4100;
	[sflag:s12] =	ssyncadd.s32 $0xFFFFC000  }
0x188: {  	v12 =	vld [tilespmem:s19+$0xF0]  }
0x189: {  	v0 =	vld [tilespmem:s19+$0xFFFFFF10]  }
0x18a: {  	v11 =	vld [tilespmem:s19+$0xFFFFFF20]  }
0x18b: {  	v10 =	vld [tilespmem:s19+$0xFFFFFF30]  }
0x18c: {  	v9 =	vld [tilespmem:s19+$0xFFFFFF40]  }
0x18d: {  	v8 =	vld [tilespmem:s19+$0xFFFFFF50]  }
0x18e: {  	v7 =	vld [tilespmem:s19+$0xFFFFFF60]  }
0x18f: {  	v6 =	vld [tilespmem:s19+$0xFFFFFF70]  }
0x190: {  	v5 =	vld [tilespmem:s19+$0xFFFFFF80]  }
0x191: {  	v36 =	vld [tilespmem:s19+$0xFFFFFFB0]  }
0x192: {  	v35 =	vld [tilespmem:s19+$0xFFFFFFC0]  }
0x193: {  	v34 =	vld [tilespmem:s19+$0xFFFFFFD0]  }
0x194: {  	v33 =	vld [tilespmem:s19+$0xFFFFFFE0];
	v3 =	vmul.f32 $2.868157710e+03, v12;
	v4 =	vmul.f32 $2.868157710e+03, v0  }
0x195: {  	v32 =	vld [tilespmem:s19+$0xFFFFFFF0];
	v13 =	vmul.f32 $2.868157710e+03, v11;
	v14 =	vmul.f32 $2.868157710e+03, v10  }
0x196: {  	v31 =	vld [tilespmem:s19+$0x0];
	v16 =	vmul.f32 $2.868157710e+03, v9;
	v18 =	vmul.f32 $2.868157710e+03, v8  }
0x197: {  	v59 =	vld [tilespmem:s19+$0x10];
	v19 =	vmul.f32 $2.868157710e+03, v7;
	v20 =	vmul.f32 $2.868157710e+03, v6  }
0x198: {  	v42 =	vld [tilespmem:s19+$0xFFFFFF00];
	v55 =	vmul.f32 $2.868157710e+03, v5;
	v56 =	vmul.f32 $2.868157710e+03, v36  }
0x199: {  	v57 =	vmul.f32 $2.868157710e+03, v35;
	v58 =	vmul.f32 $2.868157710e+03, v34  }
0x19a: {  	v28 =	vld [tilespmem:s19+$0x20];
	v25 =	vmul.f32 $2.868157710e+03, v33;
	v63 =	vmul.f32 $2.868157710e+03, v32;
	v3 =	vmin.f32 v3, $1.023000000e+03  }
0x19b: {  	v30 =	vld [tilespmem:s19+$0x30];
	v29 =	vmul.f32 $2.868157710e+03, v31;
	v3 =	vtrunc.f32 v3  }
0x19c: {  	v50 =	vmul.f32 $2.868157710e+03, v59;
	v17 =	vcvt.f32.s32 v3  }
0x19d: {  	v54 =	vmul.f32 $2.868157710e+03, v42;
	v15 =	vmin.f32 v4, $1.023000000e+03;
	v13 =	vmin.f32 v13, $1.023000000e+03  }
0x19e: {  	v4 =	vld [tilespmem:s19+$0xFFFFFF90];
	v14 =	vmin.f32 v14, $1.023000000e+03;
	v16 =	vmin.f32 v16, $1.023000000e+03;
	v17 =	vshll.u32 v17, $0x4  }
0x19f: {  	v18 =	vmin.f32 v18, $1.023000000e+03;
	v23 =	vmin.f32 v56, $1.023000000e+03;
	v24 =	vor.u32 v46, v17  }
0x1a0: {  	v62 =	vld [tilespmem:s19+$0x40];
	v26 =	vmin.f32 v57, $1.023000000e+03;
	v56 =	vmul.f32 $2.868157710e+03, v28;
	v57 =	vmul.f32 $2.868157710e+03, v30  }
0x1a1: {  	v25 =	vmin.f32 v25, $1.023000000e+03;
	v15 =	vtrunc.f32 v15;
	v13 =	vtrunc.f32 v13;
	v3 =	vld [tilespmem:s19+$0xFFFFFFA0];
	[tilespmem:$0x1FCF0] =	vst v59  }
0x1a2: {  	v20 =	vmin.f32 v20, $1.023000000e+03;
	v14 =	vtrunc.f32 v14;
	v1 =	vtrunc.f32 v25;
	v53 =	vld [tilespmem:s19+$0x50]  }
0x1a3: {  	v25 =	vmin.f32 v54, $1.023000000e+03;
	v21 =	vmul.f32 $2.868157710e+03, v4;
	v17 =	vmin.f32 v55, $1.023000000e+03;
	v55 =	vld [tilespmem:s19+$0x60];
	[tilespmem:$0x1FD00] =	vst v28  }
0x1a4: {  	v27 =	vmin.f32 v58, $1.023000000e+03;
	v16 =	vtrunc.f32 v16;
	v25 =	vtrunc.f32 v25;
	[tilespmem:v24+s10+$0x0] =	vst.idx.add.f32.msk $0xffff, v2  }
0x1a5: {  	v39 =	vtrunc.f32 v20;
	v59 =	vcvt.f32.s32 v25;
	v21 =	vmin.f32 v21, $1.023000000e+03;
	[tilespmem:$0x1FD10] =	vst v30  }
0x1a6: {  	v22 =	vmul.f32 $2.868157710e+03, v3;
	v41 =	vtrunc.f32 v21;
	v21 =	vmin.f32 v63, $1.023000000e+03;
	v63 =	vld [tilespmem:s19+$0x70]  }
0x1a7: {  	v44 =	vtrunc.f32 v23;
	v47 =	vtrunc.f32 v27;
	v23 =	vmin.f32 v50, $1.023000000e+03;
	[tilespmem:v24+s11+$0x0] =	vst.idx.add.f32.msk $0xffff, v12  }
0x1a8: {  	v15 =	vcvt.f32.s32 v15;
	v27 =	vshll.u32 v59, $0x4;
	v22 =	vmin.f32 v22, $1.023000000e+03;
	v49 =	vld [tilespmem:s19+$0x80]  }
0x1a9: {  	v40 =	vtrunc.f32 v17;
	v43 =	vtrunc.f32 v22;
	v22 =	vmin.f32 v29, $1.023000000e+03;
	v60 =	vld [tilespmem:s19+$0x90];
	[tilespmem:$0x1FD20] =	vst v55  }
0x1aa: {  	v20 =	vor.u32 v46, v27;
	v29 =	vmul.f32 $2.868157710e+03, v53;
	v17 =	vtrunc.f32 v22;
	v22 =	vld [tilespmem:s19+$0xA0]  }
0x1ab: {  	v19 =	vmin.f32 v19, $1.023000000e+03;
	v37 =	vtrunc.f32 v18;
	v18 =	vtrunc.f32 v23;
	v23 =	vld [tilespmem:s19+$0xB0]  }
0x1ac: {  	v13 =	vcvt.f32.s32 v13;
	v15 =	vshll.u32 v15, $0x4;
	v29 =	vmin.f32 v29, $1.023000000e+03;
	v24 =	vld [tilespmem:s19+$0xC0]  }
0x1ad: {  	v15 =	vor.u32 v46, v15;
	v30 =	vmul.f32 $2.868157710e+03, v55;
	v55 =	vtrunc.f32 v29;
	v29 =	vld [tilespmem:s19+$0xD0]  }
0x1ae: {  	v38 =	vtrunc.f32 v19;
	v45 =	vtrunc.f32 v26;
	v58 =	vmin.f32 v57, $1.023000000e+03;
	v50 =	vld [tilespmem:s19+$0xE0];
	[tilespmem:$0x1FD30] =	vst v60  }
0x1af: {  	v14 =	vcvt.f32.s32 v14;
	v16 =	vcvt.f32.s32 v16;
	v13 =	vshll.u32 v13, $0x4;
	[tilespmem:v20+s10+$0x0] =	vst.idx.add.f32.msk $0xffff, v2  }
0x1b0: {  	v37 =	vcvt.f32.s32 v37;
	v28 =	vmul.f32 $2.868157710e+03, v62;
	v13 =	vor.u32 v46, v13;
	[tilespmem:v20+s11+$0x0] =	vst.idx.add.f32.msk $0xffff, v42  }
0x1b1: {  	v26 =	vmin.f32 v56, $1.023000000e+03;
	v51 =	vtrunc.f32 v58;
	v58 =	vcvt.f32.s32 v45;
	[tilespmem:$0x1FD40] =	vst v22  }
0x1b2: {  	v14 =	vshll.u32 v14, $0x4;
	v16 =	vshll.u32 v16, $0x4;
	v28 =	vmin.f32 v28, $1.023000000e+03;
	[tilespmem:v15+s10+$0x0] =	vst.idx.add.f32.msk $0xffff, v2  }
0x1b3: {  	v14 =	vor.u32 v46, v14;
	v59 =	vcvt.f32.s32 v47;
	v19 =	vtrunc.f32 v28;
	[tilespmem:v15+s11+$0x0] =	vst.idx.add.f32.msk $0xffff, v0  }
0x1b4: {  	v37 =	vshll.u32 v37, $0x4;
	v48 =	vtrunc.f32 v21;
	v52 =	vcvt.f32.s32 v43;
	[tilespmem:$0x1FD50] =	vst v23  }
0x1b5: {  	v16 =	vor.u32 v46, v16;
	v12 =	vtrunc.f32 v26;
	v21 =	vcvt.f32.s32 v17;
	[tilespmem:v13+s10+$0x0] =	vst.idx.add.f32.msk $0xffff, v2  }
0x1b6: {  	v37 =	vor.u32 v46, v37;
	v12 =	vcvt.f32.s32 v12;
	v28 =	vmul.f32 $2.868157710e+03, v49;
	[tilespmem:v13+s11+$0x0] =	vst.idx.add.f32.msk $0xffff, v11  }
0x1b7: {  	v30 =	vmin.f32 v30, $1.023000000e+03;
	v0 =	vmul.f32 $2.868157710e+03, v23;
	v23 =	vcvt.f32.s32 v38;
	[tilespmem:$0x1FD60] =	vst v24  }
0x1b8: {  	v57 =	vtrunc.f32 v30;
	v56 =	vmin.f32 v28, $1.023000000e+03;
	v28 =	vcvt.f32.s32 v39;
	[tilespmem:v14+s10+$0x0] =	vst.idx.add.f32.msk $0xffff, v2  }
0x1b9: {  	v30 =	vcvt.f32.s32 v40;
	v61 =	vmul.f32 $2.868157710e+03, v63;
	v15 =	vshll.u32 v23, $0x4;
	[tilespmem:v14+s11+$0x0] =	vst.idx.add.f32.msk $0xffff, v10  }
0x1ba: {  	v25 =	vcvt.f32.s32 v55;
	v13 =	vshll.u32 v28, $0x4;
	v15 =	vor.u32 v46, v15;
	[tilespmem:$0x1FD70] =	vst v29  }
0x1bb: {  	v54 =	vmin.f32 v61, $1.023000000e+03;
	v61 =	vmul.f32 $2.868157710e+03, v22;
	v13 =	vor.u32 v46, v13;
	[tilespmem:v16+s10+$0x0] =	vst.idx.add.f32.msk $0xffff, v2  }
0x1bc: {  	v26 =	vcvt.f32.s32 v57;
	v12 =	vshll.u32 v12, $0x4;
	v60 =	vmul.f32 $2.868157710e+03, v60;
	[tilespmem:v16+s11+$0x0] =	vst.idx.add.f32.msk $0xffff, v9  }
0x1bd: {  	v27 =	vmul.f32 $2.868157710e+03, v24;
	v40 =	vmul.f32 $2.868157710e+03, v50;
	v42 =	vmin.f32 v61, $1.023000000e+03;
	[tilespmem:$0x1FD80] =	vst v50  }
0x1be: {  	v39 =	vtrunc.f32 v42;
	v42 =	vcvt.f32.s32 v41;
	v14 =	vshll.u32 v30, $0x4;
	[tilespmem:v37+s10+$0x0] =	vst.idx.add.f32.msk $0xffff, v2  }
0x1bf: {  	v54 =	vtrunc.f32 v54;
	v20 =	vtrunc.f32 v56;
	v14 =	vor.u32 v46, v14;
	[tilespmem:v15+s10+$0x0] =	vst.idx.add.f32.msk $0xffff, v2  }
0x1c0: {  	v22 =	vmin.f32 v60, $1.023000000e+03;
	v56 =	vcvt.f32.s32 v44;
	v16 =	vshll.u32 v42, $0x4;
	[tilespmem:v13+s10+$0x0] =	vst.idx.add.f32.msk $0xffff, v2  }
0x1c1: {  	v38 =	vtrunc.f32 v22;
	v9 =	vshll.u32 v52, $0x4;
	v16 =	vor.u32 v46, v16;
	[tilespmem:v37+s11+$0x0] =	vst.idx.add.f32.msk $0xffff, v8  }
0x1c2: {  	v22 =	vcvt.f32.s32 v18;
	v29 =	vmul.f32 $2.868157710e+03, v29;
	v9 =	vor.u32 v46, v9;
	[tilespmem:v15+s11+$0x0] =	vst.idx.add.f32.msk $0xffff, v7  }
0x1c3: {  	v60 =	vcvt.f32.s32 v1;
	v44 =	vshll.u32 v26, $0x4;
	v61 =	vcvt.f32.s32 v48;
	[tilespmem:v13+s11+$0x0] =	vst.idx.add.f32.msk $0xffff, v6  }
0x1c4: {  	v10 =	vmin.f32 v29, $1.023000000e+03;
	v50 =	vmin.f32 v40, $1.023000000e+03;
	v40 =	vshll.u32 v22, $0x4;
	[tilespmem:v14+s10+$0x0] =	vst.idx.add.f32.msk $0xffff, v2  }
0x1c5: {  	v29 =	vshll.u32 v60, $0x4;
	v60 =	vor.u32 v46, v40;
	v7 =	vshll.u32 v56, $0x4;
	[tilespmem:v14+s11+$0x0] =	vst.idx.add.f32.msk $0xffff, v5  }
0x1c6: {  	v39 =	vcvt.f32.s32 v39;
	v15 =	vshll.u32 v58, $0x4;
	v7 =	vor.u32 v46, v7;
	[tilespmem:v16+s10+$0x0] =	vst.idx.add.f32.msk $0xffff, v2  }
0x1c7: {  	v0 =	vmin.f32 v0, $1.023000000e+03;
	v37 =	vshll.u32 v59, $0x4;
	v15 =	vor.u32 v46, v15;
	[tilespmem:v9+s10+$0x0] =	vst.idx.add.f32.msk $0xffff, v2  }
0x1c8: {  	v38 =	vcvt.f32.s32 v38;
	v6 =	vshll.u32 v61, $0x4;
	v37 =	vor.u32 v46, v37;
	[tilespmem:v16+s11+$0x0] =	vst.idx.add.f32.msk $0xffff, v4  }
0x1c9: {  	v0 =	vtrunc.f32 v0;
	v23 =	vcvt.f32.s32 v51;
	v6 =	vor.u32 v46, v6;
	[tilespmem:v9+s11+$0x0] =	vst.idx.add.f32.msk $0xffff, v3  }
0x1ca: {  	v11 =	vmin.f32 v27, $1.023000000e+03;
	v27 =	vcvt.f32.s32 v54;
	v24 =	vcvt.f32.s32 v19;
	[tilespmem:v60+s10+$0x0] =	vst.idx.add.f32.msk $0xffff, v2  }
0x1cb: {  	v55 =	vor.u32 v46, v44;
	v28 =	vcvt.f32.s32 v20;
	v0 =	vcvt.f32.s32 v0;
	[tilespmem:v7+s10+$0x0] =	vst.idx.add.f32.msk $0xffff, v2  }
0x1cc: {  	v47 =	vshll.u32 v39, $0x4;
	v11 =	vtrunc.f32 v11;
	v41 =	vshll.u32 v24, $0x4;
	[tilespmem:v15+s10+$0x0] =	vst.idx.add.f32.msk $0xffff, v2  }
0x1cd: {  	v45 =	vshll.u32 v38, $0x4;
	v0 =	vshll.u32 v0, $0x4;
	v57 =	vor.u32 v46, v41;
	[tilespmem:v37+s10+$0x0] =	vst.idx.add.f32.msk $0xffff, v2  }
0x1ce: {  	v42 =	vshll.u32 v25, $0x4;
	v10 =	vtrunc.f32 v10;
	v9 =	vor.u32 v46, v29;
	[tilespmem:v6+s10+$0x0] =	vst.idx.add.f32.msk $0xffff, v2  }
0x1cf: {  	v8 =	vtrunc.f32 v50;
	v59 =	vor.u32 v46, v12;
	[tilespmem:v7+s11+$0x0] =	vst.idx.add.f32.msk $0xffff, v36;
	v36 =	vshll.u32 v21, $0x4  }
0x1d0: {  	v30 =	vcvt.f32.s32 v8;
	v5 =	vshll.u32 v23, $0x4;
	[tilespmem:v15+s11+$0x0] =	vst.idx.add.f32.msk $0xffff, v35;
	v8 =	vor.u32 v46, v36  }
0x1d1: {  	v10 =	vcvt.f32.s32 v10;
	v56 =	vor.u32 v46, v42;
	v58 =	vor.u32 v46, v5;
	[tilespmem:v37+s11+$0x0] =	vst.idx.add.f32.msk $0xffff, v34  }
0x1d2: {  	v61 =	vshll.u32 v30, $0x4;
	v3 =	vcvt.f32.s32 v11;
	v4 =	vshll.u32 v27, $0x4;
	[tilespmem:v6+s11+$0x0] =	vst.idx.add.f32.msk $0xffff, v32  }
0x1d3: {  	v16 =	vshll.u32 v28, $0x4;
	v50 =	vor.u32 v46, v61;
	v54 =	vor.u32 v46, v4;
	[tilespmem:v9+s10+$0x0] =	vst.idx.add.f32.msk $0xffff, v2  }
0x1d4: {  	v52 =	vshll.u32 v10, $0x4;
	v48 =	vor.u32 v46, v16;
	v35 =	vor.u32 v46, v47;
	[tilespmem:v9+s11+$0x0] =	vst.idx.add.f32.msk $0xffff, v33  }
0x1d5: {  	s22 =	simm.s32 $0x0;
	v3 =	vshll.u32 v3, $0x4;
	v34 =	vor.u32 v46, v0;
	v32 =	vor.u32 v46, v52;
	[tilespmem:v8+s10+$0x0] =	vst.idx.add.f32.msk $0xffff, v2  }
0x1d6: {  	s20 =	simm.s32 $0x10020;
	s23 =	simm.s32 $0x4300;
	s19 =	simm.s32 $0x10420;
	v36 =	vor.u32 v46, v45;
	v33 =	vor.u32 v46, v3;
	[tilespmem:v8+s11+$0x0] =	vst.idx.add.f32.msk $0xffff, v31  }
.LBB2_6:
0x1d7: {  	v1 =	vld [tilespmem:s23+$0xFFFFFF20];
	_ =	sdelay $0x4  }
0x1d8: {  	[tilespmem:$0x1FC10] =	vst v1;
	v5 =	vmul.f32 $2.868157710e+03, v1;
	v1 =	vld [tilespmem:s23+$0xFFFFFF70]  }
0x1d9: {  	v0 =	vld [tilespmem:s23+$0xF0]  }
0x1da: {  	v6 =	vld [tilespmem:s23+$0xFFFFFF30]  }
0x1db: {  	v7 =	vld [tilespmem:s23+$0xFFFFFF40]  }
0x1dc: {  	v8 =	vld [tilespmem:s23+$0xFFFFFF50]  }
0x1dd: {  	[tilespmem:$0x1FC60] =	vst v1;
	v11 =	vmul.f32 $2.868157710e+03, v1;
	v1 =	vld [tilespmem:s23+$0xFFFFFFC0]  }
0x1de: {  	v9 =	vld [tilespmem:s23+$0xFFFFFF60]  }
0x1df: {  	v14 =	vld [tilespmem:s23+$0xFFFFFFA0]  }
0x1e0: {  	v12 =	vld [tilespmem:s23+$0xFFFFFF80]  }
0x1e1: {  	v13 =	vld [tilespmem:s23+$0xFFFFFF90]  }
0x1e2: {  	[tilespmem:$0x1FCB0] =	vst v1;
	v39 =	vmul.f32 $2.868157710e+03, v1;
	v1 =	vld [tilespmem:$0x1FCF0]  }
0x1e3: {  	v17 =	vld [tilespmem:s23+$0xFFFFFFD0]  }
0x1e4: {  	v47 =	vmov v53;
	v53 =	vmov v62;
	v62 =	vld [tilespmem:s23+$0x20];
	[tilespmem:$0x1FC90] =	vst v14;
	v14 =	vmul.f32 $2.868157710e+03, v14  }
0x1e5: {  	v24 =	vld [tilespmem:s23+$0x60]  }
0x1e6: {  	v38 =	vmin.f32 v14, $1.023000000e+03;
	v14 =	vld [tilespmem:s23+$0x10]  }
0x1e7: {  	[tilespmem:v60+s11+$0x0] =	vst.idx.add.f32.msk $0xffff, v1  }
0x1e8: {  	v1 =	vld [tilespmem:$0x1FD00]  }
0x1e9: {  	v30 =	vld [tilespmem:s23+$0x90]  }
0x1ea: {  	[tilespmem:v59+s10+$0x0] =	vst.idx.add.f32.msk $0xffff, v2  }
0x1eb: {  	[tilespmem:v55+s10+$0x0] =	vst.idx.add.f32.msk $0xffff, v2  }
0x1ec: {  	[tilespmem:$0x1FCC0] =	vst v17;
	v61 =	vmul.f32 $2.868157710e+03, v17;
	v17 =	vld [tilespmem:s23+$0x30]  }
0x1ed: {  	[tilespmem:v59+s11+$0x0] =	vst.idx.add.f32.msk $0xffff, v1;
	v1 =	vmov v62  }
0x1ee: {  	[tilespmem:$0x1FD00] =	vst v1;
	v1 =	vld [tilespmem:$0x1FD10]  }
0x1ef: {  	[tilespmem:v36+s10+$0x0] =	vst.idx.add.f32.msk $0xffff, v2;
	v3 =	vmul.f32 $2.868157710e+03, v0  }
0x1f0: {  	v16 =	vld [tilespmem:s23+$0xFFFFFFB0];
	[tilespmem:$0x1FC20] =	vst v6  }
0x1f1: {  	v19 =	vld [tilespmem:s23+$0xFFFFFFF0];
	[tilespmem:$0x1FC30] =	vst v7;
	v3 =	vmin.f32 v3, $1.023000000e+03  }
0x1f2: {  	[tilespmem:v58+s10+$0x0] =	vst.idx.add.f32.msk $0xffff, v2;
	v3 =	vtrunc.f32 v3  }
0x1f3: {  	v3 =	vcvt.f32.s32 v3;
	[tilespmem:v58+s11+$0x0] =	vst.idx.add.f32.msk $0xffff, v1;
	v1 =	vmov v17  }
0x1f4: {  	[tilespmem:$0x1FD10] =	vst v1;
	v1 =	vld [tilespmem:$0x1FD20]  }
0x1f5: {  	v52 =	vld [tilespmem:s23+$0x0];
	[tilespmem:$0x1FC40] =	vst v8;
	v3 =	vshll.u32 v3, $0x4  }
0x1f6: {  	[tilespmem:$0x1FC50] =	vst v9;
	v6 =	vmul.f32 $2.868157710e+03, v6;
	v3 =	vor.u32 v46, v3  }
0x1f7: {  	v18 =	vld [tilespmem:s23+$0xFFFFFFE0];
	[tilespmem:$0x1FC70] =	vst v12;
	v7 =	vmul.f32 $2.868157710e+03, v7;
	v8 =	vmul.f32 $2.868157710e+03, v8  }
0x1f8: {  	[tilespmem:$0x1FC80] =	vst v13;
	v9 =	vmul.f32 $2.868157710e+03, v9;
	v12 =	vmul.f32 $2.868157710e+03, v12  }
0x1f9: {  	v13 =	vmul.f32 $2.868157710e+03, v13;
	v37 =	vmul.f32 $2.868157710e+03, v16;
	[tilespmem:v55+s11+$0x0] =	vst.idx.add.f32.msk $0xffff, v1;
	v1 =	vmov v24  }
0x1fa: {  	v41 =	vmul.f32 $2.868157710e+03, v19;
	v42 =	vmul.f32 $2.868157710e+03, v52;
	v6 =	vmin.f32 v6, $1.023000000e+03;
	[tilespmem:$0x1FD20] =	vst v1;
	v1 =	vld [tilespmem:$0x1FD30]  }
0x1fb: {  	v7 =	vmin.f32 v7, $1.023000000e+03;
	v31 =	vmin.f32 v9, $1.023000000e+03;
	v12 =	vmin.f32 v12, $1.023000000e+03;
	[tilespmem:v3+s10+$0x0] =	vst.idx.add.f32.msk $0xffff, v2  }
0x1fc: {  	v15 =	vmin.f32 v13, $1.023000000e+03;
	[tilespmem:v3+s11+$0x0] =	vst.idx.add.f32.msk $0xffff, v0;
	v0 =	vmin.f32 v39, $1.023000000e+03;
	v3 =	vmul.f32 $2.868157710e+03, v18  }
0x1fd: {  	[tilespmem:$0x1FCD0] =	vst v18;
	v9 =	vtrunc.f32 v6;
	v18 =	vtrunc.f32 v0;
	v0 =	vmin.f32 v41, $1.023000000e+03  }
0x1fe: {  	v13 =	vtrunc.f32 v12;
	v12 =	vld [tilespmem:s23+$0xA0];
	v3 =	vmin.f32 v3, $1.023000000e+03;
	v23 =	vtrunc.f32 v0  }
0x1ff: {  	v0 =	vmul.f32 $2.868157710e+03, v14;
	v21 =	vtrunc.f32 v3;
	v3 =	vmin.f32 v42, $1.023000000e+03;
	[tilespmem:v36+s11+$0x0] =	vst.idx.add.f32.msk $0xffff, v1;
	v1 =	vmovc v30  }
0x200: {  	v8 =	vmin.f32 v8, $1.023000000e+03;
	v25 =	vtrunc.f32 v3;
	v3 =	vmul.f32 $2.868157710e+03, v62;
	[tilespmem:$0x1FD30] =	vst v1;
	v1 =	vld [tilespmem:$0x1FD40]  }
0x201: {  	v6 =	vtrunc.f32 v7;
	v43 =	vmul.f32 $2.868157710e+03, v17;
	v0 =	vmin.f32 v0, $1.023000000e+03  }
0x202: {  	v4 =	vld [tilespmem:s23+$0xFFFFFF10];
	v7 =	vtrunc.f32 v8;
	v29 =	vtrunc.f32 v0;
	v0 =	vmin.f32 v3, $1.023000000e+03  }
0x203: {  	v8 =	vtrunc.f32 v31;
	[tilespmem:v35+s10+$0x0] =	vst.idx.add.f32.msk $0xffff, v2;
	v31 =	vtrunc.f32 v0;
	v0 =	vmin.f32 v43, $1.023000000e+03  }
0x204: {  	[tilespmem:$0x1FCA0] =	vst v16;
	v16 =	vmin.f32 v37, $1.023000000e+03;
	v37 =	vtrunc.f32 v0;
	v0 =	vld [tilespmem:s23+$0xB0]  }
0x205: {  	[tilespmem:v35+s11+$0x0] =	vst.idx.add.f32.msk $0xffff, v1;
	v1 =	vmov v12  }
0x206: {  	[tilespmem:$0x1FD40] =	vst v1;
	v1 =	vld [tilespmem:$0x1FD50];
	_ =	sdelay $0x1  }
0x207: {  	[tilespmem:$0x1FCE0] =	vst v19;
	v19 =	vld [tilespmem:s23+$0x40];
	v5 =	vmin.f32 v5, $1.023000000e+03  }
0x208: {  	[tilespmem:$0x1FC00] =	vst v4;
	v10 =	vtrunc.f32 v5;
	v5 =	vld [tilespmem:s23+$0xC0]  }
0x209: {  	[tilespmem:v34+s10+$0x0] =	vst.idx.add.f32.msk $0xffff, v2  }
0x20a: {  	[tilespmem:v34+s11+$0x0] =	vst.idx.add.f32.msk $0xffff, v1;
	v1 =	vmov v0  }
0x20b: {  	v4 =	vmul.f32 $2.868157710e+03, v4;
	[tilespmem:$0x1FD50] =	vst v1;
	v1 =	vld [tilespmem:$0x1FD60]  }
0x20c: {  	v22 =	vld [tilespmem:s23+$0x50]  }
0x20d: {  	v4 =	vmin.f32 v4, $1.023000000e+03  }
0x20e: {  	v4 =	vtrunc.f32 v4;
	[tilespmem:v33+s10+$0x0] =	vst.idx.add.f32.msk $0xffff, v2  }
0x20f: {  	v27 =	vcvt.f32.s32 v4;
	v4 =	vld [tilespmem:s23+$0xD0]  }
0x210: {  	v3 =	vmul.f32 $2.868157710e+03, v19;
	[tilespmem:v33+s11+$0x0] =	vst.idx.add.f32.msk $0xffff, v1;
	v1 =	vmov v5  }
0x211: {  	v44 =	vmul.f32 $2.868157710e+03, v22;
	v45 =	vmul.f32 $2.868157710e+03, v24;
	[tilespmem:$0x1FD60] =	vst v1;
	v1 =	vld [tilespmem:$0x1FD70]  }
0x212: {  	v51 =	vmovc v49;
	v49 =	vmovc v63;
	v40 =	vmin.f32 v61, $1.023000000e+03;
	v63 =	vtrunc.f32 v38;
	v3 =	vmin.f32 v3, $1.023000000e+03  }
0x213: {  	[tilespmem:v56+s10+$0x0] =	vst.idx.add.f32.msk $0xffff, v2;
	v20 =	vtrunc.f32 v40;
	v38 =	vtrunc.f32 v3;
	v3 =	vmin.f32 v44, $1.023000000e+03  }
0x214: {  	[tilespmem:v32+s10+$0x0] =	vst.idx.add.f32.msk $0xffff, v2;
	v60 =	vmovc v14;
	v44 =	vmul.f32 $2.868157710e+03, v12;
	v40 =	vtrunc.f32 v3;
	v3 =	vmin.f32 v45, $1.023000000e+03  }
0x215: {  	[tilespmem:$0x1FCF0] =	vst v60;
	v42 =	vtrunc.f32 v3;
	v3 =	vld [tilespmem:s23+$0xE0]  }
0x216: {  	v60 =	vmin.f32 v44, $1.023000000e+03;
	v44 =	vmul.f32 $2.868157710e+03, v5;
	v45 =	vmul.f32 $2.868157710e+03, v0;
	[tilespmem:v32+s11+$0x0] =	vst.idx.add.f32.msk $0xffff, v1;
	v1 =	vmovc v4  }
0x217: {  	[tilespmem:$0x1FD70] =	vst v1;
	v1 =	vld [tilespmem:$0x1FD80]  }
0x218: {  	[tilespmem:v56+s11+$0x0] =	vst.idx.add.f32.msk $0xffff, v47;
	v47 =	vcvt.f32.s32 v63;
	v44 =	vmin.f32 v44, $1.023000000e+03;
	v45 =	vmin.f32 v45, $1.023000000e+03  }
0x219: {  	[tilespmem:v57+s10+$0x0] =	vst.idx.add.f32.msk $0xffff, v2;
	v44 =	vtrunc.f32 v44;
	v45 =	vtrunc.f32 v45  }
0x21a: {  	[tilespmem:v57+s11+$0x0] =	vst.idx.add.f32.msk $0xffff, v53;
	v53 =	vmovc v22;
	v22 =	vshll.u32 v47, $0x4;
	v47 =	vcvt.f32.s32 v44;
	v45 =	vcvt.f32.s32 v45  }
0x21b: {  	v27 =	vshll.u32 v27, $0x4;
	[tilespmem:v50+s10+$0x0] =	vst.idx.add.f32.msk $0xffff, v2  }
0x21c: {  	v44 =	vshll.u32 v45, $0x4;
	v45 =	vshll.u32 v47, $0x4;
	v47 =	vor.u32 v46, v27;
	[tilespmem:v50+s11+$0x0] =	vst.idx.add.f32.msk $0xffff, v1;
	v1 =	vmovc v3  }
0x21d: {  	[tilespmem:$0x1FD80] =	vst v1;
	v1 =	vld [tilespmem:$0x1FC00];
	_ =	sdelay $0x1  }
0x21e: {  	v10 =	vcvt.f32.s32 v10;
	_ =	sdelay $0x1  }
0x21f: {  	v10 =	vshll.u32 v10, $0x4;
	[tilespmem:v47+s10+$0x0] =	vst.idx.add.f32.msk $0xffff, v2  }
0x220: {  	v10 =	vor.u32 v46, v10;
	[tilespmem:v47+s11+$0x0] =	vst.idx.add.f32.msk $0xffff, v1  }
0x221: {  	v1 =	vld [tilespmem:$0x1FC10];
	_ =	sdelay $0x1  }
0x222: {  	v9 =	vcvt.f32.s32 v9;
	_ =	sdelay $0x1  }
0x223: {  	v9 =	vshll.u32 v9, $0x4;
	[tilespmem:v10+s10+$0x0] =	vst.idx.add.f32.msk $0xffff, v2  }
0x224: {  	v9 =	vor.u32 v46, v9;
	[tilespmem:v10+s11+$0x0] =	vst.idx.add.f32.msk $0xffff, v1  }
0x225: {  	v1 =	vld [tilespmem:$0x1FC20];
	_ =	sdelay $0x1  }
0x226: {  	v6 =	vcvt.f32.s32 v6;
	_ =	sdelay $0x1  }
0x227: {  	v6 =	vshll.u32 v6, $0x4;
	[tilespmem:v9+s10+$0x0] =	vst.idx.add.f32.msk $0xffff, v2  }
0x228: {  	v6 =	vor.u32 v46, v6;
	[tilespmem:v9+s11+$0x0] =	vst.idx.add.f32.msk $0xffff, v1  }
0x229: {  	v1 =	vld [tilespmem:$0x1FC30];
	_ =	sdelay $0x1  }
0x22a: {  	v7 =	vcvt.f32.s32 v7;
	_ =	sdelay $0x1  }
0x22b: {  	v7 =	vshll.u32 v7, $0x4;
	[tilespmem:v6+s10+$0x0] =	vst.idx.add.f32.msk $0xffff, v2  }
0x22c: {  	v7 =	vor.u32 v46, v7;
	[tilespmem:v6+s11+$0x0] =	vst.idx.add.f32.msk $0xffff, v1  }
0x22d: {  	v1 =	vld [tilespmem:$0x1FC40];
	_ =	sdelay $0x1  }
0x22e: {  	v8 =	vcvt.f32.s32 v8;
	_ =	sdelay $0x1  }
0x22f: {  	v8 =	vshll.u32 v8, $0x4;
	[tilespmem:v7+s10+$0x0] =	vst.idx.add.f32.msk $0xffff, v2  }
0x230: {  	v8 =	vor.u32 v46, v8;
	[tilespmem:v7+s11+$0x0] =	vst.idx.add.f32.msk $0xffff, v1  }
0x231: {  	v11 =	vmin.f32 v11, $1.023000000e+03;
	v1 =	vld [tilespmem:$0x1FC50]  }
0x232: {  	v11 =	vtrunc.f32 v11  }
0x233: {  	v11 =	vcvt.f32.s32 v11;
	_ =	sdelay $0x1  }
0x234: {  	v11 =	vshll.u32 v11, $0x4;
	[tilespmem:v8+s10+$0x0] =	vst.idx.add.f32.msk $0xffff, v2  }
0x235: {  	v11 =	vor.u32 v46, v11;
	[tilespmem:v8+s11+$0x0] =	vst.idx.add.f32.msk $0xffff, v1  }
0x236: {  	v1 =	vld [tilespmem:$0x1FC60];
	_ =	sdelay $0x1  }
0x237: {  	v13 =	vcvt.f32.s32 v13;
	_ =	sdelay $0x1  }
0x238: {  	v13 =	vshll.u32 v13, $0x4;
	[tilespmem:v11+s10+$0x0] =	vst.idx.add.f32.msk $0xffff, v2  }
0x239: {  	v13 =	vor.u32 v46, v13;
	[tilespmem:v11+s11+$0x0] =	vst.idx.add.f32.msk $0xffff, v1  }
0x23a: {  	v1 =	vld [tilespmem:$0x1FC70]  }
0x23b: {  	v15 =	vtrunc.f32 v15  }
0x23c: {  	v15 =	vcvt.f32.s32 v15;
	_ =	sdelay $0x1  }
0x23d: {  	v15 =	vshll.u32 v15, $0x4;
	[tilespmem:v13+s10+$0x0] =	vst.idx.add.f32.msk $0xffff, v2  }
0x23e: {  	v15 =	vor.u32 v46, v15;
	[tilespmem:v13+s11+$0x0] =	vst.idx.add.f32.msk $0xffff, v1  }
0x23f: {  	v1 =	vld [tilespmem:$0x1FC80];
	_ =	sdelay $0x3  }
0x240: {  	[tilespmem:v15+s10+$0x0] =	vst.idx.add.f32.msk $0xffff, v2  }
0x241: {  	v22 =	vor.u32 v46, v22;
	[tilespmem:v15+s11+$0x0] =	vst.idx.add.f32.msk $0xffff, v1  }
0x242: {  	v1 =	vld [tilespmem:$0x1FC90]  }
0x243: {  	v61 =	vld [tilespmem:s23+$0xFFFFFF00];
	v16 =	vtrunc.f32 v16;
	v43 =	vmul.f32 $2.868157710e+03, v30  }
0x244: {  	v16 =	vcvt.f32.s32 v16  }
0x245: {  	v43 =	vmin.f32 v43, $1.023000000e+03  }
0x246: {  	v16 =	vshll.u32 v16, $0x4;
	[tilespmem:v22+s10+$0x0] =	vst.idx.add.f32.msk $0xffff, v2;
	v14 =	vtrunc.f32 v43  }
0x247: {  	v16 =	vor.u32 v46, v16;
	v43 =	vtrunc.f32 v60;
	v60 =	vmul.f32 $2.868157710e+03, v4;
	[tilespmem:v22+s11+$0x0] =	vst.idx.add.f32.msk $0xffff, v1  }
0x248: {  	v62 =	vmul.f32 $2.868157710e+03, v61;
	v59 =	vmul.f32 $2.868157710e+03, v3;
	v1 =	vld [tilespmem:$0x1FCA0]  }
0x249: {  	v18 =	vcvt.f32.s32 v18;
	v60 =	vmin.f32 v60, $1.023000000e+03  }
0x24a: {  	v26 =	vld [tilespmem:s23+$0x70];
	v17 =	vtrunc.f32 v60;
	v60 =	vmin.f32 v59, $1.023000000e+03;
	v59 =	vmin.f32 v62, $1.023000000e+03  }
0x24b: {  	v28 =	vld [tilespmem:s23+$0x80];
	v58 =	vtrunc.f32 v60;
	v60 =	vtrunc.f32 v59  }
0x24c: {  	[tilespmem:v16+s10+$0x0] =	vst.idx.add.f32.msk $0xffff, v2;
	v62 =	vmov v19;
	v19 =	vcvt.f32.s32 v60;
	v60 =	vshll.u32 v18, $0x4  }
0x24d: {  	v12 =	vor.u32 v46, v60;
	[tilespmem:v16+s11+$0x0] =	vst.idx.add.f32.msk $0xffff, v1  }
0x24e: {  	v1 =	vld [tilespmem:$0x1FCB0];
	_ =	sdelay $0x1  }
0x24f: {  	v20 =	vcvt.f32.s32 v20  }
0x250: {  	[tilespmem:v54+s10+$0x0] =	vst.idx.add.f32.msk $0xffff, v2;
	v39 =	vmul.f32 $2.868157710e+03, v26  }
0x251: {  	v20 =	vshll.u32 v20, $0x4;
	v41 =	vmul.f32 $2.868157710e+03, v28;
	[tilespmem:v12+s10+$0x0] =	vst.idx.add.f32.msk $0xffff, v2  }
0x252: {  	v20 =	vor.u32 v46, v20;
	v39 =	vmin.f32 v39, $1.023000000e+03;
	[tilespmem:v12+s11+$0x0] =	vst.idx.add.f32.msk $0xffff, v1  }
0x253: {  	v39 =	vtrunc.f32 v39;
	v41 =	vmin.f32 v41, $1.023000000e+03;
	v24 =	vcvt.f32.s32 v25;
	v1 =	vld [tilespmem:$0x1FCC0]  }
0x254: {  	[tilespmem:v48+s10+$0x0] =	vst.idx.add.f32.msk $0xffff, v2;
	v23 =	vcvt.f32.s32 v23;
	v41 =	vtrunc.f32 v41  }
0x255: {  	[tilespmem:v54+s11+$0x0] =	vst.idx.add.f32.msk $0xffff, v49;
	v63 =	vmovc v26;
	v21 =	vcvt.f32.s32 v21;
	v26 =	vcvt.f32.s32 v31;
	v24 =	vshll.u32 v24, $0x4  }
0x256: {  	[tilespmem:v48+s11+$0x0] =	vst.idx.add.f32.msk $0xffff, v51;
	v57 =	vcvt.f32.s32 v39;
	v48 =	vshll.u32 v23, $0x4;
	v24 =	vor.u32 v46, v24  }
0x257: {  	[tilespmem:v20+s10+$0x0] =	vst.idx.add.f32.msk $0xffff, v2;
	v54 =	vcvt.f32.s32 v37;
	v26 =	vshll.u32 v26, $0x4;
	v0 =	vshll.u32 v21, $0x4  }
0x258: {  	v40 =	vcvt.f32.s32 v40;
	v25 =	vcvt.f32.s32 v29;
	v0 =	vor.u32 v46, v0;
	[tilespmem:v20+s11+$0x0] =	vst.idx.add.f32.msk $0xffff, v1  }
0x259: {  	v14 =	vcvt.f32.s32 v14;
	v54 =	vshll.u32 v54, $0x4;
	v56 =	vcvt.f32.s32 v42;
	v1 =	vld [tilespmem:$0x1FCD0]  }
0x25a: {  	v43 =	vcvt.f32.s32 v43;
	v39 =	vshll.u32 v40, $0x4;
	v25 =	vshll.u32 v25, $0x4  }
0x25b: {  	v40 =	vshll.u32 v57, $0x4;
	v42 =	vshll.u32 v14, $0x4;
	[tilespmem:v24+s10+$0x0] =	vst.idx.add.f32.msk $0xffff, v2;
	v60 =	vor.u32 v46, v25  }
0x25c: {  	v17 =	vcvt.f32.s32 v17;
	v19 =	vshll.u32 v19, $0x4;
	[tilespmem:v24+s11+$0x0] =	vst.idx.add.f32.msk $0xffff, v52;
	v21 =	vor.u32 v46, v48  }
0x25d: {  	v55 =	vcvt.f32.s32 v38;
	v59 =	vcvt.f32.s32 v41;
	[tilespmem:v0+s10+$0x0] =	vst.idx.add.f32.msk $0xffff, v2;
	v3 =	vor.u32 v46, v19  }
0x25e: {  	s22 =	sadd.s32 $0x20, s22;
	v51 =	vcvt.f32.s32 v58;
	v58 =	vor.u32 v46, v54;
	v54 =	vor.u32 v46, v40;
	[tilespmem:v0+s11+$0x0] =	vst.idx.add.f32.msk $0xffff, v1  }
0x25f: {  	p0 =	slt.u32 s22, $0x3E0;
	v55 =	vshll.u32 v55, $0x4;
	v41 =	vshll.u32 v59, $0x4;
	v59 =	vor.u32 v46, v26;
	v0 =	vld [tilespmem:$0x1FCE0]  }
.Ltmp2:
0x260: {  	v57 =	vor.u32 v46, v55;
	v30 =	vshll.u32 v56, $0x4;
	v56 =	vor.u32 v46, v39;
	[tilespmem:v60+s10+$0x0] =	vst.idx.add.f32.msk $0xffff, v2;
	(pc) =	sbr.rel @p0 .LBB2_6-.Ltmp2, $4  }
0x261: {  	v43 =	vshll.u32 v43, $0x4;
	v36 =	vor.u32 v46, v42;
	v55 =	vor.u32 v46, v30;
	[tilespmem:v21+s10+$0x0] =	vst.idx.add.f32.msk $0xffff, v2  }
0x262: {  	v17 =	vshll.u32 v17, $0x4;
	v35 =	vor.u32 v46, v43;
	v48 =	vor.u32 v46, v41;
	[tilespmem:v3+s10+$0x0] =	vst.idx.add.f32.msk $0xffff, v2  }
0x263: {  	v23 =	vshll.u32 v51, $0x4;
	v34 =	vor.u32 v46, v44;
	v33 =	vor.u32 v46, v45;
	[tilespmem:v3+s11+$0x0] =	vst.idx.add.f32.msk $0xffff, v61  }
0x264: {  	s21 =	simm.s32 $0x0;
	v49 =	vmov v28;
	s23 =	sadd.s32 $0x200, s23;
	v32 =	vor.u32 v46, v17;
	v50 =	vor.u32 v46, v23;
	[tilespmem:v21+s11+$0x0] =	vst.idx.add.f32.msk $0xffff, v0  }
0x265: {  	v0 =	vld [tilespmem:$0x1FCF0];
	_ =	sdelay $0x3  }
0x266: {  	[tilespmem:v59+s10+$0x0] =	vst.idx.add.f32.msk $0xffff, v2  }
0x267: {  	[tilespmem:v60+s11+$0x0] =	vst.idx.add.f32.msk $0xffff, v0  }
0x268: {  	v0 =	vld [tilespmem:$0x1FD00];
	_ =	sdelay $0x3  }
0x269: {  	[tilespmem:v58+s10+$0x0] =	vst.idx.add.f32.msk $0xffff, v2  }
0x26a: {  	[tilespmem:v59+s11+$0x0] =	vst.idx.add.f32.msk $0xffff, v0  }
0x26b: {  	v0 =	vld [tilespmem:$0x1FD10]  }
0x26c: {  	[tilespmem:v57+s10+$0x0] =	vst.idx.add.f32.msk $0xffff, v2  }
0x26d: {  	[tilespmem:v56+s10+$0x0] =	vst.idx.add.f32.msk $0xffff, v2  }
0x26e: {  	[tilespmem:v55+s10+$0x0] =	vst.idx.add.f32.msk $0xffff, v2  }
0x26f: {  	[tilespmem:v57+s11+$0x0] =	vst.idx.add.f32.msk $0xffff, v62  }
0x270: {  	[tilespmem:v56+s11+$0x0] =	vst.idx.add.f32.msk $0xffff, v53  }
0x271: {  	[tilespmem:v58+s11+$0x0] =	vst.idx.add.f32.msk $0xffff, v0  }
0x272: {  	v0 =	vld [tilespmem:$0x1FD20]  }
0x273: {  	[tilespmem:v54+s10+$0x0] =	vst.idx.add.f32.msk $0xffff, v2  }
0x274: {  	[tilespmem:v48+s10+$0x0] =	vst.idx.add.f32.msk $0xffff, v2  }
0x275: {  	[tilespmem:v36+s10+$0x0] =	vst.idx.add.f32.msk $0xffff, v2  }
0x276: {  	[tilespmem:v54+s11+$0x0] =	vst.idx.add.f32.msk $0xffff, v63  }
0x277: {  	[tilespmem:v48+s11+$0x0] =	vst.idx.add.f32.msk $0xffff, v49  }
0x278: {  	[tilespmem:v55+s11+$0x0] =	vst.idx.add.f32.msk $0xffff, v0  }
0x279: {  	v0 =	vld [tilespmem:$0x1FD30];
	_ =	sdelay $0x3  }
0x27a: {  	[tilespmem:v35+s10+$0x0] =	vst.idx.add.f32.msk $0xffff, v2  }
0x27b: {  	[tilespmem:v36+s11+$0x0] =	vst.idx.add.f32.msk $0xffff, v0  }
0x27c: {  	v0 =	vld [tilespmem:$0x1FD40];
	_ =	sdelay $0x3  }
0x27d: {  	[tilespmem:v34+s10+$0x0] =	vst.idx.add.f32.msk $0xffff, v2  }
0x27e: {  	[tilespmem:v35+s11+$0x0] =	vst.idx.add.f32.msk $0xffff, v0  }
0x27f: {  	v0 =	vld [tilespmem:$0x1FD50];
	_ =	sdelay $0x3  }
0x280: {  	[tilespmem:v33+s10+$0x0] =	vst.idx.add.f32.msk $0xffff, v2  }
0x281: {  	[tilespmem:v34+s11+$0x0] =	vst.idx.add.f32.msk $0xffff, v0  }
0x282: {  	v0 =	vld [tilespmem:$0x1FD60];
	_ =	sdelay $0x4  }
0x283: {  	[tilespmem:v33+s11+$0x0] =	vst.idx.add.f32.msk $0xffff, v0  }
0x284: {  	v57 =	vld [tilespmem:$0x1FF20]  }
0x285: {  	[tilespmem:v32+s10+$0x0] =	vst.idx.add.f32.msk $0xffff, v2  }
0x286: {  	v0 =	vld [tilespmem:$0x1FD70];
	_ =	sdelay $0x3  }
0x287: {  	[tilespmem:v50+s10+$0x0] =	vst.idx.add.f32.msk $0xffff, v2  }
0x288: {  	[tilespmem:v32+s11+$0x0] =	vst.idx.add.f32.msk $0xffff, v0  }
0x289: {  	v0 =	vld [tilespmem:$0x1FD80]  }
0x28a: {  	v49 =	vor.u32 s21, v57;
	_ =	sdelay $0x3  }
0x28b: {  	[tilespmem:v50+s11+$0x0] =	vst.idx.add.f32.msk $0xffff, v0  }
0x28c: {  	v0 =	vld.idx.msk [tilespmem:v49+s10+$0x0], $0xffff  }
0x28d: {  	v47 =	vld [tilespmem:$0x1FF30]  }
0x28e: {  	v54 =	vld [tilespmem:$0x1FF40]  }
0x28f: {  	v60 =	vld [tilespmem:$0x1FF50]  }
0x290: {  	v61 =	vld [tilespmem:$0x1FF60]  }
0x291: {  	v62 =	vld [tilespmem:$0x1FF70]  }
0x292: {  	v63 =	vld [tilespmem:$0x1FF80]  }
0x293: {  	v38 =	vmul.u32 $0x11, v46;
	v1 =	vld [tilespmem:$0x1FFA0]  }
0x294: {  	s22 =	simm.s32 $0x300;
	v53 =	vld [tilespmem:$0x1FFB0]  }
0x295: {  	v4 =	vor.u32 s22, v38;
	v2 =	vld [tilespmem:$0x1FFC0]  }
0x296: {  	v29 =	vmul.u32 $0xF, v46;
	v58 =	vld [tilespmem:$0x1FFD0]  }
0x297: {  	v5 =	vor.u32 s22, v57;
	v59 =	vld [tilespmem:$0x1FFE0]  }
0x298: {  	v39 =	vadd.s32 $0xF, v29;
	v3 =	vld [tilespmem:$0x1FFF0]  }
0x299: {  	v52 =	vor.u32 s22, v39;
	[tilespmem:$0x1FBC0] =	vst v0;
	v0 =	vld [tilespmem:$0x1FF90]  }
0x29a: {  	v6 =	vor.u32 s22, v47;
	v7 =	vld.idx.msk [tilespmem:v4+s10+$0x0], $0xffff  }
0x29b: {  	v4 =	vld.idx.msk [tilespmem:v4+s11+$0x0], $0xffff  }
0x29c: {  	v8 =	vor.u32 s22, v54;
	v9 =	vld.idx.msk [tilespmem:v5+s10+$0x0], $0xffff  }
0x29d: {  	v5 =	vld.idx.msk [tilespmem:v5+s11+$0x0], $0xffff  }
0x29e: {  	v10 =	vor.u32 s22, v60;
	v37 =	vld.idx.msk [tilespmem:v52+s10+$0x0], $0xffff  }
0x29f: {  	v11 =	vld.idx.msk [tilespmem:v6+s10+$0x0], $0xffff  }
0x2a0: {  	v12 =	vor.u32 s22, v61;
	v6 =	vld.idx.msk [tilespmem:v6+s11+$0x0], $0xffff  }
0x2a1: {  	v13 =	vld.idx.msk [tilespmem:v8+s10+$0x0], $0xffff  }
0x2a2: {  	v14 =	vor.u32 s22, v62;
	v8 =	vld.idx.msk [tilespmem:v8+s11+$0x0], $0xffff  }
0x2a3: {  	v15 =	vld.idx.msk [tilespmem:v10+s10+$0x0], $0xffff  }
0x2a4: {  	v16 =	vor.u32 s22, v63;
	v10 =	vld.idx.msk [tilespmem:v10+s11+$0x0], $0xffff  }
0x2a5: {  	v17 =	vld.idx.msk [tilespmem:v12+s10+$0x0], $0xffff  }
0x2a6: {  	v20 =	vor.u32 s22, v1;
	v12 =	vld.idx.msk [tilespmem:v12+s11+$0x0], $0xffff  }
0x2a7: {  	v19 =	vld.idx.msk [tilespmem:v14+s10+$0x0], $0xffff  }
0x2a8: {  	v22 =	vor.u32 s22, v53;
	v14 =	vld.idx.msk [tilespmem:v14+s11+$0x0], $0xffff  }
0x2a9: {  	v21 =	vld.idx.msk [tilespmem:v16+s10+$0x0], $0xffff  }
0x2aa: {  	v24 =	vor.u32 s22, v2;
	v16 =	vld.idx.msk [tilespmem:v16+s11+$0x0], $0xffff  }
0x2ab: {  	v25 =	vld.idx.msk [tilespmem:v20+s10+$0x0], $0xffff  }
0x2ac: {  	v26 =	vor.u32 s22, v58;
	v20 =	vld.idx.msk [tilespmem:v20+s11+$0x0], $0xffff  }
0x2ad: {  	v27 =	vld.idx.msk [tilespmem:v22+s10+$0x0], $0xffff  }
0x2ae: {  	v28 =	vor.u32 s22, v59;
	v22 =	vld.idx.msk [tilespmem:v22+s11+$0x0], $0xffff  }
0x2af: {  	v30 =	vld.idx.msk [tilespmem:v24+s10+$0x0], $0xffff  }
0x2b0: {  	v31 =	vor.u32 s22, v3;
	v24 =	vld.idx.msk [tilespmem:v24+s11+$0x0], $0xffff  }
0x2b1: {  	v29 =	vld.idx.msk [tilespmem:v26+s10+$0x0], $0xffff  }
0x2b2: {  	v18 =	vor.u32 s22, v0;
	v26 =	vld.idx.msk [tilespmem:v26+s11+$0x0], $0xffff  }
0x2b3: {  	v33 =	vld.idx.msk [tilespmem:v28+s10+$0x0], $0xffff  }
0x2b4: {  	v28 =	vld.idx.msk [tilespmem:v28+s11+$0x0], $0xffff  }
0x2b5: {  	v55 =	vor.u32 s21, v38;
	v35 =	vld.idx.msk [tilespmem:v31+s10+$0x0], $0xffff  }
0x2b6: {  	s23 =	simm.s32 $0x100;
	v31 =	vld.idx.msk [tilespmem:v31+s11+$0x0], $0xffff  }
0x2b7: {  	v56 =	vor.u32 s23, v38;
	v23 =	vld.idx.msk [tilespmem:v18+s10+$0x0], $0xffff  }
0x2b8: {  	v18 =	vld.idx.msk [tilespmem:v18+s11+$0x0], $0xffff;
	[tilespmem:$0x1FBB0] =	vst v38  }
0x2b9: {  	v40 =	vor.u32 s23, v57;
	v32 =	vld.idx.msk [tilespmem:v52+s11+$0x0], $0xffff  }
0x2ba: {  	s24 =	simm.s32 $0x200;
	v3 =	vld.idx.msk [tilespmem:v55+s10+$0x0], $0xffff  }
0x2bb: {  	v42 =	vor.u32 s24, v57;
	v34 =	vld.idx.msk [tilespmem:v55+s11+$0x0], $0xffff  }
0x2bc: {  	v41 =	vld.idx.msk [tilespmem:v56+s10+$0x0], $0xffff  }
0x2bd: {  	v36 =	vld.idx.msk [tilespmem:v56+s11+$0x0], $0xffff;
	v52 =	vor.u32 s24, v47  }
0x2be: {  	v45 =	vld.idx.msk [tilespmem:v40+s10+$0x0], $0xffff  }
0x2bf: {  	v44 =	vor.u32 s23, v47;
	v40 =	vld.idx.msk [tilespmem:v40+s11+$0x0], $0xffff  }
0x2c0: {  	v51 =	vld.idx.msk [tilespmem:v42+s10+$0x0], $0xffff  }
0x2c1: {  	v38 =	vor.u32 s24, v38;
	v42 =	vld.idx.msk [tilespmem:v42+s11+$0x0], $0xffff  }
0x2c2: {  	v50 =	vld.idx.msk [tilespmem:v52+s10+$0x0], $0xffff  }
0x2c3: {  	v46 =	vld.idx.msk [tilespmem:v49+s11+$0x0], $0xffff  }
0x2c4: {  	v48 =	vor.u32 s21, v47;
	v47 =	vld.idx.msk [tilespmem:v44+s10+$0x0], $0xffff  }
0x2c5: {  	v44 =	vld.idx.msk [tilespmem:v44+s11+$0x0], $0xffff  }
0x2c6: {  	v43 =	vld.idx.msk [tilespmem:v38+s10+$0x0], $0xffff  }
0x2c7: {  	v38 =	vld.idx.msk [tilespmem:v38+s11+$0x0], $0xffff;
	[tilespmem:$0x1FBD0] =	vst v50  }
0x2c8: {  	v52 =	vld.idx.msk [tilespmem:v52+s11+$0x0], $0xffff;
	_ =	sdelay $0x2  }
0x2c9: {  	v49 =	vor.u32 s23, v54;
	_ =	sdelay $0x1  }
0x2ca: {  	v50 =	vor.u32 s24, v54;
	[tilespmem:$0x1FBE0] =	vst v52  }
0x2cb: {  	v7 =	vadd.f32 $0.0e+00, v7;
	v52 =	vld.idx.msk [tilespmem:v48+s10+$0x0], $0xffff  }
0x2cc: {  	v4 =	vadd.f32 $0.0e+00, v4;
	v54 =	vor.u32 s21, v54;
	v48 =	vld.idx.msk [tilespmem:v48+s11+$0x0], $0xffff  }
0x2cd: {  	v7 =	vadd.f32 v9, v7;
	v55 =	vld.idx.msk [tilespmem:v49+s10+$0x0], $0xffff  }
0x2ce: {  	v9 =	vor.u32 s23, v60;
	v4 =	vadd.f32 v5, v4;
	v49 =	vld.idx.msk [tilespmem:v49+s11+$0x0], $0xffff  }
0x2cf: {  	v5 =	vadd.f32 v11, v7;
	v56 =	vld.idx.msk [tilespmem:v50+s10+$0x0], $0xffff  }
0x2d0: {  	v7 =	vor.u32 s24, v60;
	v4 =	vadd.f32 v6, v4;
	v6 =	vld.idx.msk [tilespmem:v50+s11+$0x0], $0xffff  }
0x2d1: {  	v5 =	vadd.f32 v13, v5;
	v11 =	vld.idx.msk [tilespmem:v54+s10+$0x0], $0xffff  }
0x2d2: {  	v13 =	vor.u32 s21, v60;
	v4 =	vadd.f32 v8, v4;
	v8 =	vld.idx.msk [tilespmem:v54+s11+$0x0], $0xffff  }
0x2d3: {  	v5 =	vadd.f32 v15, v5;
	v50 =	vld.idx.msk [tilespmem:v9+s10+$0x0], $0xffff  }
0x2d4: {  	v15 =	vor.u32 s23, v61;
	v9 =	vld.idx.msk [tilespmem:v9+s11+$0x0], $0xffff  }
0x2d5: {  	v4 =	vadd.f32 v10, v4;
	v5 =	vadd.f32 v17, v5;
	v10 =	vld.idx.msk [tilespmem:v7+s10+$0x0], $0xffff  }
0x2d6: {  	v17 =	vor.u32 s24, v61;
	v7 =	vld.idx.msk [tilespmem:v7+s11+$0x0], $0xffff  }
0x2d7: {  	v4 =	vadd.f32 v12, v4;
	v5 =	vadd.f32 v19, v5;
	v12 =	vld.idx.msk [tilespmem:v13+s10+$0x0], $0xffff  }
0x2d8: {  	v19 =	vor.u32 s21, v61;
	v13 =	vld.idx.msk [tilespmem:v13+s11+$0x0], $0xffff  }
0x2d9: {  	v4 =	vadd.f32 v14, v4;
	v5 =	vadd.f32 v21, v5;
	v14 =	vld.idx.msk [tilespmem:v15+s10+$0x0], $0xffff  }
0x2da: {  	v21 =	vor.u32 s23, v62;
	v15 =	vld.idx.msk [tilespmem:v15+s11+$0x0], $0xffff  }
0x2db: {  	v4 =	vadd.f32 v16, v4;
	v5 =	vadd.f32 v23, v5;
	v16 =	vld.idx.msk [tilespmem:v17+s10+$0x0], $0xffff  }
0x2dc: {  	v23 =	vor.u32 s24, v62;
	v17 =	vld.idx.msk [tilespmem:v17+s11+$0x0], $0xffff  }
0x2dd: {  	v4 =	vadd.f32 v18, v4;
	v5 =	vadd.f32 v25, v5;
	v18 =	vld.idx.msk [tilespmem:v19+s10+$0x0], $0xffff  }
0x2de: {  	v61 =	vor.u32 s21, v62;
	v19 =	vld.idx.msk [tilespmem:v19+s11+$0x0], $0xffff  }
0x2df: {  	v4 =	vadd.f32 v20, v4;
	v5 =	vadd.f32 v27, v5;
	v20 =	vld.idx.msk [tilespmem:v21+s10+$0x0], $0xffff  }
0x2e0: {  	v60 =	vor.u32 s23, v1;
	v36 =	vadd.f32 $0.0e+00, v36;
	v21 =	vld.idx.msk [tilespmem:v21+s11+$0x0], $0xffff  }
0x2e1: {  	v27 =	vor.u32 s23, v63;
	v4 =	vadd.f32 v22, v4;
	v22 =	vld.idx.msk [tilespmem:v23+s10+$0x0], $0xffff;
	v5 =	vadd.f32 v30, v5  }
0x2e2: {  	v36 =	vadd.f32 v40, v36;
	v23 =	vld.idx.msk [tilespmem:v23+s11+$0x0], $0xffff  }
0x2e3: {  	v62 =	vor.u32 s23, v0;
	v4 =	vadd.f32 v24, v4;
	v24 =	vld.idx.msk [tilespmem:v61+s10+$0x0], $0xffff;
	v5 =	vadd.f32 v29, v5  }
0x2e4: {  	v25 =	vld.idx.msk [tilespmem:v61+s11+$0x0], $0xffff  }
0x2e5: {  	v36 =	vadd.f32 v44, v36;
	v30 =	vor.u32 s24, v63;
	v44 =	vld.idx.msk [tilespmem:v60+s10+$0x0], $0xffff;
	v5 =	vadd.f32 v33, v5  }
0x2e6: {  	v4 =	vadd.f32 v26, v4;
	v26 =	vld.idx.msk [tilespmem:v27+s10+$0x0], $0xffff  }
0x2e7: {  	v61 =	vor.u32 s24, v1;
	v27 =	vld.idx.msk [tilespmem:v27+s11+$0x0], $0xffff;
	v5 =	vadd.f32 v35, v5  }
0x2e8: {  	v29 =	vor.u32 s21, v63;
	v33 =	vld.idx.msk [tilespmem:v62+s11+$0x0], $0xffff  }
0x2e9: {  	v63 =	vor.u32 s24, v0;
	v5 =	vadd.f32 v37, v5;
	v37 =	vor.u32 s21, v0;
	v0 =	vld [tilespmem:$0x1FBC0]  }
0x2ea: {  	v4 =	vadd.f32 v28, v4;
	v28 =	vld.idx.msk [tilespmem:v30+s10+$0x0], $0xffff  }
0x2eb: {  	v30 =	vld.idx.msk [tilespmem:v30+s11+$0x0], $0xffff  }
0x2ec: {  	v40 =	vld.idx.msk [tilespmem:v61+s11+$0x0], $0xffff;
	v4 =	vadd.f32 v31, v4;
	v31 =	vadd.f32 $0.0e+00, v3  }
0x2ed: {  	v54 =	vld.idx.msk [tilespmem:v29+s10+$0x0], $0xffff  }
0x2ee: {  	v29 =	vld.idx.msk [tilespmem:v29+s11+$0x0], $0xffff;
	v3 =	vadd.f32 v0, v31;
	v31 =	vadd.f32 $0.0e+00, v41  }
0x2ef: {  	v35 =	vld.idx.msk [tilespmem:v63+s11+$0x0], $0xffff  }
0x2f0: {  	v36 =	vadd.f32 v49, v36;
	v31 =	vadd.f32 v45, v31;
	v45 =	vld.idx.msk [tilespmem:v63+s10+$0x0], $0xffff  }
0x2f1: {  	v34 =	vadd.f32 $0.0e+00, v34;
	v43 =	vadd.f32 $0.0e+00, v43;
	v63 =	vor.u32 s21, v1;
	v1 =	vld [tilespmem:$0x1FBD0]  }
0x2f2: {  	v9 =	vadd.f32 v9, v36;
	v4 =	vadd.f32 v32, v4;
	v32 =	vld.idx.msk [tilespmem:v62+s10+$0x0], $0xffff  }
0x2f3: {  	v38 =	vadd.f32 $0.0e+00, v38;
	v43 =	vadd.f32 v51, v43;
	v62 =	vld.idx.msk [tilespmem:v37+s10+$0x0], $0xffff  }
0x2f4: {  	v9 =	vadd.f32 v15, v9;
	v37 =	vld.idx.msk [tilespmem:v37+s11+$0x0], $0xffff;
	v3 =	vadd.f32 v52, v3;
	v52 =	vor.u32 s23, v53  }
0x2f5: {  	v0 =	vadd.f32 v46, v34;
	v41 =	vld.idx.msk [tilespmem:v60+s11+$0x0], $0xffff;
	v31 =	vadd.f32 v47, v31  }
0x2f6: {  	v3 =	vadd.f32 v11, v3;
	v43 =	vadd.f32 v1, v43;
	v1 =	vld [tilespmem:$0x1FBE0]  }
0x2f7: {  	v9 =	vadd.f32 v21, v9;
	v60 =	vor.u32 s21, v58;
	v0 =	vadd.f32 v48, v0;
	v11 =	vld.idx.msk [tilespmem:v63+s10+$0x0], $0xffff  }
0x2f8: {  	v31 =	vadd.f32 v55, v31;
	v55 =	vor.u32 s24, v53;
	v3 =	vadd.f32 v12, v3;
	v34 =	vld.idx.msk [tilespmem:v63+s11+$0x0], $0xffff  }
0x2f9: {  	v38 =	vadd.f32 v42, v38;
	v9 =	vadd.f32 v27, v9;
	v12 =	vld.idx.msk [tilespmem:v52+s11+$0x0], $0xffff  }
0x2fa: {  	v0 =	vadd.f32 v8, v0;
	v63 =	vld [tilespmem:$0x1FFF0];
	v3 =	vadd.f32 v18, v3  }
0x2fb: {  	v8 =	vadd.f32 v50, v31;
	v31 =	vor.u32 s21, v53;
	v43 =	vadd.f32 v56, v43;
	v56 =	vld.idx.msk [tilespmem:v52+s10+$0x0], $0xffff  }
0x2fc: {  	v0 =	vadd.f32 v13, v0;
	v3 =	vadd.f32 v24, v3;
	v24 =	vld.idx.msk [tilespmem:v60+s11+$0x0], $0xffff  }
0x2fd: {  	v9 =	vadd.f32 v33, v9;
	v8 =	vadd.f32 v14, v8;
	v14 =	vor.u32 s24, v2;
	v13 =	vld.idx.msk [tilespmem:v55+s10+$0x0], $0xffff  }
0x2fe: {  	v0 =	vadd.f32 v19, v0;
	v10 =	vadd.f32 v10, v43;
	v15 =	vld.idx.msk [tilespmem:v55+s11+$0x0], $0xffff  }
0x2ff: {  	v38 =	vadd.f32 v1, v38;
	v1 =	vld.idx.msk [tilespmem:v61+s10+$0x0], $0xffff;
	v8 =	vadd.f32 v20, v8  }
0x300: {  	v20 =	vor.u32 s23, v58;
	v3 =	vadd.f32 v54, v3;
	v10 =	vadd.f32 v16, v10;
	v16 =	vld.idx.msk [tilespmem:v31+s10+$0x0], $0xffff  }
0x301: {  	v9 =	vadd.f32 v41, v9;
	v18 =	vld.idx.msk [tilespmem:v31+s11+$0x0], $0xffff  }
0x302: {  	v0 =	vadd.f32 v25, v0;
	v3 =	vadd.f32 v62, v3;
	v62 =	vor.u32 s23, v59;
	v21 =	vld.idx.msk [tilespmem:v14+s10+$0x0], $0xffff  }
0x303: {  	v6 =	vadd.f32 v6, v38;
	v10 =	vadd.f32 v22, v10;
	v22 =	vor.u32 s24, v58;
	v14 =	vld.idx.msk [tilespmem:v14+s11+$0x0], $0xffff  }
0x304: {  	v0 =	vadd.f32 v29, v0;
	v3 =	vadd.f32 v11, v3;
	v11 =	vld.idx.msk [tilespmem:v60+s10+$0x0], $0xffff  }
0x305: {  	v6 =	vadd.f32 v7, v6;
	v7 =	vor.u32 s23, v2;
	v61 =	vld.idx.msk [tilespmem:v20+s10+$0x0], $0xffff  }
0x306: {  	v9 =	vadd.f32 v12, v9;
	v0 =	vadd.f32 v37, v0;
	v20 =	vld.idx.msk [tilespmem:v20+s11+$0x0], $0xffff  }
0x307: {  	v8 =	vadd.f32 v26, v8;
	v6 =	vadd.f32 v17, v6;
	v17 =	vor.u32 s21, v2;
	v12 =	vld.idx.msk [tilespmem:v62+s10+$0x0], $0xffff  }
0x308: {  	v0 =	vadd.f32 v34, v0;
	v10 =	vadd.f32 v28, v10;
	v27 =	vld.idx.msk [tilespmem:v22+s10+$0x0], $0xffff  }
0x309: {  	v8 =	vadd.f32 v32, v8;
	v28 =	vor.u32 s24, v59;
	v6 =	vadd.f32 v23, v6;
	v22 =	vld.idx.msk [tilespmem:v22+s11+$0x0], $0xffff  }
0x30a: {  	v0 =	vadd.f32 v18, v0;
	v18 =	vor.u32 s24, v63;
	v10 =	vadd.f32 v45, v10;
	v19 =	vld.idx.msk [tilespmem:v7+s10+$0x0], $0xffff  }
0x30b: {  	v8 =	vadd.f32 v44, v8;
	v7 =	vld.idx.msk [tilespmem:v7+s11+$0x0], $0xffff;
	v6 =	vadd.f32 v30, v6  }
0x30c: {  	v29 =	vor.u32 s21, v59;
	v10 =	vadd.f32 v1, v10;
	v23 =	vld.idx.msk [tilespmem:v17+s10+$0x0], $0xffff  }
0x30d: {  	v8 =	vadd.f32 v56, v8;
	v17 =	vld.idx.msk [tilespmem:v17+s11+$0x0], $0xffff;
	v6 =	vadd.f32 v35, v6  }
0x30e: {  	v3 =	vadd.f32 v16, v3;
	v16 =	vld.idx.msk [tilespmem:v28+s10+$0x0], $0xffff;
	v10 =	vadd.f32 v13, v10  }
0x30f: {  	v13 =	vor.u32 s23, v63;
	v35 =	vld.idx.msk [tilespmem:v18+s11+$0x0], $0xffff;
	v6 =	vadd.f32 v40, v6;
	v8 =	vadd.f32 v19, v8  }
0x310: {  	v7 =	vadd.f32 v7, v9;
	v9 =	vadd.f32 v21, v10;
	v19 =	vld.idx.msk [tilespmem:v28+s11+$0x0], $0xffff  }
0x311: {  	v21 =	vld.idx.msk [tilespmem:v29+s11+$0x0], $0xffff;
	v6 =	vadd.f32 v15, v6;
	v10 =	vadd.f32 v23, v3  }
0x312: {  	v15 =	vld.idx.msk [tilespmem:v62+s11+$0x0], $0xffff;
	v0 =	vadd.f32 v17, v0;
	v8 =	vadd.f32 v61, v8;
	v23 =	vor.u32 s21, v63  }
0x313: {  	v9 =	vadd.f32 v27, v9;
	v6 =	vadd.f32 v14, v6;
	v14 =	vld.idx.msk [tilespmem:v29+s10+$0x0], $0xffff  }
0x314: {  	v7 =	vadd.f32 v20, v7;
	v3 =	vld.idx.msk [tilespmem:v13+s10+$0x0], $0xffff;
	v20 =	vadd.f32 v11, v10;
	v29 =	vor.u32 s21, v39  }
0x315: {  	[tilespmem:s20+$0x10] =	vst v5;
	v10 =	vld.idx.msk [tilespmem:v13+s11+$0x0], $0xffff;
	v13 =	vadd.f32 v24, v0;
	v11 =	vadd.f32 v16, v9  }
0x316: {  	[tilespmem:s19+$0x10] =	vst v4;
	v43 =	vmov v58;
	v17 =	vadd.f32 v22, v6;
	v6 =	vadd.f32 v12, v8;
	v8 =	vld.idx.msk [tilespmem:v18+s10+$0x0], $0xffff  }
0x317: {  	v28 =	vor.u32 s23, v39;
	v18 =	vadd.f32 v21, v13;
	v12 =	vadd.f32 v15, v7;
	v0 =	vld.idx.msk [tilespmem:v23+s10+$0x0], $0xffff;
	[tilespmem:$0x1FBF0] =	vst v39  }
0x318: {  	s22 =	simm.s32 $0x0;
	v40 =	vmovc v59;
	v21 =	vor.u32 s24, v39;
	v9 =	vadd.f32 v19, v17;
	v19 =	vld.idx.msk [tilespmem:v23+s11+$0x0], $0xffff;
	v17 =	vadd.f32 v14, v20  }
.LBB2_8:
0x319: {  	v16 =	vld.idx.msk [tilespmem:v29+s10+$0x0], $0xffff  }
0x31a: {  	v1 =	vld [tilespmem:$0x1FF30]  }
0x31b: {  	v2 =	vld [tilespmem:$0x1FF40]  }
0x31c: {  	v29 =	vld.idx.msk [tilespmem:v29+s11+$0x0], $0xffff  }
0x31d: {  	v4 =	vld [tilespmem:$0x1FBB0]  }
0x31e: {  	v5 =	vld.idx.msk [tilespmem:v28+s10+$0x0], $0xffff  }
0x31f: {  	v28 =	vld.idx.msk [tilespmem:v28+s11+$0x0], $0xffff  }
0x320: {  	v20 =	vld.idx.msk [tilespmem:v21+s10+$0x0], $0xffff  }
0x321: {  	v7 =	vld [tilespmem:$0x1FF50]  }
0x322: {  	s21 =	sadd.s32 $0x400, s21;
	v58 =	vld [tilespmem:$0x1FFA0]  }
0x323: {  	v15 =	vld.idx.msk [tilespmem:v21+s11+$0x0], $0xffff;
	v14 =	vor.u32 s21, v57  }
0x324: {  	v36 =	vld [tilespmem:$0x1FF60];
	s23 =	sadd.s32 $0x100, s21;
	s24 =	sadd.s32 $0x300, s21;
	s25 =	sadd.s32 $0x200, s21  }
0x325: {  	v37 =	vld [tilespmem:$0x1FF70];
	v63 =	vor.u32 s23, v57;
	v62 =	vor.u32 s25, v57;
	v23 =	vor.u32 s24, v57  }
0x326: {  	v38 =	vld [tilespmem:$0x1FF80];
	v32 =	vor.u32 s21, v2;
	v22 =	vor.u32 s24, v4;
	v59 =	vor.u32 s23, v2  }
0x327: {  	v39 =	vld [tilespmem:$0x1FF90];
	v57 =	vor.u32 s25, v2;
	v25 =	vor.u32 s24, v2;
	v2 =	vor.u32 s21, v58  }
0x328: {  	[tilespmem:$0x1FB60] =	vst v2;
	v2 =	vor.u32 s25, v58;
	v21 =	vld.idx.msk [tilespmem:v14+s10+$0x0], $0xffff  }
0x329: {  	v42 =	vld [tilespmem:$0x1FFC0];
	[tilespmem:$0x1FB50] =	vst v2;
	v2 =	vor.u32 s23, v53  }
0x32a: {  	[tilespmem:$0x1FB70] =	vst v2;
	v2 =	vor.u32 s25, v53;
	v26 =	vld.idx.msk [tilespmem:v23+s10+$0x0], $0xffff  }
0x32b: {  	v13 =	vadd.f32 v3, v6;
	v27 =	vor.u32 s24, v7;
	v23 =	vld.idx.msk [tilespmem:v23+s11+$0x0], $0xffff;
	[tilespmem:$0x1FB80] =	vst v2;
	v2 =	vor.u32 s21, v53  }
0x32c: {  	v0 =	vadd.f32 v0, v17;
	v54 =	vor.u32 s21, v1;
	v61 =	vor.u32 s23, v1;
	v24 =	vld.idx.msk [tilespmem:v22+s10+$0x0], $0xffff;
	[tilespmem:$0x1FB90] =	vst v2  }
0x32d: {  	v60 =	vor.u32 s25, v1;
	v22 =	vld.idx.msk [tilespmem:v22+s11+$0x0], $0xffff;
	[tilespmem:$0x1FAF0] =	vst v21;
	v21 =	vor.u32 s24, v1;
	v1 =	vor.u32 s21, v38  }
0x32e: {  	v18 =	vadd.f32 v19, v18;
	v47 =	vor.u32 s24, v36;
	v49 =	vld.idx.msk [tilespmem:v25+s10+$0x0], $0xffff;
	[tilespmem:$0x1FB00] =	vst v1;
	v1 =	vor.u32 s23, v39  }
0x32f: {  	v8 =	vadd.f32 v8, v11;
	v9 =	vadd.f32 v35, v9;
	v52 =	vld.idx.msk [tilespmem:v25+s11+$0x0], $0xffff;
	[tilespmem:$0x1FB10] =	vst v1;
	v1 =	vor.u32 s21, v39  }
0x330: {  	v6 =	vor.u32 s21, v4;
	v55 =	vor.u32 s23, v7;
	v46 =	vld.idx.msk [tilespmem:v27+s10+$0x0], $0xffff;
	[tilespmem:$0x1FB30] =	vst v1;
	v1 =	vor.u32 s23, v58  }
0x331: {  	v33 =	vor.u32 s21, v36;
	v31 =	vor.u32 s23, v36;
	v2 =	vld.idx.msk [tilespmem:v27+s11+$0x0], $0xffff;
	[tilespmem:$0x1FB40] =	vst v1;
	v1 =	vor.u32 s25, v39  }
0x332: {  	v51 =	vor.u32 s25, v36;
	v48 =	vor.u32 s23, v37;
	v8 =	vadd.f32 v20, v8;
	[tilespmem:$0x1FB20] =	vst v1;
	v1 =	vld.idx.msk [tilespmem:v21+s10+$0x0], $0xffff  }
0x333: {  	v34 =	vor.u32 s25, v37;
	v0 =	vadd.f32 v16, v0;
	v36 =	vld.idx.msk [tilespmem:v47+s10+$0x0], $0xffff;
	v24 =	vadd.f32 $0.0e+00, v24  }
0x334: {  	v41 =	vor.u32 s21, v37;
	v18 =	vadd.f32 v29, v18;
	[tilespmem:s20+$0x0] =	vst v8;
	v53 =	vor.u32 s24, v37;
	v37 =	vld.idx.msk [tilespmem:v47+s11+$0x0], $0xffff  }
0x335: {  	v30 =	vor.u32 s21, v7;
	v9 =	vadd.f32 v15, v9;
	[tilespmem:s20+$0xFFFFFFE0] =	vst v0;
	v26 =	vadd.f32 v26, v24;
	v21 =	vld.idx.msk [tilespmem:v21+s11+$0x0], $0xffff  }
0x336: {  	v56 =	vor.u32 s25, v7;
	v7 =	vor.u32 s24, v38;
	[tilespmem:s19+$0xFFFFFFE0] =	vst v18;
	v18 =	vld [tilespmem:$0x1FBF0];
	v50 =	vadd.f32 $0.0e+00, v22  }
0x337: {  	v45 =	vor.u32 s23, v38;
	[tilespmem:s19+$0x0] =	vst v9;
	v27 =	vor.u32 s25, v43;
	v9 =	vld.idx.msk [tilespmem:v6+s10+$0x0], $0xffff;
	v1 =	vadd.f32 v1, v26  }
0x338: {  	v50 =	vadd.f32 v23, v50;
	v23 =	vor.u32 s23, v43;
	v26 =	vor.u32 s21, v43;
	v43 =	vld [tilespmem:$0x1FFF0]  }
0x339: {  	v44 =	vor.u32 s25, v38;
	v38 =	vor.u32 s24, v39;
	v39 =	vld.idx.msk [tilespmem:v53+s10+$0x0], $0xffff;
	v1 =	vadd.f32 v49, v1  }
0x33a: {  	v53 =	vld.idx.msk [tilespmem:v53+s11+$0x0], $0xffff;
	v21 =	vadd.f32 v21, v50  }
0x33b: {  	v47 =	vor.u32 s25, v40;
	v50 =	vor.u32 s23, v40;
	v1 =	vadd.f32 v46, v1;
	v46 =	vld.idx.msk [tilespmem:v7+s10+$0x0], $0xffff  }
0x33c: {  	v49 =	vor.u32 s21, v40;
	v21 =	vadd.f32 v52, v21;
	v40 =	vor.u32 s24, v58;
	v7 =	vld.idx.msk [tilespmem:v7+s11+$0x0], $0xffff  }
0x33d: {  	v52 =	vor.u32 s23, v43;
	v43 =	vld [tilespmem:$0x1FFF0]  }
0x33e: {  	v2 =	vadd.f32 v2, v21;
	v21 =	vld [tilespmem:$0x1FFB0]  }
0x33f: {  	v25 =	vor.u32 s23, v42;
	v22 =	vor.u32 s25, v42;
	v1 =	vadd.f32 v36, v1;
	v36 =	vld.idx.msk [tilespmem:v38+s10+$0x0], $0xffff  }
0x340: {  	v24 =	vor.u32 s21, v42;
	v2 =	vadd.f32 v37, v2;
	v37 =	vor.u32 s24, v42;
	v42 =	vld [tilespmem:$0x1FFF0]  }
0x341: {  	v0 =	vadd.f32 v5, v13;
	v13 =	vor.u32 s24, v18;
	v19 =	vld.idx.msk [tilespmem:v40+s10+$0x0], $0xffff  }
0x342: {  	[tilespmem:$0x1FBA0] =	vst v52;
	v52 =	vor.u32 s21, v43;
	v43 =	vld [tilespmem:$0x1FFD0]  }
0x343: {  	v10 =	vadd.f32 v10, v12;
	v12 =	vld.idx.msk [tilespmem:v40+s11+$0x0], $0xffff;
	v21 =	vor.u32 s24, v21  }
0x344: {  	v40 =	vld [tilespmem:$0x1FFE0];
	v1 =	vadd.f32 v39, v1  }
0x345: {  	v17 =	vld.idx.msk [tilespmem:v38+s11+$0x0], $0xffff  }
0x346: {  	v8 =	vld.idx.msk [tilespmem:v13+s11+$0x0], $0xffff;
	v2 =	vadd.f32 v53, v2;
	v1 =	vadd.f32 v46, v1;
	v46 =	vor.u32 s24, v42  }
0x347: {  	v16 =	vld.idx.msk [tilespmem:v37+s10+$0x0], $0xffff;
	v38 =	vor.u32 s24, v43  }
0x348: {  	v2 =	vadd.f32 v7, v2;
	v11 =	vld.idx.msk [tilespmem:v21+s10+$0x0], $0xffff  }
0x349: {  	v10 =	vadd.f32 v28, v10;
	v35 =	vor.u32 s24, v40;
	v1 =	vadd.f32 v36, v1;
	v7 =	vld.idx.msk [tilespmem:v21+s11+$0x0], $0xffff  }
0x34a: {  	[tilespmem:s20+$0xFFFFFFF0] =	vst v0;
	v2 =	vadd.f32 v17, v2;
	v17 =	vld.idx.msk [tilespmem:v37+s11+$0x0], $0xffff  }
0x34b: {  	[tilespmem:s19+$0xFFFFFFF0] =	vst v10;
	v1 =	vadd.f32 v19, v1;
	v10 =	vld.idx.msk [tilespmem:v46+s10+$0x0], $0xffff  }
0x34c: {  	v2 =	vadd.f32 v12, v2;
	v5 =	vld.idx.msk [tilespmem:v38+s10+$0x0], $0xffff  }
0x34d: {  	v0 =	vadd.f32 v11, v1;
	v12 =	vld.idx.msk [tilespmem:v38+s11+$0x0], $0xffff  }
0x34e: {  	v1 =	vld.idx.msk [tilespmem:v35+s10+$0x0], $0xffff;
	v2 =	vadd.f32 v7, v2  }
0x34f: {  	v3 =	vor.u32 s23, v4;
	v7 =	vld.idx.msk [tilespmem:v35+s11+$0x0], $0xffff;
	v0 =	vadd.f32 v16, v0  }
0x350: {  	v11 =	vld.idx.msk [tilespmem:v46+s11+$0x0], $0xffff;
	v2 =	vadd.f32 v17, v2  }
0x351: {  	v4 =	vor.u32 s25, v4;
	v0 =	vadd.f32 v5, v0;
	v5 =	vld.idx.msk [tilespmem:v13+s10+$0x0], $0xffff  }
0x352: {  	v2 =	vadd.f32 v12, v2;
	v12 =	vld.idx.msk [tilespmem:v54+s10+$0x0], $0xffff  }
0x353: {  	v0 =	vadd.f32 v1, v0;
	v1 =	vld.idx.msk [tilespmem:v6+s11+$0x0], $0xffff  }
0x354: {  	v6 =	vld.idx.msk [tilespmem:v3+s10+$0x0], $0xffff  }
0x355: {  	v2 =	vadd.f32 v7, v2;
	v3 =	vld.idx.msk [tilespmem:v3+s11+$0x0], $0xffff  }
0x356: {  	v7 =	vld.idx.msk [tilespmem:v4+s10+$0x0], $0xffff;
	v0 =	vadd.f32 v10, v0  }
0x357: {  	v4 =	vld.idx.msk [tilespmem:v4+s11+$0x0], $0xffff;
	v2 =	vadd.f32 v11, v2  }
0x358: {  	v10 =	vld.idx.msk [tilespmem:v14+s11+$0x0], $0xffff;
	v0 =	vadd.f32 v5, v0  }
0x359: {  	s20 =	sadd.s32 $0x40, s20;
	v2 =	vadd.f32 v8, v2;
	v5 =	vadd.f32 $0.0e+00, v9;
	v9 =	vld.idx.msk [tilespmem:v62+s11+$0x0], $0xffff  }
0x35a: {  	s19 =	sadd.s32 $0x40, s19;
	[tilespmem:s20+$0x10] =	vst v0;
	v0 =	vadd.f32 $0.0e+00, v1;
	v1 =	vld.idx.msk [tilespmem:v63+s11+$0x0], $0xffff  }
0x35b: {  	[tilespmem:s19+$0x10] =	vst v2;
	v2 =	vld [tilespmem:$0x1FAF0]  }
0x35c: {  	v11 =	vld.idx.msk [tilespmem:v61+s10+$0x0], $0xffff;
	v4 =	vadd.f32 $0.0e+00, v4  }
0x35d: {  	v8 =	vld.idx.msk [tilespmem:v63+s10+$0x0], $0xffff;
	v3 =	vadd.f32 $0.0e+00, v3  }
0x35e: {  	v4 =	vadd.f32 v9, v4;
	v9 =	vld.idx.msk [tilespmem:v54+s11+$0x0], $0xffff  }
0x35f: {  	v0 =	vadd.f32 v10, v0;
	v10 =	vld.idx.msk [tilespmem:v59+s10+$0x0], $0xffff;
	v1 =	vadd.f32 v1, v3  }
0x360: {  	v3 =	vld.idx.msk [tilespmem:v60+s10+$0x0], $0xffff;
	v2 =	vadd.f32 v2, v5;
	v5 =	vadd.f32 $0.0e+00, v6  }
0x361: {  	v6 =	vld.idx.msk [tilespmem:v62+s10+$0x0], $0xffff  }
0x362: {  	v5 =	vadd.f32 v8, v5;
	v8 =	vld.idx.msk [tilespmem:v61+s11+$0x0], $0xffff  }
0x363: {  	v0 =	vadd.f32 v9, v0;
	v9 =	vld.idx.msk [tilespmem:v32+s11+$0x0], $0xffff  }
0x364: {  	v7 =	vadd.f32 $0.0e+00, v7;
	v2 =	vadd.f32 v12, v2;
	v12 =	vld [tilespmem:$0x1FB00]  }
0x365: {  	v5 =	vadd.f32 v11, v5;
	v11 =	vld.idx.msk [tilespmem:v32+s10+$0x0], $0xffff  }
0x366: {  	v6 =	vadd.f32 v6, v7;
	v7 =	vld.idx.msk [tilespmem:v60+s11+$0x0], $0xffff  }
0x367: {  	v5 =	vadd.f32 v10, v5;
	v10 =	vld.idx.msk [tilespmem:v55+s10+$0x0], $0xffff  }
0x368: {  	v1 =	vadd.f32 v8, v1;
	v8 =	vld.idx.msk [tilespmem:v59+s11+$0x0], $0xffff  }
0x369: {  	v0 =	vadd.f32 v9, v0;
	v9 =	vld.idx.msk [tilespmem:v30+s11+$0x0], $0xffff  }
0x36a: {  	v2 =	vadd.f32 v11, v2;
	v11 =	vld.idx.msk [tilespmem:v30+s10+$0x0], $0xffff  }
0x36b: {  	v3 =	vadd.f32 v3, v6;
	v6 =	vld.idx.msk [tilespmem:v57+s10+$0x0], $0xffff  }
0x36c: {  	v4 =	vadd.f32 v7, v4;
	v7 =	vld.idx.msk [tilespmem:v57+s11+$0x0], $0xffff  }
0x36d: {  	v1 =	vadd.f32 v8, v1;
	v8 =	vld.idx.msk [tilespmem:v55+s11+$0x0], $0xffff  }
0x36e: {  	v0 =	vadd.f32 v9, v0;
	v9 =	vld.idx.msk [tilespmem:v33+s11+$0x0], $0xffff  }
0x36f: {  	v2 =	vadd.f32 v11, v2;
	v11 =	vld.idx.msk [tilespmem:v33+s10+$0x0], $0xffff  }
0x370: {  	v5 =	vadd.f32 v10, v5;
	v10 =	vld.idx.msk [tilespmem:v31+s10+$0x0], $0xffff  }
0x371: {  	v3 =	vadd.f32 v6, v3;
	v6 =	vld.idx.msk [tilespmem:v56+s10+$0x0], $0xffff  }
0x372: {  	v1 =	vadd.f32 v8, v1;
	v8 =	vld.idx.msk [tilespmem:v31+s11+$0x0], $0xffff  }
0x373: {  	v0 =	vadd.f32 v9, v0;
	v9 =	vld.idx.msk [tilespmem:v41+s11+$0x0], $0xffff  }
0x374: {  	v2 =	vadd.f32 v11, v2;
	v11 =	vld.idx.msk [tilespmem:v41+s10+$0x0], $0xffff  }
0x375: {  	v4 =	vadd.f32 v7, v4;
	v7 =	vld.idx.msk [tilespmem:v56+s11+$0x0], $0xffff  }
0x376: {  	v5 =	vadd.f32 v10, v5;
	v10 =	vld.idx.msk [tilespmem:v48+s10+$0x0], $0xffff  }
0x377: {  	v1 =	vadd.f32 v8, v1;
	v8 =	vld.idx.msk [tilespmem:v48+s11+$0x0], $0xffff  }
0x378: {  	v0 =	vadd.f32 v9, v0;
	v9 =	vld.idx.msk [tilespmem:v12+s11+$0x0], $0xffff  }
0x379: {  	v2 =	vadd.f32 v11, v2;
	v11 =	vld.idx.msk [tilespmem:v12+s10+$0x0], $0xffff  }
0x37a: {  	v12 =	vld [tilespmem:$0x1FB10]  }
0x37b: {  	v3 =	vadd.f32 v6, v3;
	v6 =	vld.idx.msk [tilespmem:v51+s10+$0x0], $0xffff  }
0x37c: {  	v4 =	vadd.f32 v7, v4;
	v7 =	vld.idx.msk [tilespmem:v51+s11+$0x0], $0xffff  }
0x37d: {  	v5 =	vadd.f32 v10, v5;
	v10 =	vld.idx.msk [tilespmem:v45+s10+$0x0], $0xffff  }
0x37e: {  	v1 =	vadd.f32 v8, v1;
	v8 =	vld.idx.msk [tilespmem:v45+s11+$0x0], $0xffff;
	_ =	sdelay $0x1  }
0x37f: {  	v3 =	vadd.f32 v6, v3;
	v6 =	vld.idx.msk [tilespmem:v34+s10+$0x0], $0xffff  }
0x380: {  	v4 =	vadd.f32 v7, v4;
	v7 =	vld.idx.msk [tilespmem:v34+s11+$0x0], $0xffff  }
0x381: {  	v5 =	vadd.f32 v10, v5;
	v10 =	vld.idx.msk [tilespmem:v12+s10+$0x0], $0xffff  }
0x382: {  	v1 =	vadd.f32 v8, v1;
	v8 =	vld.idx.msk [tilespmem:v12+s11+$0x0], $0xffff  }
0x383: {  	v12 =	vld [tilespmem:$0x1FB20];
	_ =	sdelay $0x2  }
0x384: {  	v3 =	vadd.f32 v6, v3;
	v6 =	vld.idx.msk [tilespmem:v44+s10+$0x0], $0xffff  }
0x385: {  	v4 =	vadd.f32 v7, v4;
	v7 =	vld.idx.msk [tilespmem:v44+s11+$0x0], $0xffff;
	_ =	sdelay $0x3  }
0x386: {  	v3 =	vadd.f32 v6, v3;
	v6 =	vld.idx.msk [tilespmem:v12+s10+$0x0], $0xffff  }
0x387: {  	v4 =	vadd.f32 v7, v4;
	v7 =	vld.idx.msk [tilespmem:v12+s11+$0x0], $0xffff  }
0x388: {  	v12 =	vld [tilespmem:$0x1FB30];
	_ =	sdelay $0x7  }
0x389: {  	v2 =	vadd.f32 v11, v2;
	v11 =	vld.idx.msk [tilespmem:v12+s10+$0x0], $0xffff  }
0x38a: {  	v0 =	vadd.f32 v9, v0;
	v9 =	vld.idx.msk [tilespmem:v12+s11+$0x0], $0xffff  }
0x38b: {  	v12 =	vld [tilespmem:$0x1FB40];
	_ =	sdelay $0x7  }
0x38c: {  	v5 =	vadd.f32 v10, v5;
	v10 =	vld.idx.msk [tilespmem:v12+s10+$0x0], $0xffff  }
0x38d: {  	v1 =	vadd.f32 v8, v1;
	v8 =	vld.idx.msk [tilespmem:v12+s11+$0x0], $0xffff  }
0x38e: {  	v12 =	vld [tilespmem:$0x1FB50];
	_ =	sdelay $0x7  }
0x38f: {  	v3 =	vadd.f32 v6, v3;
	v6 =	vld.idx.msk [tilespmem:v12+s10+$0x0], $0xffff  }
0x390: {  	v4 =	vadd.f32 v7, v4;
	v7 =	vld.idx.msk [tilespmem:v12+s11+$0x0], $0xffff  }
0x391: {  	v12 =	vld [tilespmem:$0x1FB60];
	_ =	sdelay $0x7  }
0x392: {  	v2 =	vadd.f32 v11, v2;
	v11 =	vld.idx.msk [tilespmem:v12+s10+$0x0], $0xffff  }
0x393: {  	v0 =	vadd.f32 v9, v0;
	v9 =	vld.idx.msk [tilespmem:v12+s11+$0x0], $0xffff  }
0x394: {  	v12 =	vld [tilespmem:$0x1FB70];
	_ =	sdelay $0x7  }
0x395: {  	v5 =	vadd.f32 v10, v5;
	v10 =	vld.idx.msk [tilespmem:v12+s10+$0x0], $0xffff  }
0x396: {  	v1 =	vadd.f32 v8, v1;
	v8 =	vld.idx.msk [tilespmem:v12+s11+$0x0], $0xffff  }
0x397: {  	v12 =	vld [tilespmem:$0x1FB80];
	_ =	sdelay $0x7  }
0x398: {  	v3 =	vadd.f32 v6, v3;
	v6 =	vld.idx.msk [tilespmem:v12+s10+$0x0], $0xffff  }
0x399: {  	v4 =	vadd.f32 v7, v4;
	v7 =	vld.idx.msk [tilespmem:v12+s11+$0x0], $0xffff  }
0x39a: {  	v12 =	vld [tilespmem:$0x1FB90];
	_ =	sdelay $0x3  }
0x39b: {  	v58 =	vld [tilespmem:$0x1FFF0]  }
0x39c: {  	v15 =	vld.idx.msk [tilespmem:v49+s10+$0x0], $0xffff  }
0x39d: {  	v53 =	vld [tilespmem:$0x1FFB0]  }
0x39e: {  	v29 =	vor.u32 s21, v18;
	v28 =	vor.u32 s23, v18;
	v21 =	vor.u32 s25, v18;
	v18 =	vld.idx.msk [tilespmem:v49+s11+$0x0], $0xffff  }
0x39f: {  	v0 =	vadd.f32 v9, v0;
	v9 =	vld.idx.msk [tilespmem:v12+s11+$0x0], $0xffff  }
0x3a0: {  	v5 =	vadd.f32 v10, v5;
	v10 =	vld.idx.msk [tilespmem:v25+s10+$0x0], $0xffff  }
0x3a1: {  	v1 =	vadd.f32 v8, v1;
	v8 =	vld.idx.msk [tilespmem:v25+s11+$0x0], $0xffff  }
0x3a2: {  	v19 =	vld.idx.msk [tilespmem:v52+s11+$0x0], $0xffff  }
0x3a3: {  	v14 =	vld.idx.msk [tilespmem:v47+s10+$0x0], $0xffff  }
0x3a4: {  	v0 =	vadd.f32 v9, v0;
	v9 =	vld.idx.msk [tilespmem:v24+s11+$0x0], $0xffff  }
0x3a5: {  	v5 =	vadd.f32 v10, v5;
	v10 =	vld.idx.msk [tilespmem:v23+s10+$0x0], $0xffff  }
0x3a6: {  	v1 =	vadd.f32 v8, v1;
	v8 =	vld.idx.msk [tilespmem:v23+s11+$0x0], $0xffff  }
0x3a7: {  	v2 =	vadd.f32 v11, v2;
	v11 =	vld.idx.msk [tilespmem:v12+s10+$0x0], $0xffff  }
0x3a8: {  	v4 =	vadd.f32 v7, v4;
	v7 =	vld.idx.msk [tilespmem:v22+s11+$0x0], $0xffff  }
0x3a9: {  	v0 =	vadd.f32 v9, v0;
	v9 =	vld.idx.msk [tilespmem:v26+s11+$0x0], $0xffff  }
0x3aa: {  	v3 =	vadd.f32 v6, v3;
	v6 =	vld.idx.msk [tilespmem:v22+s10+$0x0], $0xffff  }
0x3ab: {  	v5 =	vadd.f32 v10, v5;
	v10 =	vld.idx.msk [tilespmem:v50+s10+$0x0], $0xffff  }
0x3ac: {  	v2 =	vadd.f32 v11, v2;
	v11 =	vld.idx.msk [tilespmem:v24+s10+$0x0], $0xffff  }
0x3ad: {  	v4 =	vadd.f32 v7, v4;
	v7 =	vld.idx.msk [tilespmem:v27+s11+$0x0], $0xffff  }
0x3ae: {  	v58 =	vor.u32 s25, v58;
	v16 =	vadd.f32 v9, v0;
	v0 =	vld [tilespmem:$0x1FBA0]  }
0x3af: {  	v1 =	vadd.f32 v8, v1;
	v8 =	vld.idx.msk [tilespmem:v50+s11+$0x0], $0xffff  }
0x3b0: {  	v3 =	vadd.f32 v6, v3;
	v6 =	vld.idx.msk [tilespmem:v27+s10+$0x0], $0xffff  }
0x3b1: {  	v2 =	vadd.f32 v11, v2;
	v11 =	vld.idx.msk [tilespmem:v26+s10+$0x0], $0xffff  }
0x3b2: {  	s22 =	sadd.s32 $0x4, s22;
	v4 =	vadd.f32 v7, v4;
	v7 =	vld.idx.msk [tilespmem:v47+s11+$0x0], $0xffff  }
0x3b3: {  	p0 =	slt.u32 s22, $0x3C;
	v35 =	vld.idx.msk [tilespmem:v58+s11+$0x0], $0xffff  }
.Ltmp3:
0x3b4: {  	v57 =	vld [tilespmem:$0x1FF20];
	(pc) =	sbr.rel @p0 .LBB2_8-.Ltmp3, $4  }
0x3b5: {  	v12 =	vadd.f32 v8, v1;
	v8 =	vld.idx.msk [tilespmem:v58+s10+$0x0], $0xffff;
	v13 =	vadd.f32 v6, v3  }
0x3b6: {  	v6 =	vadd.f32 v10, v5;
	v2 =	vadd.f32 v11, v2;
	v3 =	vld.idx.msk [tilespmem:v0+s10+$0x0], $0xffff  }
0x3b7: {  	v11 =	vadd.f32 v14, v13;
	v9 =	vadd.f32 v7, v4;
	v10 =	vld.idx.msk [tilespmem:v0+s11+$0x0], $0xffff  }
0x3b8: {  	v17 =	vadd.f32 v15, v2;
	v18 =	vadd.f32 v18, v16;
	v0 =	vld.idx.msk [tilespmem:v52+s10+$0x0], $0xffff  }
0x3b9: {  	_ =	sdelay $0x3  }
0x3ba: {  	v1 =	vld.idx.msk [tilespmem:v29+s10+$0x0], $0xffff  }
0x3bb: {  	v2 =	vld.idx.msk [tilespmem:v29+s11+$0x0], $0xffff  }
0x3bc: {  	v4 =	vld.idx.msk [tilespmem:v28+s10+$0x0], $0xffff  }
0x3bd: {  	v5 =	vld.idx.msk [tilespmem:v28+s11+$0x0], $0xffff;
	v0 =	vadd.f32 v0, v17  }
0x3be: {  	v7 =	vld.idx.msk [tilespmem:v21+s10+$0x0], $0xffff;
	v13 =	vadd.f32 v19, v18  }
0x3bf: {  	v63 =	vld.idx.msk [tilespmem:v21+s11+$0x0], $0xffff;
	v3 =	vadd.f32 v3, v6;
	v0 =	vadd.f32 v1, v0  }
0x3c0: {  	v2 =	vadd.f32 v2, v13;
	v1 =	vadd.f32 v10, v12  }
0x3c1: {  	v8 =	vadd.f32 v8, v11;
	[tilespmem:s20+$0xFFFFFFE0] =	vst v0;
	v0 =	vadd.f32 v4, v3  }
0x3c2: {  	v3 =	vadd.f32 v35, v9;
	v1 =	vadd.f32 v5, v1;
	[tilespmem:s19+$0xFFFFFFE0] =	vst v2  }
0x3c3: {  	[tilespmem:s20+$0xFFFFFFF0] =	vst v0;
	v0 =	vadd.f32 v7, v8  }
0x3c4: {  	[tilespmem:s19+$0xFFFFFFF0] =	vst v1;
	v1 =	vadd.f32 v63, v3  }
0x3c5: {  	[tilespmem:s20+$0x0] =	vst v0  }
0x3c6: {  	[tilespmem:s19+$0x0] =	vst v1  }
0x3c7: {  	[hbm4b:s5+s13] =	stream.strided.scatter [tilespmem:s15], [sflag:$0x3], $0x400, s14, s13, $0x38;
	[tilespmem:$0x10800] =	vst v63  }
0x3c8: {  	s18 =	sadd.s32 $0x1, s18;
	_ =	swait.ge [sflag:s16], $0x400  }
0x3c9: {  	p0 =	sne.s32 s18, s7;
	[sflag:s16] =	ssyncset.done $0x0  }
.Ltmp4:
0x3ca: {  	[sflag:s16] =	ssyncadd.s32 $0xFFFFFC00;
	(pc) =	sbr.rel @p0 .LBB2_1-.Ltmp4, $4  }
0x3cb: {  	[hbm4b:s6+s13] =	stream.strided.scatter [tilespmem:s17], [sflag:$0x3], $0x400, s14, s13, $0x38;
	[tilespmem:$0x10800] =	vst v63  }
0x3cc: {  	_ =	swait.ge [sflag:s16], $0x400  }
0x3cd: {  	[sflag:s16] =	ssyncset.done $0x0  }
0x3ce: {  	v46 =	vlaneseq.u32;
	v2 =	vimm.f32 $1.000000000e+00;
	v1 =	vimm.f32 $0.0e+00;
	[sflag:s16] =	ssyncadd.s32 $0xFFFFFC00  }
0x3cf: {  	_ =	sfence.sel $0x180000  }
0x3d0: {  	[bflag:$0x0] =	sbarrier.arrive $0xFFFF  }
0x3d1: {  	p0 =	sne.s32 s1, $0x0;
	_ =	strace $0x90000047  }
0x3d2: {  	s0 =	sadd.s32 @!p0 $0x100000, s0;
	[bflag:$0x2] =	sbarrier.arrive $0xFFFF  }
0x3d3: {  	[sflag:s0] =	ssyncadd.tile.s32 @!p0 $0x1;
	_ =	shalt  }
.Lfunc_end2:
_tile_overlayer_lowered:
.L_overlay_start_2:
0x3d4: {  	(tag) =	ssettag $0x2  }
0x3d5: {  	s0 =	rddreg [dreg:$0x0];
	s2 =	stileid.u32  }
0x3d6: {  	s1 =	rddreg [dreg:$0x1];
	p0 =	sne.s32 s2, $0x0  }
0x3d7: {  	s3 =	rddreg [dreg:$0x2];
	[bflag:$0x3] =	sbarrier.arrive $0xFFFF;
	s2 =	simm.s32 @!p0 $0x1C03  }
0x3d8: {  	[timem:s3], [sflag:s2] =	dma.local @!p0 [hbm:s0], s1  }
0x3d9: {  	s0 =	simm.s32 @!p0 $0x3  }
0x3da: {  	_ =	swait.ge @!p0 [sflag:s0], s1  }
0x3db: {  	s1 =	ssub.s32 @!p0 $0x0, s1;
	[sflag:s0] =	ssyncset.done @!p0 $0x0  }
0x3dc: {  	[sflag:s0] =	ssyncadd.s32 @!p0 s1  }
0x3dd: {  	[bflag:$0x3] =	sbarrier.arrive $0xFFFF  }
0x3de: {  	_ =	shalt  }

</sc_bundles>
